<compile_context>
chip_gen: v7x
topology: tpu7x:2x2x1
jax: 0.10.2.dev20260603
libtpu: 0.0.44.dev20260713+nightly
codegen_flags: <defaults>
</compile_context>

<pallas_src>
import jax
import jax.numpy as jnp
from jax import lax
from jax.experimental import pallas as pl
from jax.experimental.pallas import tpu as pltpu
from jax.experimental.pallas import tpu_sc as plsc

B = 16
L = 2048
MARGIN = 0.1
LANES = 16
NSUB = 16
NCHUNK = L // 128


def _sc_body(scores_hbm, wr_hbm, out_hbm, idx_v, vals_v, acc_v, zidx_v,
             shared, red_v, out_v, sem, isem):
    sid = lax.axis_index("s")

    idx_copies = [
        pltpu.async_copy(wr_hbm.at[sid, pl.ds(g * 512, 512)],
                         idx_v.at[pl.ds(g * 512, 512)], isem)
        for g in range(4)
    ]
    copies = []
    for g in range(4):
        idx_copies[g].wait()
        copies += [
            pltpu.async_copy(scores_hbm.at[idx_v.at[pl.ds(i * 128, 128)]],
                             vals_v.at[i], sem)
            for i in range(g * 4, g * 4 + 4)
        ]

    zidx_v[...] = jnp.zeros((LANES,), jnp.int32)

    @pl.when(sid == 0)
    def _():
        out_v[...] = jnp.zeros((LANES,), jnp.float32)
        pltpu.sync_copy(out_v, shared.at[0])

    acc = jnp.zeros((LANES,), jnp.float32)
    top = 0.0
    for i in range(NCHUNK):
        copies[i].wait()
        if i == 0:
            top = vals_v[0, pl.ds(0, LANES)][0]
        for k in range(128 // LANES):
            x = vals_v[i, pl.ds(k * LANES, LANES)]
            acc = acc + jnp.maximum(x - top + MARGIN, 0.0)
    acc_v[0, pl.ds(0, LANES)] = acc

    plsc.subcore_barrier()
    pltpu.sync_copy(acc_v, shared.at[zidx_v.at[pl.ds(0, 1)]], add=True)
    plsc.subcore_barrier()

    @pl.when(sid == 0)
    def _():
        pltpu.sync_copy(shared.at[0], red_v)
        r = red_v[pl.ds(0, LANES)]
        s = (((r[0] + r[1]) + (r[2] + r[3])) + ((r[4] + r[5]) + (r[6] + r[7]))
             + (((r[8] + r[9]) + (r[10] + r[11]))
                + ((r[12] + r[13]) + (r[14] + r[15]))))
        y = (s - B * MARGIN) * (1.0 / (L - 1))
        out_v[...] = jnp.zeros((LANES,), jnp.float32) + y
        pltpu.sync_copy(out_v, out_hbm)


_mesh = plsc.VectorSubcoreMesh(core_axis_name="c", subcore_axis_name="s",
                               num_cores=1, num_subcores=NSUB)

_sc_call = pl.kernel(
    _sc_body,
    out_type=jax.ShapeDtypeStruct((LANES,), jnp.float32),
    mesh=_mesh,
    scratch_types=[
        pltpu.VMEM((L,), jnp.int32),
        pltpu.VMEM((NCHUNK, 128), jnp.float32),
        pltpu.VMEM((1, LANES), jnp.float32),
        pltpu.VMEM((LANES,), jnp.int32),
        pltpu.VMEM_SHARED((1, LANES), jnp.float32),
        pltpu.VMEM((LANES,), jnp.float32),
        pltpu.VMEM((LANES,), jnp.float32),
        pltpu.SemaphoreType.DMA,
        pltpu.SemaphoreType.DMA,
    ],
    name="self_margin_loss_sc",
)


@jax.jit
def kernel(scores, nBestIndex, werRank):
    del nBestIndex
    return _sc_call(scores, werRank)[:1]

# --- scband reference (transcript-rebuilt; emitter-appended) ---
"""Pipeline reference for scband-self-margin-loss-8890582302786 (READ-ONLY COPY).

The authoritative reference and input builder live on the scoring server;
editing this copy changes nothing except your own understanding.
"""

import jax, jax.numpy as jnp
import numpy as np

B = 16
L = 2048
TOTAL = 32768
MARGIN = 0.1


def setup_inputs(seed: int = 0) -> dict:
    key = jax.random.key(seed)
    k1, k2, k3 = jax.random.split(key, 3)
    scores = jax.random.normal(k1, (TOTAL,), dtype=jnp.float32)
    nBestIndex = jax.random.randint(k2, (B,), 0, L, dtype=jnp.int32)
    werRank = jax.random.randint(k3, (B, L), 0, TOTAL, dtype=jnp.int32)
    return {"scores": scores, "nBestIndex": nBestIndex, "werRank": werRank}


def reference(scores, nBestIndex, werRank):
    # Faithful to selfMarginLoss with useTopOnly=True, reduction='mean'.
    # NOTE: in the original torch code, start_index is never incremented in the
    # top_only branch (it is only updated in the else branch), so every
    # utterance indexes scores with start_index == 0. We preserve that.
    # Per utterance b:
    #   compare = scores[rank[1:]] - scores[rank[0]] + margin
    #   loss_b  = sum(compare[compare > 0]) / (L - 1)
    # final = sum_b loss_b
    gathered = jnp.take(scores, werRank, axis=0)            # [B, L] gather
    compare = gathered[:, 1:] - gathered[:, 0:1] + MARGIN   # [B, L-1]
    hinge = jnp.where(compare > 0, compare, 0.0)            # masked sum == sum of positives
    loss_per = jnp.sum(hinge, axis=1) / (werRank.shape[1] - 1)
    final_loss = jnp.sum(loss_per)
    return jnp.reshape(final_loss, (1,))

if __name__ == "__main__":
    import jax
    _d = setup_inputs()
    print(jax.jit(kernel)(*tuple(_d.values())))

</pallas_src>

<mosaic_0001>
#map = affine_map<(d0, d1) -> (0)>
#map1 = affine_map<(d0, d1) -> (0, 0)>
module attributes {stable_mosaic.version = 14 : i64} {
  func.func @self_margin_loss_sc(%arg0: i32, %arg1: i32, %arg2: memref<32768xf32, #tpu.memory_space<hbm>>, %arg3: memref<16x2048xi32, #tpu.memory_space<hbm>>, %arg4: memref<16xf32, #tpu.memory_space<hbm>>, %arg5: memref<2048xi32, #tpu.memory_space<vmem>>, %arg6: memref<16x128xf32, #tpu.memory_space<vmem>>, %arg7: memref<1x16xf32, #tpu.memory_space<vmem>>, %arg8: memref<16xi32, #tpu.memory_space<vmem>>, %arg9: memref<1x16xf32, #tpu.memory_space<vmem_shared>>, %arg10: memref<16xf32, #tpu.memory_space<vmem>>, %arg11: memref<16xf32, #tpu.memory_space<vmem>>, %arg12: memref<!tpu.dma_semaphore, #tpu.memory_space<semaphore_mem>>, %arg13: memref<!tpu.dma_semaphore, #tpu.memory_space<semaphore_mem>>) attributes {dimension_semantics = [#tpu.dimension_semantics<core_parallel>, #tpu.dimension_semantics<subcore_parallel>], iteration_bounds = array<i64: 1, 16>, scalar_prefetch = 0 : i64, scratch_operands = 9 : i64, tpu.core_type = #tpu.core_type<sc_vector_subcore>, window_params = [{transform_indices = #map}, {transform_indices = #map1}, {transform_indices = #map}]} {
    %dma_start3A = arith.constant 0 : i32
    %dma_start3A_0 = tpu.memref_slice %arg5[%dma_start3A] : memref<2048xi32, #tpu.memory_space<vmem>> -> memref<512xi32, #tpu.memory_space<vmem>>
    %dma_start3A_1 = arith.constant 0 : i32
    %dma_start3A_2 = tpu.memref_slice %arg3[%arg1, %dma_start3A_1] : memref<16x2048xi32, #tpu.memory_space<hbm>> -> memref<1x512xi32, #tpu.memory_space<hbm>>
    %dma_start3A_3 = tpu.memref_squeeze %dma_start3A_2 : memref<1x512xi32, #tpu.memory_space<hbm>> -> memref<512xi32, #tpu.memory_space<hbm>>
    %dma_start3A_4 = arith.constant 0 : i32
    %dma_start3A_5 = tpu.memref_slice %arg5[%dma_start3A_4] : memref<2048xi32, #tpu.memory_space<vmem>> -> memref<512xi32, #tpu.memory_space<vmem>>
    %dma_start3A_6 = arith.constant 0 : i32
    %dma_start3A_7 = tpu.memref_slice %arg3[%arg1, %dma_start3A_6] : memref<16x2048xi32, #tpu.memory_space<hbm>> -> memref<1x512xi32, #tpu.memory_space<hbm>>
    %dma_start3A_8 = tpu.memref_squeeze %dma_start3A_7 : memref<1x512xi32, #tpu.memory_space<hbm>> -> memref<512xi32, #tpu.memory_space<hbm>>
    tpu.enqueue_dma source(%dma_start3A_8 : memref<512xi32, #tpu.memory_space<hbm>>) target(%dma_start3A_5 : memref<512xi32, #tpu.memory_space<vmem>>) target_semaphore(%arg13 : memref<!tpu.dma_semaphore, #tpu.memory_space<semaphore_mem>>)
    %dma_start3A_9 = arith.constant 512 : i32
    %dma_start3A_10 = tpu.memref_slice %arg5[%dma_start3A_9] : memref<2048xi32, #tpu.memory_space<vmem>> -> memref<512xi32, #tpu.memory_space<vmem>>
    %dma_start3A_11 = arith.constant 512 : i32
    %dma_start3A_12 = tpu.memref_slice %arg3[%arg1, %dma_start3A_11] : memref<16x2048xi32, #tpu.memory_space<hbm>> -> memref<1x512xi32, #tpu.memory_space<hbm>>
    %dma_start3A_13 = tpu.memref_squeeze %dma_start3A_12 : memref<1x512xi32, #tpu.memory_space<hbm>> -> memref<512xi32, #tpu.memory_space<hbm>>
    %dma_start3A_14 = arith.constant 512 : i32
    %dma_start3A_15 = tpu.memref_slice %arg5[%dma_start3A_14] : memref<2048xi32, #tpu.memory_space<vmem>> -> memref<512xi32, #tpu.memory_space<vmem>>
    %dma_start3A_16 = arith.constant 512 : i32
    %dma_start3A_17 = tpu.memref_slice %arg3[%arg1, %dma_start3A_16] : memref<16x2048xi32, #tpu.memory_space<hbm>> -> memref<1x512xi32, #tpu.memory_space<hbm>>
    %dma_start3A_18 = tpu.memref_squeeze %dma_start3A_17 : memref<1x512xi32, #tpu.memory_space<hbm>> -> memref<512xi32, #tpu.memory_space<hbm>>
    tpu.enqueue_dma source(%dma_start3A_18 : memref<512xi32, #tpu.memory_space<hbm>>) target(%dma_start3A_15 : memref<512xi32, #tpu.memory_space<vmem>>) target_semaphore(%arg13 : memref<!tpu.dma_semaphore, #tpu.memory_space<semaphore_mem>>)
    %dma_start3A_19 = arith.constant 1024 : i32
    %dma_start3A_20 = tpu.memref_slice %arg5[%dma_start3A_19] : memref<2048xi32, #tpu.memory_space<vmem>> -> memref<512xi32, #tpu.memory_space<vmem>>
    %dma_start3A_21 = arith.constant 1024 : i32
    %dma_start3A_22 = tpu.memref_slice %arg3[%arg1, %dma_start3A_21] : memref<16x2048xi32, #tpu.memory_space<hbm>> -> memref<1x512xi32, #tpu.memory_space<hbm>>
    %dma_start3A_23 = tpu.memref_squeeze %dma_start3A_22 : memref<1x512xi32, #tpu.memory_space<hbm>> -> memref<512xi32, #tpu.memory_space<hbm>>
    %dma_start3A_24 = arith.constant 1024 : i32
    %dma_start3A_25 = tpu.memref_slice %arg5[%dma_start3A_24] : memref<2048xi32, #tpu.memory_space<vmem>> -> memref<512xi32, #tpu.memory_space<vmem>>
    %dma_start3A_26 = arith.constant 1024 : i32
    %dma_start3A_27 = tpu.memref_slice %arg3[%arg1, %dma_start3A_26] : memref<16x2048xi32, #tpu.memory_space<hbm>> -> memref<1x512xi32, #tpu.memory_space<hbm>>
    %dma_start3A_28 = tpu.memref_squeeze %dma_start3A_27 : memref<1x512xi32, #tpu.memory_space<hbm>> -> memref<512xi32, #tpu.memory_space<hbm>>
    tpu.enqueue_dma source(%dma_start3A_28 : memref<512xi32, #tpu.memory_space<hbm>>) target(%dma_start3A_25 : memref<512xi32, #tpu.memory_space<vmem>>) target_semaphore(%arg13 : memref<!tpu.dma_semaphore, #tpu.memory_space<semaphore_mem>>)
    %dma_start3A_29 = arith.constant 1536 : i32
    %dma_start3A_30 = tpu.memref_slice %arg5[%dma_start3A_29] : memref<2048xi32, #tpu.memory_space<vmem>> -> memref<512xi32, #tpu.memory_space<vmem>>
    %dma_start3A_31 = arith.constant 1536 : i32
    %dma_start3A_32 = tpu.memref_slice %arg3[%arg1, %dma_start3A_31] : memref<16x2048xi32, #tpu.memory_space<hbm>> -> memref<1x512xi32, #tpu.memory_space<hbm>>
    %dma_start3A_33 = tpu.memref_squeeze %dma_start3A_32 : memref<1x512xi32, #tpu.memory_space<hbm>> -> memref<512xi32, #tpu.memory_space<hbm>>
    %dma_start3A_34 = arith.constant 1536 : i32
    %dma_start3A_35 = tpu.memref_slice %arg5[%dma_start3A_34] : memref<2048xi32, #tpu.memory_space<vmem>> -> memref<512xi32, #tpu.memory_space<vmem>>
    %dma_start3A_36 = arith.constant 1536 : i32
    %dma_start3A_37 = tpu.memref_slice %arg3[%arg1, %dma_start3A_36] : memref<16x2048xi32, #tpu.memory_space<hbm>> -> memref<1x512xi32, #tpu.memory_space<hbm>>
    %dma_start3A_38 = tpu.memref_squeeze %dma_start3A_37 : memref<1x512xi32, #tpu.memory_space<hbm>> -> memref<512xi32, #tpu.memory_space<hbm>>
    tpu.enqueue_dma source(%dma_start3A_38 : memref<512xi32, #tpu.memory_space<hbm>>) target(%dma_start3A_35 : memref<512xi32, #tpu.memory_space<vmem>>) target_semaphore(%arg13 : memref<!tpu.dma_semaphore, #tpu.memory_space<semaphore_mem>>)
    %dma_wait3A = arith.constant 0 : i32
    %dma_wait3A_39 = tpu.memref_slice %arg5[%dma_wait3A] : memref<2048xi32, #tpu.memory_space<vmem>> -> memref<512xi32, #tpu.memory_space<vmem>>
    %dma_wait3A_40 = arith.constant 0 : i32
    %dma_wait3A_41 = tpu.memref_slice %arg3[%arg1, %dma_wait3A_40] : memref<16x2048xi32, #tpu.memory_space<hbm>> -> memref<1x512xi32, #tpu.memory_space<hbm>>
    %dma_wait3A_42 = tpu.memref_squeeze %dma_wait3A_41 : memref<1x512xi32, #tpu.memory_space<hbm>> -> memref<512xi32, #tpu.memory_space<hbm>>
    %dma_wait3A_43 = arith.constant 0 : i32
    %dma_wait3A_44 = tpu.memref_slice %arg5[%dma_wait3A_43] : memref<2048xi32, #tpu.memory_space<vmem>> -> memref<512xi32, #tpu.memory_space<vmem>>
    %dma_wait3A_45 = arith.constant 0 : i32
    %dma_wait3A_46 = tpu.memref_slice %arg3[%arg1, %dma_wait3A_45] : memref<16x2048xi32, #tpu.memory_space<hbm>> -> memref<1x512xi32, #tpu.memory_space<hbm>>
    %dma_wait3A_47 = tpu.memref_squeeze %dma_wait3A_46 : memref<1x512xi32, #tpu.memory_space<hbm>> -> memref<512xi32, #tpu.memory_space<hbm>>
    tpu.wait_dma2 semaphore(%arg13 : memref<!tpu.dma_semaphore, #tpu.memory_space<semaphore_mem>>) src(%dma_wait3A_47 : memref<512xi32, #tpu.memory_space<hbm>>) dst(%dma_wait3A_44 : memref<512xi32, #tpu.memory_space<vmem>>)
    %dma_start3A_48 = arith.constant 0 : i32
    %dma_start3A_49 = arith.constant 0 : i32
    %dma_start3A_50 = tpu.memref_slice %arg6[%dma_start3A_48, %dma_start3A_49] : memref<16x128xf32, #tpu.memory_space<vmem>> -> memref<1x128xf32, #tpu.memory_space<vmem>>
    %dma_start3A_51 = tpu.memref_squeeze %dma_start3A_50 : memref<1x128xf32, #tpu.memory_space<vmem>> -> memref<128xf32, #tpu.memory_space<vmem>>
    %dma_start3A_52 = arith.constant 0 : i32
    %dma_start3A_53 = tpu.memref_slice %arg5[%dma_start3A_52] : memref<2048xi32, #tpu.memory_space<vmem>> -> memref<128xi32, #tpu.memory_space<vmem>>
    %dma_start3A_54 = arith.constant 0 : i32
    %dma_start3A_55 = tpu.memref_slice %arg2[%dma_start3A_54] : memref<32768xf32, #tpu.memory_space<hbm>> -> memref<32768xf32, #tpu.memory_space<hbm>>
    tpu.enqueue_indirect_dma source(%dma_start3A_55 : memref<32768xf32, #tpu.memory_space<hbm>>) target(%dma_start3A_51 : memref<128xf32, #tpu.memory_space<vmem>>) offsets(%dma_start3A_53 : memref<128xi32, #tpu.memory_space<vmem>>) semaphore(%arg12 : memref<!tpu.dma_semaphore, #tpu.memory_space<semaphore_mem>>)
    %dma_start3A_56 = arith.constant 1 : i32
    %dma_start3A_57 = arith.constant 0 : i32
    %dma_start3A_58 = tpu.memref_slice %arg6[%dma_start3A_56, %dma_start3A_57] : memref<16x128xf32, #tpu.memory_space<vmem>> -> memref<1x128xf32, #tpu.memory_space<vmem>>
    %dma_start3A_59 = tpu.memref_squeeze %dma_start3A_58 : memref<1x128xf32, #tpu.memory_space<vmem>> -> memref<128xf32, #tpu.memory_space<vmem>>
    %dma_start3A_60 = arith.constant 128 : i32
    %dma_start3A_61 = tpu.memref_slice %arg5[%dma_start3A_60] : memref<2048xi32, #tpu.memory_space<vmem>> -> memref<128xi32, #tpu.memory_space<vmem>>
    %dma_start3A_62 = arith.constant 0 : i32
    %dma_start3A_63 = tpu.memref_slice %arg2[%dma_start3A_62] : memref<32768xf32, #tpu.memory_space<hbm>> -> memref<32768xf32, #tpu.memory_space<hbm>>
    tpu.enqueue_indirect_dma source(%dma_start3A_63 : memref<32768xf32, #tpu.memory_space<hbm>>) target(%dma_start3A_59 : memref<128xf32, #tpu.memory_space<vmem>>) offsets(%dma_start3A_61 : memref<128xi32, #tpu.memory_space<vmem>>) semaphore(%arg12 : memref<!tpu.dma_semaphore, #tpu.memory_space<semaphore_mem>>)
    %dma_start3A_64 = arith.constant 2 : i32
    %dma_start3A_65 = arith.constant 0 : i32
    %dma_start3A_66 = tpu.memref_slice %arg6[%dma_start3A_64, %dma_start3A_65] : memref<16x128xf32, #tpu.memory_space<vmem>> -> memref<1x128xf32, #tpu.memory_space<vmem>>
    %dma_start3A_67 = tpu.memref_squeeze %dma_start3A_66 : memref<1x128xf32, #tpu.memory_space<vmem>> -> memref<128xf32, #tpu.memory_space<vmem>>
    %dma_start3A_68 = arith.constant 256 : i32
    %dma_start3A_69 = tpu.memref_slice %arg5[%dma_start3A_68] : memref<2048xi32, #tpu.memory_space<vmem>> -> memref<128xi32, #tpu.memory_space<vmem>>
    %dma_start3A_70 = arith.constant 0 : i32
    %dma_start3A_71 = tpu.memref_slice %arg2[%dma_start3A_70] : memref<32768xf32, #tpu.memory_space<hbm>> -> memref<32768xf32, #tpu.memory_space<hbm>>
    tpu.enqueue_indirect_dma source(%dma_start3A_71 : memref<32768xf32, #tpu.memory_space<hbm>>) target(%dma_start3A_67 : memref<128xf32, #tpu.memory_space<vmem>>) offsets(%dma_start3A_69 : memref<128xi32, #tpu.memory_space<vmem>>) semaphore(%arg12 : memref<!tpu.dma_semaphore, #tpu.memory_space<semaphore_mem>>)
    %dma_start3A_72 = arith.constant 3 : i32
    %dma_start3A_73 = arith.constant 0 : i32
    %dma_start3A_74 = tpu.memref_slice %arg6[%dma_start3A_72, %dma_start3A_73] : memref<16x128xf32, #tpu.memory_space<vmem>> -> memref<1x128xf32, #tpu.memory_space<vmem>>
    %dma_start3A_75 = tpu.memref_squeeze %dma_start3A_74 : memref<1x128xf32, #tpu.memory_space<vmem>> -> memref<128xf32, #tpu.memory_space<vmem>>
    %dma_start3A_76 = arith.constant 384 : i32
    %dma_start3A_77 = tpu.memref_slice %arg5[%dma_start3A_76] : memref<2048xi32, #tpu.memory_space<vmem>> -> memref<128xi32, #tpu.memory_space<vmem>>
    %dma_start3A_78 = arith.constant 0 : i32
    %dma_start3A_79 = tpu.memref_slice %arg2[%dma_start3A_78] : memref<32768xf32, #tpu.memory_space<hbm>> -> memref<32768xf32, #tpu.memory_space<hbm>>
    tpu.enqueue_indirect_dma source(%dma_start3A_79 : memref<32768xf32, #tpu.memory_space<hbm>>) target(%dma_start3A_75 : memref<128xf32, #tpu.memory_space<vmem>>) offsets(%dma_start3A_77 : memref<128xi32, #tpu.memory_space<vmem>>) semaphore(%arg12 : memref<!tpu.dma_semaphore, #tpu.memory_space<semaphore_mem>>)
    %dma_wait3A_80 = arith.constant 512 : i32
    %dma_wait3A_81 = tpu.memref_slice %arg5[%dma_wait3A_80] : memref<2048xi32, #tpu.memory_space<vmem>> -> memref<512xi32, #tpu.memory_space<vmem>>
    %dma_wait3A_82 = arith.constant 512 : i32
    %dma_wait3A_83 = tpu.memref_slice %arg3[%arg1, %dma_wait3A_82] : memref<16x2048xi32, #tpu.memory_space<hbm>> -> memref<1x512xi32, #tpu.memory_space<hbm>>
    %dma_wait3A_84 = tpu.memref_squeeze %dma_wait3A_83 : memref<1x512xi32, #tpu.memory_space<hbm>> -> memref<512xi32, #tpu.memory_space<hbm>>
    %dma_wait3A_85 = arith.constant 512 : i32
    %dma_wait3A_86 = tpu.memref_slice %arg5[%dma_wait3A_85] : memref<2048xi32, #tpu.memory_space<vmem>> -> memref<512xi32, #tpu.memory_space<vmem>>
    %dma_wait3A_87 = arith.constant 512 : i32
    %dma_wait3A_88 = tpu.memref_slice %arg3[%arg1, %dma_wait3A_87] : memref<16x2048xi32, #tpu.memory_space<hbm>> -> memref<1x512xi32, #tpu.memory_space<hbm>>
    %dma_wait3A_89 = tpu.memref_squeeze %dma_wait3A_88 : memref<1x512xi32, #tpu.memory_space<hbm>> -> memref<512xi32, #tpu.memory_space<hbm>>
    tpu.wait_dma2 semaphore(%arg13 : memref<!tpu.dma_semaphore, #tpu.memory_space<semaphore_mem>>) src(%dma_wait3A_89 : memref<512xi32, #tpu.memory_space<hbm>>) dst(%dma_wait3A_86 : memref<512xi32, #tpu.memory_space<vmem>>)
    %dma_start3A_90 = arith.constant 4 : i32
    %dma_start3A_91 = arith.constant 0 : i32
    %dma_start3A_92 = tpu.memref_slice %arg6[%dma_start3A_90, %dma_start3A_91] : memref<16x128xf32, #tpu.memory_space<vmem>> -> memref<1x128xf32, #tpu.memory_space<vmem>>
    %dma_start3A_93 = tpu.memref_squeeze %dma_start3A_92 : memref<1x128xf32, #tpu.memory_space<vmem>> -> memref<128xf32, #tpu.memory_space<vmem>>
    %dma_start3A_94 = arith.constant 512 : i32
    %dma_start3A_95 = tpu.memref_slice %arg5[%dma_start3A_94] : memref<2048xi32, #tpu.memory_space<vmem>> -> memref<128xi32, #tpu.memory_space<vmem>>
    %dma_start3A_96 = arith.constant 0 : i32
    %dma_start3A_97 = tpu.memref_slice %arg2[%dma_start3A_96] : memref<32768xf32, #tpu.memory_space<hbm>> -> memref<32768xf32, #tpu.memory_space<hbm>>
    tpu.enqueue_indirect_dma source(%dma_start3A_97 : memref<32768xf32, #tpu.memory_space<hbm>>) target(%dma_start3A_93 : memref<128xf32, #tpu.memory_space<vmem>>) offsets(%dma_start3A_95 : memref<128xi32, #tpu.memory_space<vmem>>) semaphore(%arg12 : memref<!tpu.dma_semaphore, #tpu.memory_space<semaphore_mem>>)
    %dma_start3A_98 = arith.constant 5 : i32
    %dma_start3A_99 = arith.constant 0 : i32
    %dma_start3A_100 = tpu.memref_slice %arg6[%dma_start3A_98, %dma_start3A_99] : memref<16x128xf32, #tpu.memory_space<vmem>> -> memref<1x128xf32, #tpu.memory_space<vmem>>
    %dma_start3A_101 = tpu.memref_squeeze %dma_start3A_100 : memref<1x128xf32, #tpu.memory_space<vmem>> -> memref<128xf32, #tpu.memory_space<vmem>>
    %dma_start3A_102 = arith.constant 640 : i32
    %dma_start3A_103 = tpu.memref_slice %arg5[%dma_start3A_102] : memref<2048xi32, #tpu.memory_space<vmem>> -> memref<128xi32, #tpu.memory_space<vmem>>
    %dma_start3A_104 = arith.constant 0 : i32
    %dma_start3A_105 = tpu.memref_slice %arg2[%dma_start3A_104] : memref<32768xf32, #tpu.memory_space<hbm>> -> memref<32768xf32, #tpu.memory_space<hbm>>
    tpu.enqueue_indirect_dma source(%dma_start3A_105 : memref<32768xf32, #tpu.memory_space<hbm>>) target(%dma_start3A_101 : memref<128xf32, #tpu.memory_space<vmem>>) offsets(%dma_start3A_103 : memref<128xi32, #tpu.memory_space<vmem>>) semaphore(%arg12 : memref<!tpu.dma_semaphore, #tpu.memory_space<semaphore_mem>>)
    %dma_start3A_106 = arith.constant 6 : i32
    %dma_start3A_107 = arith.constant 0 : i32
    %dma_start3A_108 = tpu.memref_slice %arg6[%dma_start3A_106, %dma_start3A_107] : memref<16x128xf32, #tpu.memory_space<vmem>> -> memref<1x128xf32, #tpu.memory_space<vmem>>
    %dma_start3A_109 = tpu.memref_squeeze %dma_start3A_108 : memref<1x128xf32, #tpu.memory_space<vmem>> -> memref<128xf32, #tpu.memory_space<vmem>>
    %dma_start3A_110 = arith.constant 768 : i32
    %dma_start3A_111 = tpu.memref_slice %arg5[%dma_start3A_110] : memref<2048xi32, #tpu.memory_space<vmem>> -> memref<128xi32, #tpu.memory_space<vmem>>
    %dma_start3A_112 = arith.constant 0 : i32
    %dma_start3A_113 = tpu.memref_slice %arg2[%dma_start3A_112] : memref<32768xf32, #tpu.memory_space<hbm>> -> memref<32768xf32, #tpu.memory_space<hbm>>
    tpu.enqueue_indirect_dma source(%dma_start3A_113 : memref<32768xf32, #tpu.memory_space<hbm>>) target(%dma_start3A_109 : memref<128xf32, #tpu.memory_space<vmem>>) offsets(%dma_start3A_111 : memref<128xi32, #tpu.memory_space<vmem>>) semaphore(%arg12 : memref<!tpu.dma_semaphore, #tpu.memory_space<semaphore_mem>>)
    %dma_start3A_114 = arith.constant 7 : i32
    %dma_start3A_115 = arith.constant 0 : i32
    %dma_start3A_116 = tpu.memref_slice %arg6[%dma_start3A_114, %dma_start3A_115] : memref<16x128xf32, #tpu.memory_space<vmem>> -> memref<1x128xf32, #tpu.memory_space<vmem>>
    %dma_start3A_117 = tpu.memref_squeeze %dma_start3A_116 : memref<1x128xf32, #tpu.memory_space<vmem>> -> memref<128xf32, #tpu.memory_space<vmem>>
    %dma_start3A_118 = arith.constant 896 : i32
    %dma_start3A_119 = tpu.memref_slice %arg5[%dma_start3A_118] : memref<2048xi32, #tpu.memory_space<vmem>> -> memref<128xi32, #tpu.memory_space<vmem>>
    %dma_start3A_120 = arith.constant 0 : i32
    %dma_start3A_121 = tpu.memref_slice %arg2[%dma_start3A_120] : memref<32768xf32, #tpu.memory_space<hbm>> -> memref<32768xf32, #tpu.memory_space<hbm>>
    tpu.enqueue_indirect_dma source(%dma_start3A_121 : memref<32768xf32, #tpu.memory_space<hbm>>) target(%dma_start3A_117 : memref<128xf32, #tpu.memory_space<vmem>>) offsets(%dma_start3A_119 : memref<128xi32, #tpu.memory_space<vmem>>) semaphore(%arg12 : memref<!tpu.dma_semaphore, #tpu.memory_space<semaphore_mem>>)
    %dma_wait3A_122 = arith.constant 1024 : i32
    %dma_wait3A_123 = tpu.memref_slice %arg5[%dma_wait3A_122] : memref<2048xi32, #tpu.memory_space<vmem>> -> memref<512xi32, #tpu.memory_space<vmem>>
    %dma_wait3A_124 = arith.constant 1024 : i32
    %dma_wait3A_125 = tpu.memref_slice %arg3[%arg1, %dma_wait3A_124] : memref<16x2048xi32, #tpu.memory_space<hbm>> -> memref<1x512xi32, #tpu.memory_space<hbm>>
    %dma_wait3A_126 = tpu.memref_squeeze %dma_wait3A_125 : memref<1x512xi32, #tpu.memory_space<hbm>> -> memref<512xi32, #tpu.memory_space<hbm>>
    %dma_wait3A_127 = arith.constant 1024 : i32
    %dma_wait3A_128 = tpu.memref_slice %arg5[%dma_wait3A_127] : memref<2048xi32, #tpu.memory_space<vmem>> -> memref<512xi32, #tpu.memory_space<vmem>>
    %dma_wait3A_129 = arith.constant 1024 : i32
    %dma_wait3A_130 = tpu.memref_slice %arg3[%arg1, %dma_wait3A_129] : memref<16x2048xi32, #tpu.memory_space<hbm>> -> memref<1x512xi32, #tpu.memory_space<hbm>>
    %dma_wait3A_131 = tpu.memref_squeeze %dma_wait3A_130 : memref<1x512xi32, #tpu.memory_space<hbm>> -> memref<512xi32, #tpu.memory_space<hbm>>
    tpu.wait_dma2 semaphore(%arg13 : memref<!tpu.dma_semaphore, #tpu.memory_space<semaphore_mem>>) src(%dma_wait3A_131 : memref<512xi32, #tpu.memory_space<hbm>>) dst(%dma_wait3A_128 : memref<512xi32, #tpu.memory_space<vmem>>)
    %dma_start3A_132 = arith.constant 8 : i32
    %dma_start3A_133 = arith.constant 0 : i32
    %dma_start3A_134 = tpu.memref_slice %arg6[%dma_start3A_132, %dma_start3A_133] : memref<16x128xf32, #tpu.memory_space<vmem>> -> memref<1x128xf32, #tpu.memory_space<vmem>>
    %dma_start3A_135 = tpu.memref_squeeze %dma_start3A_134 : memref<1x128xf32, #tpu.memory_space<vmem>> -> memref<128xf32, #tpu.memory_space<vmem>>
    %dma_start3A_136 = arith.constant 1024 : i32
    %dma_start3A_137 = tpu.memref_slice %arg5[%dma_start3A_136] : memref<2048xi32, #tpu.memory_space<vmem>> -> memref<128xi32, #tpu.memory_space<vmem>>
    %dma_start3A_138 = arith.constant 0 : i32
    %dma_start3A_139 = tpu.memref_slice %arg2[%dma_start3A_138] : memref<32768xf32, #tpu.memory_space<hbm>> -> memref<32768xf32, #tpu.memory_space<hbm>>
    tpu.enqueue_indirect_dma source(%dma_start3A_139 : memref<32768xf32, #tpu.memory_space<hbm>>) target(%dma_start3A_135 : memref<128xf32, #tpu.memory_space<vmem>>) offsets(%dma_start3A_137 : memref<128xi32, #tpu.memory_space<vmem>>) semaphore(%arg12 : memref<!tpu.dma_semaphore, #tpu.memory_space<semaphore_mem>>)
    %dma_start3A_140 = arith.constant 9 : i32
    %dma_start3A_141 = arith.constant 0 : i32
    %dma_start3A_142 = tpu.memref_slice %arg6[%dma_start3A_140, %dma_start3A_141] : memref<16x128xf32, #tpu.memory_space<vmem>> -> memref<1x128xf32, #tpu.memory_space<vmem>>
    %dma_start3A_143 = tpu.memref_squeeze %dma_start3A_142 : memref<1x128xf32, #tpu.memory_space<vmem>> -> memref<128xf32, #tpu.memory_space<vmem>>
    %dma_start3A_144 = arith.constant 1152 : i32
    %dma_start3A_145 = tpu.memref_slice %arg5[%dma_start3A_144] : memref<2048xi32, #tpu.memory_space<vmem>> -> memref<128xi32, #tpu.memory_space<vmem>>
    %dma_start3A_146 = arith.constant 0 : i32
    %dma_start3A_147 = tpu.memref_slice %arg2[%dma_start3A_146] : memref<32768xf32, #tpu.memory_space<hbm>> -> memref<32768xf32, #tpu.memory_space<hbm>>
    tpu.enqueue_indirect_dma source(%dma_start3A_147 : memref<32768xf32, #tpu.memory_space<hbm>>) target(%dma_start3A_143 : memref<128xf32, #tpu.memory_space<vmem>>) offsets(%dma_start3A_145 : memref<128xi32, #tpu.memory_space<vmem>>) semaphore(%arg12 : memref<!tpu.dma_semaphore, #tpu.memory_space<semaphore_mem>>)
    %dma_start3A_148 = arith.constant 10 : i32
    %dma_start3A_149 = arith.constant 0 : i32
    %dma_start3A_150 = tpu.memref_slice %arg6[%dma_start3A_148, %dma_start3A_149] : memref<16x128xf32, #tpu.memory_space<vmem>> -> memref<1x128xf32, #tpu.memory_space<vmem>>
    %dma_start3A_151 = tpu.memref_squeeze %dma_start3A_150 : memref<1x128xf32, #tpu.memory_space<vmem>> -> memref<128xf32, #tpu.memory_space<vmem>>
    %dma_start3A_152 = arith.constant 1280 : i32
    %dma_start3A_153 = tpu.memref_slice %arg5[%dma_start3A_152] : memref<2048xi32, #tpu.memory_space<vmem>> -> memref<128xi32, #tpu.memory_space<vmem>>
    %dma_start3A_154 = arith.constant 0 : i32
    %dma_start3A_155 = tpu.memref_slice %arg2[%dma_start3A_154] : memref<32768xf32, #tpu.memory_space<hbm>> -> memref<32768xf32, #tpu.memory_space<hbm>>
    tpu.enqueue_indirect_dma source(%dma_start3A_155 : memref<32768xf32, #tpu.memory_space<hbm>>) target(%dma_start3A_151 : memref<128xf32, #tpu.memory_space<vmem>>) offsets(%dma_start3A_153 : memref<128xi32, #tpu.memory_space<vmem>>) semaphore(%arg12 : memref<!tpu.dma_semaphore, #tpu.memory_space<semaphore_mem>>)
    %dma_start3A_156 = arith.constant 11 : i32
    %dma_start3A_157 = arith.constant 0 : i32
    %dma_start3A_158 = tpu.memref_slice %arg6[%dma_start3A_156, %dma_start3A_157] : memref<16x128xf32, #tpu.memory_space<vmem>> -> memref<1x128xf32, #tpu.memory_space<vmem>>
    %dma_start3A_159 = tpu.memref_squeeze %dma_start3A_158 : memref<1x128xf32, #tpu.memory_space<vmem>> -> memref<128xf32, #tpu.memory_space<vmem>>
    %dma_start3A_160 = arith.constant 1408 : i32
    %dma_start3A_161 = tpu.memref_slice %arg5[%dma_start3A_160] : memref<2048xi32, #tpu.memory_space<vmem>> -> memref<128xi32, #tpu.memory_space<vmem>>
    %dma_start3A_162 = arith.constant 0 : i32
    %dma_start3A_163 = tpu.memref_slice %arg2[%dma_start3A_162] : memref<32768xf32, #tpu.memory_space<hbm>> -> memref<32768xf32, #tpu.memory_space<hbm>>
    tpu.enqueue_indirect_dma source(%dma_start3A_163 : memref<32768xf32, #tpu.memory_space<hbm>>) target(%dma_start3A_159 : memref<128xf32, #tpu.memory_space<vmem>>) offsets(%dma_start3A_161 : memref<128xi32, #tpu.memory_space<vmem>>) semaphore(%arg12 : memref<!tpu.dma_semaphore, #tpu.memory_space<semaphore_mem>>)
    %dma_wait3A_164 = arith.constant 1536 : i32
    %dma_wait3A_165 = tpu.memref_slice %arg5[%dma_wait3A_164] : memref<2048xi32, #tpu.memory_space<vmem>> -> memref<512xi32, #tpu.memory_space<vmem>>
    %dma_wait3A_166 = arith.constant 1536 : i32
    %dma_wait3A_167 = tpu.memref_slice %arg3[%arg1, %dma_wait3A_166] : memref<16x2048xi32, #tpu.memory_space<hbm>> -> memref<1x512xi32, #tpu.memory_space<hbm>>
    %dma_wait3A_168 = tpu.memref_squeeze %dma_wait3A_167 : memref<1x512xi32, #tpu.memory_space<hbm>> -> memref<512xi32, #tpu.memory_space<hbm>>
    %dma_wait3A_169 = arith.constant 1536 : i32
    %dma_wait3A_170 = tpu.memref_slice %arg5[%dma_wait3A_169] : memref<2048xi32, #tpu.memory_space<vmem>> -> memref<512xi32, #tpu.memory_space<vmem>>
    %dma_wait3A_171 = arith.constant 1536 : i32
    %dma_wait3A_172 = tpu.memref_slice %arg3[%arg1, %dma_wait3A_171] : memref<16x2048xi32, #tpu.memory_space<hbm>> -> memref<1x512xi32, #tpu.memory_space<hbm>>
    %dma_wait3A_173 = tpu.memref_squeeze %dma_wait3A_172 : memref<1x512xi32, #tpu.memory_space<hbm>> -> memref<512xi32, #tpu.memory_space<hbm>>
    tpu.wait_dma2 semaphore(%arg13 : memref<!tpu.dma_semaphore, #tpu.memory_space<semaphore_mem>>) src(%dma_wait3A_173 : memref<512xi32, #tpu.memory_space<hbm>>) dst(%dma_wait3A_170 : memref<512xi32, #tpu.memory_space<vmem>>)
    %dma_start3A_174 = arith.constant 12 : i32
    %dma_start3A_175 = arith.constant 0 : i32
    %dma_start3A_176 = tpu.memref_slice %arg6[%dma_start3A_174, %dma_start3A_175] : memref<16x128xf32, #tpu.memory_space<vmem>> -> memref<1x128xf32, #tpu.memory_space<vmem>>
    %dma_start3A_177 = tpu.memref_squeeze %dma_start3A_176 : memref<1x128xf32, #tpu.memory_space<vmem>> -> memref<128xf32, #tpu.memory_space<vmem>>
    %dma_start3A_178 = arith.constant 1536 : i32
    %dma_start3A_179 = tpu.memref_slice %arg5[%dma_start3A_178] : memref<2048xi32, #tpu.memory_space<vmem>> -> memref<128xi32, #tpu.memory_space<vmem>>
    %dma_start3A_180 = arith.constant 0 : i32
    %dma_start3A_181 = tpu.memref_slice %arg2[%dma_start3A_180] : memref<32768xf32, #tpu.memory_space<hbm>> -> memref<32768xf32, #tpu.memory_space<hbm>>
    tpu.enqueue_indirect_dma source(%dma_start3A_181 : memref<32768xf32, #tpu.memory_space<hbm>>) target(%dma_start3A_177 : memref<128xf32, #tpu.memory_space<vmem>>) offsets(%dma_start3A_179 : memref<128xi32, #tpu.memory_space<vmem>>) semaphore(%arg12 : memref<!tpu.dma_semaphore, #tpu.memory_space<semaphore_mem>>)
    %dma_start3A_182 = arith.constant 13 : i32
    %dma_start3A_183 = arith.constant 0 : i32
    %dma_start3A_184 = tpu.memref_slice %arg6[%dma_start3A_182, %dma_start3A_183] : memref<16x128xf32, #tpu.memory_space<vmem>> -> memref<1x128xf32, #tpu.memory_space<vmem>>
    %dma_start3A_185 = tpu.memref_squeeze %dma_start3A_184 : memref<1x128xf32, #tpu.memory_space<vmem>> -> memref<128xf32, #tpu.memory_space<vmem>>
    %dma_start3A_186 = arith.constant 1664 : i32
    %dma_start3A_187 = tpu.memref_slice %arg5[%dma_start3A_186] : memref<2048xi32, #tpu.memory_space<vmem>> -> memref<128xi32, #tpu.memory_space<vmem>>
    %dma_start3A_188 = arith.constant 0 : i32
    %dma_start3A_189 = tpu.memref_slice %arg2[%dma_start3A_188] : memref<32768xf32, #tpu.memory_space<hbm>> -> memref<32768xf32, #tpu.memory_space<hbm>>
    tpu.enqueue_indirect_dma source(%dma_start3A_189 : memref<32768xf32, #tpu.memory_space<hbm>>) target(%dma_start3A_185 : memref<128xf32, #tpu.memory_space<vmem>>) offsets(%dma_start3A_187 : memref<128xi32, #tpu.memory_space<vmem>>) semaphore(%arg12 : memref<!tpu.dma_semaphore, #tpu.memory_space<semaphore_mem>>)
    %dma_start3A_190 = arith.constant 14 : i32
    %dma_start3A_191 = arith.constant 0 : i32
    %dma_start3A_192 = tpu.memref_slice %arg6[%dma_start3A_190, %dma_start3A_191] : memref<16x128xf32, #tpu.memory_space<vmem>> -> memref<1x128xf32, #tpu.memory_space<vmem>>
    %dma_start3A_193 = tpu.memref_squeeze %dma_start3A_192 : memref<1x128xf32, #tpu.memory_space<vmem>> -> memref<128xf32, #tpu.memory_space<vmem>>
    %dma_start3A_194 = arith.constant 1792 : i32
    %dma_start3A_195 = tpu.memref_slice %arg5[%dma_start3A_194] : memref<2048xi32, #tpu.memory_space<vmem>> -> memref<128xi32, #tpu.memory_space<vmem>>
    %dma_start3A_196 = arith.constant 0 : i32
    %dma_start3A_197 = tpu.memref_slice %arg2[%dma_start3A_196] : memref<32768xf32, #tpu.memory_space<hbm>> -> memref<32768xf32, #tpu.memory_space<hbm>>
    tpu.enqueue_indirect_dma source(%dma_start3A_197 : memref<32768xf32, #tpu.memory_space<hbm>>) target(%dma_start3A_193 : memref<128xf32, #tpu.memory_space<vmem>>) offsets(%dma_start3A_195 : memref<128xi32, #tpu.memory_space<vmem>>) semaphore(%arg12 : memref<!tpu.dma_semaphore, #tpu.memory_space<semaphore_mem>>)
    %dma_start3A_198 = arith.constant 15 : i32
    %dma_start3A_199 = arith.constant 0 : i32
    %dma_start3A_200 = tpu.memref_slice %arg6[%dma_start3A_198, %dma_start3A_199] : memref<16x128xf32, #tpu.memory_space<vmem>> -> memref<1x128xf32, #tpu.memory_space<vmem>>
    %dma_start3A_201 = tpu.memref_squeeze %dma_start3A_200 : memref<1x128xf32, #tpu.memory_space<vmem>> -> memref<128xf32, #tpu.memory_space<vmem>>
    %dma_start3A_202 = arith.constant 1920 : i32
    %dma_start3A_203 = tpu.memref_slice %arg5[%dma_start3A_202] : memref<2048xi32, #tpu.memory_space<vmem>> -> memref<128xi32, #tpu.memory_space<vmem>>
    %dma_start3A_204 = arith.constant 0 : i32
    %dma_start3A_205 = tpu.memref_slice %arg2[%dma_start3A_204] : memref<32768xf32, #tpu.memory_space<hbm>> -> memref<32768xf32, #tpu.memory_space<hbm>>
    tpu.enqueue_indirect_dma source(%dma_start3A_205 : memref<32768xf32, #tpu.memory_space<hbm>>) target(%dma_start3A_201 : memref<128xf32, #tpu.memory_space<vmem>>) offsets(%dma_start3A_203 : memref<128xi32, #tpu.memory_space<vmem>>) semaphore(%arg12 : memref<!tpu.dma_semaphore, #tpu.memory_space<semaphore_mem>>)
    %broadcast_in_dim3A = arith.constant 0 : i32
    %broadcast_in_dim3A_206 = vector.broadcast %broadcast_in_dim3A : i32 to vector<16xi32>
    %swap3A = arith.constant 0 : index
    %swap3A_207 = tpu.vector_load %arg8[%swap3A] {strides = array<i32>} : memref<16xi32, #tpu.memory_space<vmem>>, vector<16xi32>,
    %swap3A_208 = vector.shape_cast %swap3A_207 : vector<16xi32> to vector<16xi32>
    %swap3A_209 = vector.shape_cast %broadcast_in_dim3A_206 : vector<16xi32> to vector<16xi32>
    tpu.vector_store %arg8[%swap3A], %swap3A_209 {strides = array<i32>} : memref<16xi32, #tpu.memory_space<vmem>>, vector<16xi32>,
    %eq3A = arith.constant 0 : i32
    %eq3A_210 = arith.cmpi eq, %arg1, %eq3A : i32
    %convert_element_type3A = arith.extui %eq3A_210 : i1 to i32
    %cond3A = arith.constant 0 : i32
    %cond3A_211 = arith.cmpi ne, %convert_element_type3A, %cond3A : i32
    scf.if %cond3A_211 {
      %broadcast_in_dim3A_2147 = arith.constant 0.000000e+00 : f32
      %broadcast_in_dim3A_2148 = vector.broadcast %broadcast_in_dim3A_2147 : f32 to vector<16xf32>
      %swap3A_2149 = arith.constant 0 : index
      %swap3A_2150 = tpu.vector_load %arg11[%swap3A_2149] {strides = array<i32>} : memref<16xf32, #tpu.memory_space<vmem>>, vector<16xf32>,
      %swap3A_2151 = vector.shape_cast %swap3A_2150 : vector<16xf32> to vector<16xf32>
      %swap3A_2152 = vector.shape_cast %broadcast_in_dim3A_2148 : vector<16xf32> to vector<16xf32>
      tpu.vector_store %arg11[%swap3A_2149], %swap3A_2152 {strides = array<i32>} : memref<16xf32, #tpu.memory_space<vmem>>, vector<16xf32>,
      %run_scoped3A = arith.constant 0 : i32
      "tpu.region"() ({
        %run_scoped3A_2153 = tpu.sem_alloc : memref<!tpu.dma_semaphore, #tpu.memory_space<semaphore_mem>>
        %dma_start3A_2154 = arith.constant 0 : i32
        %dma_start3A_2155 = tpu.memref_slice %arg9[%run_scoped3A, %dma_start3A_2154] : memref<1x16xf32, #tpu.memory_space<vmem_shared>> -> memref<1x16xf32, #tpu.memory_space<vmem_shared>>
        %dma_start3A_2156 = tpu.memref_squeeze %dma_start3A_2155 : memref<1x16xf32, #tpu.memory_space<vmem_shared>> -> memref<16xf32, #tpu.memory_space<vmem_shared>>
        %dma_start3A_2157 = arith.constant 0 : i32
        %dma_start3A_2158 = tpu.memref_slice %arg9[%run_scoped3A, %dma_start3A_2157] : memref<1x16xf32, #tpu.memory_space<vmem_shared>> -> memref<1x16xf32, #tpu.memory_space<vmem_shared>>
        %dma_start3A_2159 = tpu.memref_squeeze %dma_start3A_2158 : memref<1x16xf32, #tpu.memory_space<vmem_shared>> -> memref<16xf32, #tpu.memory_space<vmem_shared>>
        tpu.enqueue_dma source(%arg11 : memref<16xf32, #tpu.memory_space<vmem>>) target(%dma_start3A_2159 : memref<16xf32, #tpu.memory_space<vmem_shared>>) target_semaphore(%run_scoped3A_2153 : memref<!tpu.dma_semaphore, #tpu.memory_space<semaphore_mem>>)
        %dma_wait3A_2160 = arith.constant 0 : i32
        %dma_wait3A_2161 = tpu.memref_slice %arg9[%run_scoped3A, %dma_wait3A_2160] : memref<1x16xf32, #tpu.memory_space<vmem_shared>> -> memref<1x16xf32, #tpu.memory_space<vmem_shared>>
        %dma_wait3A_2162 = tpu.memref_squeeze %dma_wait3A_2161 : memref<1x16xf32, #tpu.memory_space<vmem_shared>> -> memref<16xf32, #tpu.memory_space<vmem_shared>>
        %dma_wait3A_2163 = arith.constant 0 : i32
        %dma_wait3A_2164 = tpu.memref_slice %arg9[%run_scoped3A, %dma_wait3A_2163] : memref<1x16xf32, #tpu.memory_space<vmem_shared>> -> memref<1x16xf32, #tpu.memory_space<vmem_shared>>
        %dma_wait3A_2165 = tpu.memref_squeeze %dma_wait3A_2164 : memref<1x16xf32, #tpu.memory_space<vmem_shared>> -> memref<16xf32, #tpu.memory_space<vmem_shared>>
        tpu.wait_dma2 semaphore(%run_scoped3A_2153 : memref<!tpu.dma_semaphore, #tpu.memory_space<semaphore_mem>>) src(%arg11 : memref<16xf32, #tpu.memory_space<vmem>>) dst(%dma_wait3A_2165 : memref<16xf32, #tpu.memory_space<vmem_shared>>)
        tpu.yield
      }) : () -> ()
    } else {
    }
    %broadcast_in_dim3A_212 = arith.constant 0.000000e+00 : f32
    %broadcast_in_dim3A_213 = vector.broadcast %broadcast_in_dim3A_212 : f32 to vector<16xf32>
    %dma_wait3A_214 = arith.constant 0 : i32
    %dma_wait3A_215 = arith.constant 0 : i32
    %dma_wait3A_216 = tpu.memref_slice %arg6[%dma_wait3A_214, %dma_wait3A_215] : memref<16x128xf32, #tpu.memory_space<vmem>> -> memref<1x128xf32, #tpu.memory_space<vmem>>
    %dma_wait3A_217 = tpu.memref_squeeze %dma_wait3A_216 : memref<1x128xf32, #tpu.memory_space<vmem>> -> memref<128xf32, #tpu.memory_space<vmem>>
    %dma_wait3A_218 = arith.constant 0 : i32
    %dma_wait3A_219 = tpu.memref_slice %arg5[%dma_wait3A_218] : memref<2048xi32, #tpu.memory_space<vmem>> -> memref<128xi32, #tpu.memory_space<vmem>>
    %dma_wait3A_220 = arith.constant 0 : i32
    %dma_wait3A_221 = tpu.memref_slice %arg2[%dma_wait3A_220] : memref<32768xf32, #tpu.memory_space<hbm>> -> memref<32768xf32, #tpu.memory_space<hbm>>
    tpu.wait_indirect_dma semaphore(%arg12 : memref<!tpu.dma_semaphore, #tpu.memory_space<semaphore_mem>>) src(%dma_wait3A_221 : memref<32768xf32, #tpu.memory_space<hbm>>) dst(%dma_wait3A_217 : memref<128xf32, #tpu.memory_space<vmem>>)
    %get3A = arith.constant 0 : i32
    %get3A_222 = arith.index_cast %get3A : i32 to index
    %get3A_223 = arith.constant 0 : index
    %get3A_224 = tpu.vector_load %arg6[%get3A_222, %get3A_223] {strides = array<i32>} : memref<16x128xf32, #tpu.memory_space<vmem>>, vector<1x16xf32>,
    %get3A_225 = vector.shape_cast %get3A_224 : vector<1x16xf32> to vector<16xf32>
    %slice3A = vector.extract_strided_slice %get3A_225 {offsets = [0], sizes = [1], strides = [1]} : vector<16xf32> to vector<1xf32>
    %squeeze3A = vector.extract %slice3A[0] : f32 from vector<1xf32>
    %get3A_226 = arith.constant 0 : i32
    %get3A_227 = arith.index_cast %get3A_226 : i32 to index
    %get3A_228 = arith.constant 0 : index
    %get3A_229 = tpu.vector_load %arg6[%get3A_227, %get3A_228] {strides = array<i32>} : memref<16x128xf32, #tpu.memory_space<vmem>>, vector<1x16xf32>,
    %get3A_230 = vector.shape_cast %get3A_229 : vector<1x16xf32> to vector<16xf32>
    %sub3A = vector.broadcast %squeeze3A : f32 to vector<16xf32>
    %sub3A_231 = arith.subf %get3A_230, %sub3A : vector<16xf32>
    %add3A = arith.constant 1.000000e-01 : f32
    %add3A_232 = vector.broadcast %add3A : f32 to vector<16xf32>
    %add3A_233 = arith.addf %sub3A_231, %add3A_232 : vector<16xf32>
    %max3A = arith.constant 0.000000e+00 : f32
    %max3A_234 = vector.broadcast %max3A : f32 to vector<16xf32>
    %max3A_235 = arith.maximumf %add3A_233, %max3A_234 : vector<16xf32>
    %add3A_236 = arith.addf %broadcast_in_dim3A_213, %max3A_235 : vector<16xf32>
    %get3A_237 = arith.constant 0 : i32
    %get3A_238 = arith.index_cast %get3A_237 : i32 to index
    %get3A_239 = arith.constant 16 : index
    %get3A_240 = tpu.vector_load %arg6[%get3A_238, %get3A_239] {strides = array<i32>} : memref<16x128xf32, #tpu.memory_space<vmem>>, vector<1x16xf32>,
    %get3A_241 = vector.shape_cast %get3A_240 : vector<1x16xf32> to vector<16xf32>
    %sub3A_242 = vector.broadcast %squeeze3A : f32 to vector<16xf32>
    %sub3A_243 = arith.subf %get3A_241, %sub3A_242 : vector<16xf32>
    %add3A_244 = arith.constant 1.000000e-01 : f32
    %add3A_245 = vector.broadcast %add3A_244 : f32 to vector<16xf32>
    %add3A_246 = arith.addf %sub3A_243, %add3A_245 : vector<16xf32>
    %max3A_247 = arith.constant 0.000000e+00 : f32
    %max3A_248 = vector.broadcast %max3A_247 : f32 to vector<16xf32>
    %max3A_249 = arith.maximumf %add3A_246, %max3A_248 : vector<16xf32>
    %add3A_250 = arith.addf %add3A_236, %max3A_249 : vector<16xf32>
    %get3A_251 = arith.constant 0 : i32
    %get3A_252 = arith.index_cast %get3A_251 : i32 to index
    %get3A_253 = arith.constant 32 : index
    %get3A_254 = tpu.vector_load %arg6[%get3A_252, %get3A_253] {strides = array<i32>} : memref<16x128xf32, #tpu.memory_space<vmem>>, vector<1x16xf32>,
    %get3A_255 = vector.shape_cast %get3A_254 : vector<1x16xf32> to vector<16xf32>
    %sub3A_256 = vector.broadcast %squeeze3A : f32 to vector<16xf32>
    %sub3A_257 = arith.subf %get3A_255, %sub3A_256 : vector<16xf32>
    %add3A_258 = arith.constant 1.000000e-01 : f32
    %add3A_259 = vector.broadcast %add3A_258 : f32 to vector<16xf32>
    %add3A_260 = arith.addf %sub3A_257, %add3A_259 : vector<16xf32>
    %max3A_261 = arith.constant 0.000000e+00 : f32
    %max3A_262 = vector.broadcast %max3A_261 : f32 to vector<16xf32>
    %max3A_263 = arith.maximumf %add3A_260, %max3A_262 : vector<16xf32>
    %add3A_264 = arith.addf %add3A_250, %max3A_263 : vector<16xf32>
    %get3A_265 = arith.constant 0 : i32
    %get3A_266 = arith.index_cast %get3A_265 : i32 to index
    %get3A_267 = arith.constant 48 : index
    %get3A_268 = tpu.vector_load %arg6[%get3A_266, %get3A_267] {strides = array<i32>} : memref<16x128xf32, #tpu.memory_space<vmem>>, vector<1x16xf32>,
    %get3A_269 = vector.shape_cast %get3A_268 : vector<1x16xf32> to vector<16xf32>
    %sub3A_270 = vector.broadcast %squeeze3A : f32 to vector<16xf32>
    %sub3A_271 = arith.subf %get3A_269, %sub3A_270 : vector<16xf32>
    %add3A_272 = arith.constant 1.000000e-01 : f32
    %add3A_273 = vector.broadcast %add3A_272 : f32 to vector<16xf32>
    %add3A_274 = arith.addf %sub3A_271, %add3A_273 : vector<16xf32>
    %max3A_275 = arith.constant 0.000000e+00 : f32
    %max3A_276 = vector.broadcast %max3A_275 : f32 to vector<16xf32>
    %max3A_277 = arith.maximumf %add3A_274, %max3A_276 : vector<16xf32>
    %add3A_278 = arith.addf %add3A_264, %max3A_277 : vector<16xf32>
    %get3A_279 = arith.constant 0 : i32
    %get3A_280 = arith.index_cast %get3A_279 : i32 to index
    %get3A_281 = arith.constant 64 : index
    %get3A_282 = tpu.vector_load %arg6[%get3A_280, %get3A_281] {strides = array<i32>} : memref<16x128xf32, #tpu.memory_space<vmem>>, vector<1x16xf32>,
    %get3A_283 = vector.shape_cast %get3A_282 : vector<1x16xf32> to vector<16xf32>
    %sub3A_284 = vector.broadcast %squeeze3A : f32 to vector<16xf32>
    %sub3A_285 = arith.subf %get3A_283, %sub3A_284 : vector<16xf32>
    %add3A_286 = arith.constant 1.000000e-01 : f32
    %add3A_287 = vector.broadcast %add3A_286 : f32 to vector<16xf32>
    %add3A_288 = arith.addf %sub3A_285, %add3A_287 : vector<16xf32>
    %max3A_289 = arith.constant 0.000000e+00 : f32
    %max3A_290 = vector.broadcast %max3A_289 : f32 to vector<16xf32>
    %max3A_291 = arith.maximumf %add3A_288, %max3A_290 : vector<16xf32>
    %add3A_292 = arith.addf %add3A_278, %max3A_291 : vector<16xf32>
    %get3A_293 = arith.constant 0 : i32
    %get3A_294 = arith.index_cast %get3A_293 : i32 to index
    %get3A_295 = arith.constant 80 : index
    %get3A_296 = tpu.vector_load %arg6[%get3A_294, %get3A_295] {strides = array<i32>} : memref<16x128xf32, #tpu.memory_space<vmem>>, vector<1x16xf32>,
    %get3A_297 = vector.shape_cast %get3A_296 : vector<1x16xf32> to vector<16xf32>
    %sub3A_298 = vector.broadcast %squeeze3A : f32 to vector<16xf32>
    %sub3A_299 = arith.subf %get3A_297, %sub3A_298 : vector<16xf32>
    %add3A_300 = arith.constant 1.000000e-01 : f32
    %add3A_301 = vector.broadcast %add3A_300 : f32 to vector<16xf32>
    %add3A_302 = arith.addf %sub3A_299, %add3A_301 : vector<16xf32>
    %max3A_303 = arith.constant 0.000000e+00 : f32
    %max3A_304 = vector.broadcast %max3A_303 : f32 to vector<16xf32>
    %max3A_305 = arith.maximumf %add3A_302, %max3A_304 : vector<16xf32>
    %add3A_306 = arith.addf %add3A_292, %max3A_305 : vector<16xf32>
    %get3A_307 = arith.constant 0 : i32
    %get3A_308 = arith.index_cast %get3A_307 : i32 to index
    %get3A_309 = arith.constant 96 : index
    %get3A_310 = tpu.vector_load %arg6[%get3A_308, %get3A_309] {strides = array<i32>} : memref<16x128xf32, #tpu.memory_space<vmem>>, vector<1x16xf32>,
    %get3A_311 = vector.shape_cast %get3A_310 : vector<1x16xf32> to vector<16xf32>
    %sub3A_312 = vector.broadcast %squeeze3A : f32 to vector<16xf32>
    %sub3A_313 = arith.subf %get3A_311, %sub3A_312 : vector<16xf32>
    %add3A_314 = arith.constant 1.000000e-01 : f32
    %add3A_315 = vector.broadcast %add3A_314 : f32 to vector<16xf32>
    %add3A_316 = arith.addf %sub3A_313, %add3A_315 : vector<16xf32>
    %max3A_317 = arith.constant 0.000000e+00 : f32
    %max3A_318 = vector.broadcast %max3A_317 : f32 to vector<16xf32>
    %max3A_319 = arith.maximumf %add3A_316, %max3A_318 : vector<16xf32>
    %add3A_320 = arith.addf %add3A_306, %max3A_319 : vector<16xf32>
    %get3A_321 = arith.constant 0 : i32
    %get3A_322 = arith.index_cast %get3A_321 : i32 to index
    %get3A_323 = arith.constant 112 : index
    %get3A_324 = tpu.vector_load %arg6[%get3A_322, %get3A_323] {strides = array<i32>} : memref<16x128xf32, #tpu.memory_space<vmem>>, vector<1x16xf32>,
    %get3A_325 = vector.shape_cast %get3A_324 : vector<1x16xf32> to vector<16xf32>
    %sub3A_326 = vector.broadcast %squeeze3A : f32 to vector<16xf32>
    %sub3A_327 = arith.subf %get3A_325, %sub3A_326 : vector<16xf32>
    %add3A_328 = arith.constant 1.000000e-01 : f32
    %add3A_329 = vector.broadcast %add3A_328 : f32 to vector<16xf32>
    %add3A_330 = arith.addf %sub3A_327, %add3A_329 : vector<16xf32>
    %max3A_331 = arith.constant 0.000000e+00 : f32
    %max3A_332 = vector.broadcast %max3A_331 : f32 to vector<16xf32>
    %max3A_333 = arith.maximumf %add3A_330, %max3A_332 : vector<16xf32>
    %add3A_334 = arith.addf %add3A_320, %max3A_333 : vector<16xf32>
    %dma_wait3A_335 = arith.constant 1 : i32
    %dma_wait3A_336 = arith.constant 0 : i32
    %dma_wait3A_337 = tpu.memref_slice %arg6[%dma_wait3A_335, %dma_wait3A_336] : memref<16x128xf32, #tpu.memory_space<vmem>> -> memref<1x128xf32, #tpu.memory_space<vmem>>
    %dma_wait3A_338 = tpu.memref_squeeze %dma_wait3A_337 : memref<1x128xf32, #tpu.memory_space<vmem>> -> memref<128xf32, #tpu.memory_space<vmem>>
    %dma_wait3A_339 = arith.constant 128 : i32
    %dma_wait3A_340 = tpu.memref_slice %arg5[%dma_wait3A_339] : memref<2048xi32, #tpu.memory_space<vmem>> -> memref<128xi32, #tpu.memory_space<vmem>>
    %dma_wait3A_341 = arith.constant 0 : i32
    %dma_wait3A_342 = tpu.memref_slice %arg2[%dma_wait3A_341] : memref<32768xf32, #tpu.memory_space<hbm>> -> memref<32768xf32, #tpu.memory_space<hbm>>
    tpu.wait_indirect_dma semaphore(%arg12 : memref<!tpu.dma_semaphore, #tpu.memory_space<semaphore_mem>>) src(%dma_wait3A_342 : memref<32768xf32, #tpu.memory_space<hbm>>) dst(%dma_wait3A_338 : memref<128xf32, #tpu.memory_space<vmem>>)
    %get3A_343 = arith.constant 1 : i32
    %get3A_344 = arith.index_cast %get3A_343 : i32 to index
    %get3A_345 = arith.constant 0 : index
    %get3A_346 = tpu.vector_load %arg6[%get3A_344, %get3A_345] {strides = array<i32>} : memref<16x128xf32, #tpu.memory_space<vmem>>, vector<1x16xf32>,
    %get3A_347 = vector.shape_cast %get3A_346 : vector<1x16xf32> to vector<16xf32>
    %sub3A_348 = vector.broadcast %squeeze3A : f32 to vector<16xf32>
    %sub3A_349 = arith.subf %get3A_347, %sub3A_348 : vector<16xf32>
    %add3A_350 = arith.constant 1.000000e-01 : f32
    %add3A_351 = vector.broadcast %add3A_350 : f32 to vector<16xf32>
    %add3A_352 = arith.addf %sub3A_349, %add3A_351 : vector<16xf32>
    %max3A_353 = arith.constant 0.000000e+00 : f32
    %max3A_354 = vector.broadcast %max3A_353 : f32 to vector<16xf32>
    %max3A_355 = arith.maximumf %add3A_352, %max3A_354 : vector<16xf32>
    %add3A_356 = arith.addf %add3A_334, %max3A_355 : vector<16xf32>
    %get3A_357 = arith.constant 1 : i32
    %get3A_358 = arith.index_cast %get3A_357 : i32 to index
    %get3A_359 = arith.constant 16 : index
    %get3A_360 = tpu.vector_load %arg6[%get3A_358, %get3A_359] {strides = array<i32>} : memref<16x128xf32, #tpu.memory_space<vmem>>, vector<1x16xf32>,
    %get3A_361 = vector.shape_cast %get3A_360 : vector<1x16xf32> to vector<16xf32>
    %sub3A_362 = vector.broadcast %squeeze3A : f32 to vector<16xf32>
    %sub3A_363 = arith.subf %get3A_361, %sub3A_362 : vector<16xf32>
    %add3A_364 = arith.constant 1.000000e-01 : f32
    %add3A_365 = vector.broadcast %add3A_364 : f32 to vector<16xf32>
    %add3A_366 = arith.addf %sub3A_363, %add3A_365 : vector<16xf32>
    %max3A_367 = arith.constant 0.000000e+00 : f32
    %max3A_368 = vector.broadcast %max3A_367 : f32 to vector<16xf32>
    %max3A_369 = arith.maximumf %add3A_366, %max3A_368 : vector<16xf32>
    %add3A_370 = arith.addf %add3A_356, %max3A_369 : vector<16xf32>
    %get3A_371 = arith.constant 1 : i32
    %get3A_372 = arith.index_cast %get3A_371 : i32 to index
    %get3A_373 = arith.constant 32 : index
    %get3A_374 = tpu.vector_load %arg6[%get3A_372, %get3A_373] {strides = array<i32>} : memref<16x128xf32, #tpu.memory_space<vmem>>, vector<1x16xf32>,
    %get3A_375 = vector.shape_cast %get3A_374 : vector<1x16xf32> to vector<16xf32>
    %sub3A_376 = vector.broadcast %squeeze3A : f32 to vector<16xf32>
    %sub3A_377 = arith.subf %get3A_375, %sub3A_376 : vector<16xf32>
    %add3A_378 = arith.constant 1.000000e-01 : f32
    %add3A_379 = vector.broadcast %add3A_378 : f32 to vector<16xf32>
    %add3A_380 = arith.addf %sub3A_377, %add3A_379 : vector<16xf32>
    %max3A_381 = arith.constant 0.000000e+00 : f32
    %max3A_382 = vector.broadcast %max3A_381 : f32 to vector<16xf32>
    %max3A_383 = arith.maximumf %add3A_380, %max3A_382 : vector<16xf32>
    %add3A_384 = arith.addf %add3A_370, %max3A_383 : vector<16xf32>
    %get3A_385 = arith.constant 1 : i32
    %get3A_386 = arith.index_cast %get3A_385 : i32 to index
    %get3A_387 = arith.constant 48 : index
    %get3A_388 = tpu.vector_load %arg6[%get3A_386, %get3A_387] {strides = array<i32>} : memref<16x128xf32, #tpu.memory_space<vmem>>, vector<1x16xf32>,
    %get3A_389 = vector.shape_cast %get3A_388 : vector<1x16xf32> to vector<16xf32>
    %sub3A_390 = vector.broadcast %squeeze3A : f32 to vector<16xf32>
    %sub3A_391 = arith.subf %get3A_389, %sub3A_390 : vector<16xf32>
    %add3A_392 = arith.constant 1.000000e-01 : f32
    %add3A_393 = vector.broadcast %add3A_392 : f32 to vector<16xf32>
    %add3A_394 = arith.addf %sub3A_391, %add3A_393 : vector<16xf32>
    %max3A_395 = arith.constant 0.000000e+00 : f32
    %max3A_396 = vector.broadcast %max3A_395 : f32 to vector<16xf32>
    %max3A_397 = arith.maximumf %add3A_394, %max3A_396 : vector<16xf32>
    %add3A_398 = arith.addf %add3A_384, %max3A_397 : vector<16xf32>
    %get3A_399 = arith.constant 1 : i32
    %get3A_400 = arith.index_cast %get3A_399 : i32 to index
    %get3A_401 = arith.constant 64 : index
    %get3A_402 = tpu.vector_load %arg6[%get3A_400, %get3A_401] {strides = array<i32>} : memref<16x128xf32, #tpu.memory_space<vmem>>, vector<1x16xf32>,
    %get3A_403 = vector.shape_cast %get3A_402 : vector<1x16xf32> to vector<16xf32>
    %sub3A_404 = vector.broadcast %squeeze3A : f32 to vector<16xf32>
    %sub3A_405 = arith.subf %get3A_403, %sub3A_404 : vector<16xf32>
    %add3A_406 = arith.constant 1.000000e-01 : f32
    %add3A_407 = vector.broadcast %add3A_406 : f32 to vector<16xf32>
    %add3A_408 = arith.addf %sub3A_405, %add3A_407 : vector<16xf32>
    %max3A_409 = arith.constant 0.000000e+00 : f32
    %max3A_410 = vector.broadcast %max3A_409 : f32 to vector<16xf32>
    %max3A_411 = arith.maximumf %add3A_408, %max3A_410 : vector<16xf32>
    %add3A_412 = arith.addf %add3A_398, %max3A_411 : vector<16xf32>
    %get3A_413 = arith.constant 1 : i32
    %get3A_414 = arith.index_cast %get3A_413 : i32 to index
    %get3A_415 = arith.constant 80 : index
    %get3A_416 = tpu.vector_load %arg6[%get3A_414, %get3A_415] {strides = array<i32>} : memref<16x128xf32, #tpu.memory_space<vmem>>, vector<1x16xf32>,
    %get3A_417 = vector.shape_cast %get3A_416 : vector<1x16xf32> to vector<16xf32>
    %sub3A_418 = vector.broadcast %squeeze3A : f32 to vector<16xf32>
    %sub3A_419 = arith.subf %get3A_417, %sub3A_418 : vector<16xf32>
    %add3A_420 = arith.constant 1.000000e-01 : f32
    %add3A_421 = vector.broadcast %add3A_420 : f32 to vector<16xf32>
    %add3A_422 = arith.addf %sub3A_419, %add3A_421 : vector<16xf32>
    %max3A_423 = arith.constant 0.000000e+00 : f32
    %max3A_424 = vector.broadcast %max3A_423 : f32 to vector<16xf32>
    %max3A_425 = arith.maximumf %add3A_422, %max3A_424 : vector<16xf32>
    %add3A_426 = arith.addf %add3A_412, %max3A_425 : vector<16xf32>
    %get3A_427 = arith.constant 1 : i32
    %get3A_428 = arith.index_cast %get3A_427 : i32 to index
    %get3A_429 = arith.constant 96 : index
    %get3A_430 = tpu.vector_load %arg6[%get3A_428, %get3A_429] {strides = array<i32>} : memref<16x128xf32, #tpu.memory_space<vmem>>, vector<1x16xf32>,
    %get3A_431 = vector.shape_cast %get3A_430 : vector<1x16xf32> to vector<16xf32>
    %sub3A_432 = vector.broadcast %squeeze3A : f32 to vector<16xf32>
    %sub3A_433 = arith.subf %get3A_431, %sub3A_432 : vector<16xf32>
    %add3A_434 = arith.constant 1.000000e-01 : f32
    %add3A_435 = vector.broadcast %add3A_434 : f32 to vector<16xf32>
    %add3A_436 = arith.addf %sub3A_433, %add3A_435 : vector<16xf32>
    %max3A_437 = arith.constant 0.000000e+00 : f32
    %max3A_438 = vector.broadcast %max3A_437 : f32 to vector<16xf32>
    %max3A_439 = arith.maximumf %add3A_436, %max3A_438 : vector<16xf32>
    %add3A_440 = arith.addf %add3A_426, %max3A_439 : vector<16xf32>
    %get3A_441 = arith.constant 1 : i32
    %get3A_442 = arith.index_cast %get3A_441 : i32 to index
    %get3A_443 = arith.constant 112 : index
    %get3A_444 = tpu.vector_load %arg6[%get3A_442, %get3A_443] {strides = array<i32>} : memref<16x128xf32, #tpu.memory_space<vmem>>, vector<1x16xf32>,
    %get3A_445 = vector.shape_cast %get3A_444 : vector<1x16xf32> to vector<16xf32>
    %sub3A_446 = vector.broadcast %squeeze3A : f32 to vector<16xf32>
    %sub3A_447 = arith.subf %get3A_445, %sub3A_446 : vector<16xf32>
    %add3A_448 = arith.constant 1.000000e-01 : f32
    %add3A_449 = vector.broadcast %add3A_448 : f32 to vector<16xf32>
    %add3A_450 = arith.addf %sub3A_447, %add3A_449 : vector<16xf32>
    %max3A_451 = arith.constant 0.000000e+00 : f32
    %max3A_452 = vector.broadcast %max3A_451 : f32 to vector<16xf32>
    %max3A_453 = arith.maximumf %add3A_450, %max3A_452 : vector<16xf32>
    %add3A_454 = arith.addf %add3A_440, %max3A_453 : vector<16xf32>
    %dma_wait3A_455 = arith.constant 2 : i32
    %dma_wait3A_456 = arith.constant 0 : i32
    %dma_wait3A_457 = tpu.memref_slice %arg6[%dma_wait3A_455, %dma_wait3A_456] : memref<16x128xf32, #tpu.memory_space<vmem>> -> memref<1x128xf32, #tpu.memory_space<vmem>>
    %dma_wait3A_458 = tpu.memref_squeeze %dma_wait3A_457 : memref<1x128xf32, #tpu.memory_space<vmem>> -> memref<128xf32, #tpu.memory_space<vmem>>
    %dma_wait3A_459 = arith.constant 256 : i32
    %dma_wait3A_460 = tpu.memref_slice %arg5[%dma_wait3A_459] : memref<2048xi32, #tpu.memory_space<vmem>> -> memref<128xi32, #tpu.memory_space<vmem>>
    %dma_wait3A_461 = arith.constant 0 : i32
    %dma_wait3A_462 = tpu.memref_slice %arg2[%dma_wait3A_461] : memref<32768xf32, #tpu.memory_space<hbm>> -> memref<32768xf32, #tpu.memory_space<hbm>>
    tpu.wait_indirect_dma semaphore(%arg12 : memref<!tpu.dma_semaphore, #tpu.memory_space<semaphore_mem>>) src(%dma_wait3A_462 : memref<32768xf32, #tpu.memory_space<hbm>>) dst(%dma_wait3A_458 : memref<128xf32, #tpu.memory_space<vmem>>)
    %get3A_463 = arith.constant 2 : i32
    %get3A_464 = arith.index_cast %get3A_463 : i32 to index
    %get3A_465 = arith.constant 0 : index
    %get3A_466 = tpu.vector_load %arg6[%get3A_464, %get3A_465] {strides = array<i32>} : memref<16x128xf32, #tpu.memory_space<vmem>>, vector<1x16xf32>,
    %get3A_467 = vector.shape_cast %get3A_466 : vector<1x16xf32> to vector<16xf32>
    %sub3A_468 = vector.broadcast %squeeze3A : f32 to vector<16xf32>
    %sub3A_469 = arith.subf %get3A_467, %sub3A_468 : vector<16xf32>
    %add3A_470 = arith.constant 1.000000e-01 : f32
    %add3A_471 = vector.broadcast %add3A_470 : f32 to vector<16xf32>
    %add3A_472 = arith.addf %sub3A_469, %add3A_471 : vector<16xf32>
    %max3A_473 = arith.constant 0.000000e+00 : f32
    %max3A_474 = vector.broadcast %max3A_473 : f32 to vector<16xf32>
    %max3A_475 = arith.maximumf %add3A_472, %max3A_474 : vector<16xf32>
    %add3A_476 = arith.addf %add3A_454, %max3A_475 : vector<16xf32>
    %get3A_477 = arith.constant 2 : i32
    %get3A_478 = arith.index_cast %get3A_477 : i32 to index
    %get3A_479 = arith.constant 16 : index
    %get3A_480 = tpu.vector_load %arg6[%get3A_478, %get3A_479] {strides = array<i32>} : memref<16x128xf32, #tpu.memory_space<vmem>>, vector<1x16xf32>,
    %get3A_481 = vector.shape_cast %get3A_480 : vector<1x16xf32> to vector<16xf32>
    %sub3A_482 = vector.broadcast %squeeze3A : f32 to vector<16xf32>
    %sub3A_483 = arith.subf %get3A_481, %sub3A_482 : vector<16xf32>
    %add3A_484 = arith.constant 1.000000e-01 : f32
    %add3A_485 = vector.broadcast %add3A_484 : f32 to vector<16xf32>
    %add3A_486 = arith.addf %sub3A_483, %add3A_485 : vector<16xf32>
    %max3A_487 = arith.constant 0.000000e+00 : f32
    %max3A_488 = vector.broadcast %max3A_487 : f32 to vector<16xf32>
    %max3A_489 = arith.maximumf %add3A_486, %max3A_488 : vector<16xf32>
    %add3A_490 = arith.addf %add3A_476, %max3A_489 : vector<16xf32>
    %get3A_491 = arith.constant 2 : i32
    %get3A_492 = arith.index_cast %get3A_491 : i32 to index
    %get3A_493 = arith.constant 32 : index
    %get3A_494 = tpu.vector_load %arg6[%get3A_492, %get3A_493] {strides = array<i32>} : memref<16x128xf32, #tpu.memory_space<vmem>>, vector<1x16xf32>,
    %get3A_495 = vector.shape_cast %get3A_494 : vector<1x16xf32> to vector<16xf32>
    %sub3A_496 = vector.broadcast %squeeze3A : f32 to vector<16xf32>
    %sub3A_497 = arith.subf %get3A_495, %sub3A_496 : vector<16xf32>
    %add3A_498 = arith.constant 1.000000e-01 : f32
    %add3A_499 = vector.broadcast %add3A_498 : f32 to vector<16xf32>
    %add3A_500 = arith.addf %sub3A_497, %add3A_499 : vector<16xf32>
    %max3A_501 = arith.constant 0.000000e+00 : f32
    %max3A_502 = vector.broadcast %max3A_501 : f32 to vector<16xf32>
    %max3A_503 = arith.maximumf %add3A_500, %max3A_502 : vector<16xf32>
    %add3A_504 = arith.addf %add3A_490, %max3A_503 : vector<16xf32>
    %get3A_505 = arith.constant 2 : i32
    %get3A_506 = arith.index_cast %get3A_505 : i32 to index
    %get3A_507 = arith.constant 48 : index
    %get3A_508 = tpu.vector_load %arg6[%get3A_506, %get3A_507] {strides = array<i32>} : memref<16x128xf32, #tpu.memory_space<vmem>>, vector<1x16xf32>,
    %get3A_509 = vector.shape_cast %get3A_508 : vector<1x16xf32> to vector<16xf32>
    %sub3A_510 = vector.broadcast %squeeze3A : f32 to vector<16xf32>
    %sub3A_511 = arith.subf %get3A_509, %sub3A_510 : vector<16xf32>
    %add3A_512 = arith.constant 1.000000e-01 : f32
    %add3A_513 = vector.broadcast %add3A_512 : f32 to vector<16xf32>
    %add3A_514 = arith.addf %sub3A_511, %add3A_513 : vector<16xf32>
    %max3A_515 = arith.constant 0.000000e+00 : f32
    %max3A_516 = vector.broadcast %max3A_515 : f32 to vector<16xf32>
    %max3A_517 = arith.maximumf %add3A_514, %max3A_516 : vector<16xf32>
    %add3A_518 = arith.addf %add3A_504, %max3A_517 : vector<16xf32>
    %get3A_519 = arith.constant 2 : i32
    %get3A_520 = arith.index_cast %get3A_519 : i32 to index
    %get3A_521 = arith.constant 64 : index
    %get3A_522 = tpu.vector_load %arg6[%get3A_520, %get3A_521] {strides = array<i32>} : memref<16x128xf32, #tpu.memory_space<vmem>>, vector<1x16xf32>,
    %get3A_523 = vector.shape_cast %get3A_522 : vector<1x16xf32> to vector<16xf32>
    %sub3A_524 = vector.broadcast %squeeze3A : f32 to vector<16xf32>
    %sub3A_525 = arith.subf %get3A_523, %sub3A_524 : vector<16xf32>
    %add3A_526 = arith.constant 1.000000e-01 : f32
    %add3A_527 = vector.broadcast %add3A_526 : f32 to vector<16xf32>
    %add3A_528 = arith.addf %sub3A_525, %add3A_527 : vector<16xf32>
    %max3A_529 = arith.constant 0.000000e+00 : f32
    %max3A_530 = vector.broadcast %max3A_529 : f32 to vector<16xf32>
    %max3A_531 = arith.maximumf %add3A_528, %max3A_530 : vector<16xf32>
    %add3A_532 = arith.addf %add3A_518, %max3A_531 : vector<16xf32>
    %get3A_533 = arith.constant 2 : i32
    %get3A_534 = arith.index_cast %get3A_533 : i32 to index
    %get3A_535 = arith.constant 80 : index
    %get3A_536 = tpu.vector_load %arg6[%get3A_534, %get3A_535] {strides = array<i32>} : memref<16x128xf32, #tpu.memory_space<vmem>>, vector<1x16xf32>,
    %get3A_537 = vector.shape_cast %get3A_536 : vector<1x16xf32> to vector<16xf32>
    %sub3A_538 = vector.broadcast %squeeze3A : f32 to vector<16xf32>
    %sub3A_539 = arith.subf %get3A_537, %sub3A_538 : vector<16xf32>
    %add3A_540 = arith.constant 1.000000e-01 : f32
    %add3A_541 = vector.broadcast %add3A_540 : f32 to vector<16xf32>
    %add3A_542 = arith.addf %sub3A_539, %add3A_541 : vector<16xf32>
    %max3A_543 = arith.constant 0.000000e+00 : f32
    %max3A_544 = vector.broadcast %max3A_543 : f32 to vector<16xf32>
    %max3A_545 = arith.maximumf %add3A_542, %max3A_544 : vector<16xf32>
    %add3A_546 = arith.addf %add3A_532, %max3A_545 : vector<16xf32>
    %get3A_547 = arith.constant 2 : i32
    %get3A_548 = arith.index_cast %get3A_547 : i32 to index
    %get3A_549 = arith.constant 96 : index
    %get3A_550 = tpu.vector_load %arg6[%get3A_548, %get3A_549] {strides = array<i32>} : memref<16x128xf32, #tpu.memory_space<vmem>>, vector<1x16xf32>,
    %get3A_551 = vector.shape_cast %get3A_550 : vector<1x16xf32> to vector<16xf32>
    %sub3A_552 = vector.broadcast %squeeze3A : f32 to vector<16xf32>
    %sub3A_553 = arith.subf %get3A_551, %sub3A_552 : vector<16xf32>
    %add3A_554 = arith.constant 1.000000e-01 : f32
    %add3A_555 = vector.broadcast %add3A_554 : f32 to vector<16xf32>
    %add3A_556 = arith.addf %sub3A_553, %add3A_555 : vector<16xf32>
    %max3A_557 = arith.constant 0.000000e+00 : f32
    %max3A_558 = vector.broadcast %max3A_557 : f32 to vector<16xf32>
    %max3A_559 = arith.maximumf %add3A_556, %max3A_558 : vector<16xf32>
    %add3A_560 = arith.addf %add3A_546, %max3A_559 : vector<16xf32>
    %get3A_561 = arith.constant 2 : i32
    %get3A_562 = arith.index_cast %get3A_561 : i32 to index
    %get3A_563 = arith.constant 112 : index
    %get3A_564 = tpu.vector_load %arg6[%get3A_562, %get3A_563] {strides = array<i32>} : memref<16x128xf32, #tpu.memory_space<vmem>>, vector<1x16xf32>,
    %get3A_565 = vector.shape_cast %get3A_564 : vector<1x16xf32> to vector<16xf32>
    %sub3A_566 = vector.broadcast %squeeze3A : f32 to vector<16xf32>
    %sub3A_567 = arith.subf %get3A_565, %sub3A_566 : vector<16xf32>
    %add3A_568 = arith.constant 1.000000e-01 : f32
    %add3A_569 = vector.broadcast %add3A_568 : f32 to vector<16xf32>
    %add3A_570 = arith.addf %sub3A_567, %add3A_569 : vector<16xf32>
    %max3A_571 = arith.constant 0.000000e+00 : f32
    %max3A_572 = vector.broadcast %max3A_571 : f32 to vector<16xf32>
    %max3A_573 = arith.maximumf %add3A_570, %max3A_572 : vector<16xf32>
    %add3A_574 = arith.addf %add3A_560, %max3A_573 : vector<16xf32>
    %dma_wait3A_575 = arith.constant 3 : i32
    %dma_wait3A_576 = arith.constant 0 : i32
    %dma_wait3A_577 = tpu.memref_slice %arg6[%dma_wait3A_575, %dma_wait3A_576] : memref<16x128xf32, #tpu.memory_space<vmem>> -> memref<1x128xf32, #tpu.memory_space<vmem>>
    %dma_wait3A_578 = tpu.memref_squeeze %dma_wait3A_577 : memref<1x128xf32, #tpu.memory_space<vmem>> -> memref<128xf32, #tpu.memory_space<vmem>>
    %dma_wait3A_579 = arith.constant 384 : i32
    %dma_wait3A_580 = tpu.memref_slice %arg5[%dma_wait3A_579] : memref<2048xi32, #tpu.memory_space<vmem>> -> memref<128xi32, #tpu.memory_space<vmem>>
    %dma_wait3A_581 = arith.constant 0 : i32
    %dma_wait3A_582 = tpu.memref_slice %arg2[%dma_wait3A_581] : memref<32768xf32, #tpu.memory_space<hbm>> -> memref<32768xf32, #tpu.memory_space<hbm>>
    tpu.wait_indirect_dma semaphore(%arg12 : memref<!tpu.dma_semaphore, #tpu.memory_space<semaphore_mem>>) src(%dma_wait3A_582 : memref<32768xf32, #tpu.memory_space<hbm>>) dst(%dma_wait3A_578 : memref<128xf32, #tpu.memory_space<vmem>>)
    %get3A_583 = arith.constant 3 : i32
    %get3A_584 = arith.index_cast %get3A_583 : i32 to index
    %get3A_585 = arith.constant 0 : index
    %get3A_586 = tpu.vector_load %arg6[%get3A_584, %get3A_585] {strides = array<i32>} : memref<16x128xf32, #tpu.memory_space<vmem>>, vector<1x16xf32>,
    %get3A_587 = vector.shape_cast %get3A_586 : vector<1x16xf32> to vector<16xf32>
    %sub3A_588 = vector.broadcast %squeeze3A : f32 to vector<16xf32>
    %sub3A_589 = arith.subf %get3A_587, %sub3A_588 : vector<16xf32>
    %add3A_590 = arith.constant 1.000000e-01 : f32
    %add3A_591 = vector.broadcast %add3A_590 : f32 to vector<16xf32>
    %add3A_592 = arith.addf %sub3A_589, %add3A_591 : vector<16xf32>
    %max3A_593 = arith.constant 0.000000e+00 : f32
    %max3A_594 = vector.broadcast %max3A_593 : f32 to vector<16xf32>
    %max3A_595 = arith.maximumf %add3A_592, %max3A_594 : vector<16xf32>
    %add3A_596 = arith.addf %add3A_574, %max3A_595 : vector<16xf32>
    %get3A_597 = arith.constant 3 : i32
    %get3A_598 = arith.index_cast %get3A_597 : i32 to index
    %get3A_599 = arith.constant 16 : index
    %get3A_600 = tpu.vector_load %arg6[%get3A_598, %get3A_599] {strides = array<i32>} : memref<16x128xf32, #tpu.memory_space<vmem>>, vector<1x16xf32>,
    %get3A_601 = vector.shape_cast %get3A_600 : vector<1x16xf32> to vector<16xf32>
    %sub3A_602 = vector.broadcast %squeeze3A : f32 to vector<16xf32>
    %sub3A_603 = arith.subf %get3A_601, %sub3A_602 : vector<16xf32>
    %add3A_604 = arith.constant 1.000000e-01 : f32
    %add3A_605 = vector.broadcast %add3A_604 : f32 to vector<16xf32>
    %add3A_606 = arith.addf %sub3A_603, %add3A_605 : vector<16xf32>
    %max3A_607 = arith.constant 0.000000e+00 : f32
    %max3A_608 = vector.broadcast %max3A_607 : f32 to vector<16xf32>
    %max3A_609 = arith.maximumf %add3A_606, %max3A_608 : vector<16xf32>
    %add3A_610 = arith.addf %add3A_596, %max3A_609 : vector<16xf32>
    %get3A_611 = arith.constant 3 : i32
    %get3A_612 = arith.index_cast %get3A_611 : i32 to index
    %get3A_613 = arith.constant 32 : index
    %get3A_614 = tpu.vector_load %arg6[%get3A_612, %get3A_613] {strides = array<i32>} : memref<16x128xf32, #tpu.memory_space<vmem>>, vector<1x16xf32>,
    %get3A_615 = vector.shape_cast %get3A_614 : vector<1x16xf32> to vector<16xf32>
    %sub3A_616 = vector.broadcast %squeeze3A : f32 to vector<16xf32>
    %sub3A_617 = arith.subf %get3A_615, %sub3A_616 : vector<16xf32>
    %add3A_618 = arith.constant 1.000000e-01 : f32
    %add3A_619 = vector.broadcast %add3A_618 : f32 to vector<16xf32>
    %add3A_620 = arith.addf %sub3A_617, %add3A_619 : vector<16xf32>
    %max3A_621 = arith.constant 0.000000e+00 : f32
    %max3A_622 = vector.broadcast %max3A_621 : f32 to vector<16xf32>
    %max3A_623 = arith.maximumf %add3A_620, %max3A_622 : vector<16xf32>
    %add3A_624 = arith.addf %add3A_610, %max3A_623 : vector<16xf32>
    %get3A_625 = arith.constant 3 : i32
    %get3A_626 = arith.index_cast %get3A_625 : i32 to index
    %get3A_627 = arith.constant 48 : index
    %get3A_628 = tpu.vector_load %arg6[%get3A_626, %get3A_627] {strides = array<i32>} : memref<16x128xf32, #tpu.memory_space<vmem>>, vector<1x16xf32>,
    %get3A_629 = vector.shape_cast %get3A_628 : vector<1x16xf32> to vector<16xf32>
    %sub3A_630 = vector.broadcast %squeeze3A : f32 to vector<16xf32>
    %sub3A_631 = arith.subf %get3A_629, %sub3A_630 : vector<16xf32>
    %add3A_632 = arith.constant 1.000000e-01 : f32
    %add3A_633 = vector.broadcast %add3A_632 : f32 to vector<16xf32>
    %add3A_634 = arith.addf %sub3A_631, %add3A_633 : vector<16xf32>
    %max3A_635 = arith.constant 0.000000e+00 : f32
    %max3A_636 = vector.broadcast %max3A_635 : f32 to vector<16xf32>
    %max3A_637 = arith.maximumf %add3A_634, %max3A_636 : vector<16xf32>
    %add3A_638 = arith.addf %add3A_624, %max3A_637 : vector<16xf32>
    %get3A_639 = arith.constant 3 : i32
    %get3A_640 = arith.index_cast %get3A_639 : i32 to index
    %get3A_641 = arith.constant 64 : index
    %get3A_642 = tpu.vector_load %arg6[%get3A_640, %get3A_641] {strides = array<i32>} : memref<16x128xf32, #tpu.memory_space<vmem>>, vector<1x16xf32>,
    %get3A_643 = vector.shape_cast %get3A_642 : vector<1x16xf32> to vector<16xf32>
    %sub3A_644 = vector.broadcast %squeeze3A : f32 to vector<16xf32>
    %sub3A_645 = arith.subf %get3A_643, %sub3A_644 : vector<16xf32>
    %add3A_646 = arith.constant 1.000000e-01 : f32
    %add3A_647 = vector.broadcast %add3A_646 : f32 to vector<16xf32>
    %add3A_648 = arith.addf %sub3A_645, %add3A_647 : vector<16xf32>
    %max3A_649 = arith.constant 0.000000e+00 : f32
    %max3A_650 = vector.broadcast %max3A_649 : f32 to vector<16xf32>
    %max3A_651 = arith.maximumf %add3A_648, %max3A_650 : vector<16xf32>
    %add3A_652 = arith.addf %add3A_638, %max3A_651 : vector<16xf32>
    %get3A_653 = arith.constant 3 : i32
    %get3A_654 = arith.index_cast %get3A_653 : i32 to index
    %get3A_655 = arith.constant 80 : index
    %get3A_656 = tpu.vector_load %arg6[%get3A_654, %get3A_655] {strides = array<i32>} : memref<16x128xf32, #tpu.memory_space<vmem>>, vector<1x16xf32>,
    %get3A_657 = vector.shape_cast %get3A_656 : vector<1x16xf32> to vector<16xf32>
    %sub3A_658 = vector.broadcast %squeeze3A : f32 to vector<16xf32>
    %sub3A_659 = arith.subf %get3A_657, %sub3A_658 : vector<16xf32>
    %add3A_660 = arith.constant 1.000000e-01 : f32
    %add3A_661 = vector.broadcast %add3A_660 : f32 to vector<16xf32>
    %add3A_662 = arith.addf %sub3A_659, %add3A_661 : vector<16xf32>
    %max3A_663 = arith.constant 0.000000e+00 : f32
    %max3A_664 = vector.broadcast %max3A_663 : f32 to vector<16xf32>
    %max3A_665 = arith.maximumf %add3A_662, %max3A_664 : vector<16xf32>
    %add3A_666 = arith.addf %add3A_652, %max3A_665 : vector<16xf32>
    %get3A_667 = arith.constant 3 : i32
    %get3A_668 = arith.index_cast %get3A_667 : i32 to index
    %get3A_669 = arith.constant 96 : index
    %get3A_670 = tpu.vector_load %arg6[%get3A_668, %get3A_669] {strides = array<i32>} : memref<16x128xf32, #tpu.memory_space<vmem>>, vector<1x16xf32>,
    %get3A_671 = vector.shape_cast %get3A_670 : vector<1x16xf32> to vector<16xf32>
    %sub3A_672 = vector.broadcast %squeeze3A : f32 to vector<16xf32>
    %sub3A_673 = arith.subf %get3A_671, %sub3A_672 : vector<16xf32>
    %add3A_674 = arith.constant 1.000000e-01 : f32
    %add3A_675 = vector.broadcast %add3A_674 : f32 to vector<16xf32>
    %add3A_676 = arith.addf %sub3A_673, %add3A_675 : vector<16xf32>
    %max3A_677 = arith.constant 0.000000e+00 : f32
    %max3A_678 = vector.broadcast %max3A_677 : f32 to vector<16xf32>
    %max3A_679 = arith.maximumf %add3A_676, %max3A_678 : vector<16xf32>
    %add3A_680 = arith.addf %add3A_666, %max3A_679 : vector<16xf32>
    %get3A_681 = arith.constant 3 : i32
    %get3A_682 = arith.index_cast %get3A_681 : i32 to index
    %get3A_683 = arith.constant 112 : index
    %get3A_684 = tpu.vector_load %arg6[%get3A_682, %get3A_683] {strides = array<i32>} : memref<16x128xf32, #tpu.memory_space<vmem>>, vector<1x16xf32>,
    %get3A_685 = vector.shape_cast %get3A_684 : vector<1x16xf32> to vector<16xf32>
    %sub3A_686 = vector.broadcast %squeeze3A : f32 to vector<16xf32>
    %sub3A_687 = arith.subf %get3A_685, %sub3A_686 : vector<16xf32>
    %add3A_688 = arith.constant 1.000000e-01 : f32
    %add3A_689 = vector.broadcast %add3A_688 : f32 to vector<16xf32>
    %add3A_690 = arith.addf %sub3A_687, %add3A_689 : vector<16xf32>
    %max3A_691 = arith.constant 0.000000e+00 : f32
    %max3A_692 = vector.broadcast %max3A_691 : f32 to vector<16xf32>
    %max3A_693 = arith.maximumf %add3A_690, %max3A_692 : vector<16xf32>
    %add3A_694 = arith.addf %add3A_680, %max3A_693 : vector<16xf32>
    %dma_wait3A_695 = arith.constant 4 : i32
    %dma_wait3A_696 = arith.constant 0 : i32
    %dma_wait3A_697 = tpu.memref_slice %arg6[%dma_wait3A_695, %dma_wait3A_696] : memref<16x128xf32, #tpu.memory_space<vmem>> -> memref<1x128xf32, #tpu.memory_space<vmem>>
    %dma_wait3A_698 = tpu.memref_squeeze %dma_wait3A_697 : memref<1x128xf32, #tpu.memory_space<vmem>> -> memref<128xf32, #tpu.memory_space<vmem>>
    %dma_wait3A_699 = arith.constant 512 : i32
    %dma_wait3A_700 = tpu.memref_slice %arg5[%dma_wait3A_699] : memref<2048xi32, #tpu.memory_space<vmem>> -> memref<128xi32, #tpu.memory_space<vmem>>
    %dma_wait3A_701 = arith.constant 0 : i32
    %dma_wait3A_702 = tpu.memref_slice %arg2[%dma_wait3A_701] : memref<32768xf32, #tpu.memory_space<hbm>> -> memref<32768xf32, #tpu.memory_space<hbm>>
    tpu.wait_indirect_dma semaphore(%arg12 : memref<!tpu.dma_semaphore, #tpu.memory_space<semaphore_mem>>) src(%dma_wait3A_702 : memref<32768xf32, #tpu.memory_space<hbm>>) dst(%dma_wait3A_698 : memref<128xf32, #tpu.memory_space<vmem>>)
    %get3A_703 = arith.constant 4 : i32
    %get3A_704 = arith.index_cast %get3A_703 : i32 to index
    %get3A_705 = arith.constant 0 : index
    %get3A_706 = tpu.vector_load %arg6[%get3A_704, %get3A_705] {strides = array<i32>} : memref<16x128xf32, #tpu.memory_space<vmem>>, vector<1x16xf32>,
    %get3A_707 = vector.shape_cast %get3A_706 : vector<1x16xf32> to vector<16xf32>
    %sub3A_708 = vector.broadcast %squeeze3A : f32 to vector<16xf32>
    %sub3A_709 = arith.subf %get3A_707, %sub3A_708 : vector<16xf32>
    %add3A_710 = arith.constant 1.000000e-01 : f32
    %add3A_711 = vector.broadcast %add3A_710 : f32 to vector<16xf32>
    %add3A_712 = arith.addf %sub3A_709, %add3A_711 : vector<16xf32>
    %max3A_713 = arith.constant 0.000000e+00 : f32
    %max3A_714 = vector.broadcast %max3A_713 : f32 to vector<16xf32>
    %max3A_715 = arith.maximumf %add3A_712, %max3A_714 : vector<16xf32>
    %add3A_716 = arith.addf %add3A_694, %max3A_715 : vector<16xf32>
    %get3A_717 = arith.constant 4 : i32
    %get3A_718 = arith.index_cast %get3A_717 : i32 to index
    %get3A_719 = arith.constant 16 : index
    %get3A_720 = tpu.vector_load %arg6[%get3A_718, %get3A_719] {strides = array<i32>} : memref<16x128xf32, #tpu.memory_space<vmem>>, vector<1x16xf32>,
    %get3A_721 = vector.shape_cast %get3A_720 : vector<1x16xf32> to vector<16xf32>
    %sub3A_722 = vector.broadcast %squeeze3A : f32 to vector<16xf32>
    %sub3A_723 = arith.subf %get3A_721, %sub3A_722 : vector<16xf32>
    %add3A_724 = arith.constant 1.000000e-01 : f32
    %add3A_725 = vector.broadcast %add3A_724 : f32 to vector<16xf32>
    %add3A_726 = arith.addf %sub3A_723, %add3A_725 : vector<16xf32>
    %max3A_727 = arith.constant 0.000000e+00 : f32
    %max3A_728 = vector.broadcast %max3A_727 : f32 to vector<16xf32>
    %max3A_729 = arith.maximumf %add3A_726, %max3A_728 : vector<16xf32>
    %add3A_730 = arith.addf %add3A_716, %max3A_729 : vector<16xf32>
    %get3A_731 = arith.constant 4 : i32
    %get3A_732 = arith.index_cast %get3A_731 : i32 to index
    %get3A_733 = arith.constant 32 : index
    %get3A_734 = tpu.vector_load %arg6[%get3A_732, %get3A_733] {strides = array<i32>} : memref<16x128xf32, #tpu.memory_space<vmem>>, vector<1x16xf32>,
    %get3A_735 = vector.shape_cast %get3A_734 : vector<1x16xf32> to vector<16xf32>
    %sub3A_736 = vector.broadcast %squeeze3A : f32 to vector<16xf32>
    %sub3A_737 = arith.subf %get3A_735, %sub3A_736 : vector<16xf32>
    %add3A_738 = arith.constant 1.000000e-01 : f32
    %add3A_739 = vector.broadcast %add3A_738 : f32 to vector<16xf32>
    %add3A_740 = arith.addf %sub3A_737, %add3A_739 : vector<16xf32>
    %max3A_741 = arith.constant 0.000000e+00 : f32
    %max3A_742 = vector.broadcast %max3A_741 : f32 to vector<16xf32>
    %max3A_743 = arith.maximumf %add3A_740, %max3A_742 : vector<16xf32>
    %add3A_744 = arith.addf %add3A_730, %max3A_743 : vector<16xf32>
    %get3A_745 = arith.constant 4 : i32
    %get3A_746 = arith.index_cast %get3A_745 : i32 to index
    %get3A_747 = arith.constant 48 : index
    %get3A_748 = tpu.vector_load %arg6[%get3A_746, %get3A_747] {strides = array<i32>} : memref<16x128xf32, #tpu.memory_space<vmem>>, vector<1x16xf32>,
    %get3A_749 = vector.shape_cast %get3A_748 : vector<1x16xf32> to vector<16xf32>
    %sub3A_750 = vector.broadcast %squeeze3A : f32 to vector<16xf32>
    %sub3A_751 = arith.subf %get3A_749, %sub3A_750 : vector<16xf32>
    %add3A_752 = arith.constant 1.000000e-01 : f32
    %add3A_753 = vector.broadcast %add3A_752 : f32 to vector<16xf32>
    %add3A_754 = arith.addf %sub3A_751, %add3A_753 : vector<16xf32>
    %max3A_755 = arith.constant 0.000000e+00 : f32
    %max3A_756 = vector.broadcast %max3A_755 : f32 to vector<16xf32>
    %max3A_757 = arith.maximumf %add3A_754, %max3A_756 : vector<16xf32>
    %add3A_758 = arith.addf %add3A_744, %max3A_757 : vector<16xf32>
    %get3A_759 = arith.constant 4 : i32
    %get3A_760 = arith.index_cast %get3A_759 : i32 to index
    %get3A_761 = arith.constant 64 : index
    %get3A_762 = tpu.vector_load %arg6[%get3A_760, %get3A_761] {strides = array<i32>} : memref<16x128xf32, #tpu.memory_space<vmem>>, vector<1x16xf32>,
    %get3A_763 = vector.shape_cast %get3A_762 : vector<1x16xf32> to vector<16xf32>
    %sub3A_764 = vector.broadcast %squeeze3A : f32 to vector<16xf32>
    %sub3A_765 = arith.subf %get3A_763, %sub3A_764 : vector<16xf32>
    %add3A_766 = arith.constant 1.000000e-01 : f32
    %add3A_767 = vector.broadcast %add3A_766 : f32 to vector<16xf32>
    %add3A_768 = arith.addf %sub3A_765, %add3A_767 : vector<16xf32>
    %max3A_769 = arith.constant 0.000000e+00 : f32
    %max3A_770 = vector.broadcast %max3A_769 : f32 to vector<16xf32>
    %max3A_771 = arith.maximumf %add3A_768, %max3A_770 : vector<16xf32>
    %add3A_772 = arith.addf %add3A_758, %max3A_771 : vector<16xf32>
    %get3A_773 = arith.constant 4 : i32
    %get3A_774 = arith.index_cast %get3A_773 : i32 to index
    %get3A_775 = arith.constant 80 : index
    %get3A_776 = tpu.vector_load %arg6[%get3A_774, %get3A_775] {strides = array<i32>} : memref<16x128xf32, #tpu.memory_space<vmem>>, vector<1x16xf32>,
    %get3A_777 = vector.shape_cast %get3A_776 : vector<1x16xf32> to vector<16xf32>
    %sub3A_778 = vector.broadcast %squeeze3A : f32 to vector<16xf32>
    %sub3A_779 = arith.subf %get3A_777, %sub3A_778 : vector<16xf32>
    %add3A_780 = arith.constant 1.000000e-01 : f32
    %add3A_781 = vector.broadcast %add3A_780 : f32 to vector<16xf32>
    %add3A_782 = arith.addf %sub3A_779, %add3A_781 : vector<16xf32>
    %max3A_783 = arith.constant 0.000000e+00 : f32
    %max3A_784 = vector.broadcast %max3A_783 : f32 to vector<16xf32>
    %max3A_785 = arith.maximumf %add3A_782, %max3A_784 : vector<16xf32>
    %add3A_786 = arith.addf %add3A_772, %max3A_785 : vector<16xf32>
    %get3A_787 = arith.constant 4 : i32
    %get3A_788 = arith.index_cast %get3A_787 : i32 to index
    %get3A_789 = arith.constant 96 : index
    %get3A_790 = tpu.vector_load %arg6[%get3A_788, %get3A_789] {strides = array<i32>} : memref<16x128xf32, #tpu.memory_space<vmem>>, vector<1x16xf32>,
    %get3A_791 = vector.shape_cast %get3A_790 : vector<1x16xf32> to vector<16xf32>
    %sub3A_792 = vector.broadcast %squeeze3A : f32 to vector<16xf32>
    %sub3A_793 = arith.subf %get3A_791, %sub3A_792 : vector<16xf32>
    %add3A_794 = arith.constant 1.000000e-01 : f32
    %add3A_795 = vector.broadcast %add3A_794 : f32 to vector<16xf32>
    %add3A_796 = arith.addf %sub3A_793, %add3A_795 : vector<16xf32>
    %max3A_797 = arith.constant 0.000000e+00 : f32
    %max3A_798 = vector.broadcast %max3A_797 : f32 to vector<16xf32>
    %max3A_799 = arith.maximumf %add3A_796, %max3A_798 : vector<16xf32>
    %add3A_800 = arith.addf %add3A_786, %max3A_799 : vector<16xf32>
    %get3A_801 = arith.constant 4 : i32
    %get3A_802 = arith.index_cast %get3A_801 : i32 to index
    %get3A_803 = arith.constant 112 : index
    %get3A_804 = tpu.vector_load %arg6[%get3A_802, %get3A_803] {strides = array<i32>} : memref<16x128xf32, #tpu.memory_space<vmem>>, vector<1x16xf32>,
    %get3A_805 = vector.shape_cast %get3A_804 : vector<1x16xf32> to vector<16xf32>
    %sub3A_806 = vector.broadcast %squeeze3A : f32 to vector<16xf32>
    %sub3A_807 = arith.subf %get3A_805, %sub3A_806 : vector<16xf32>
    %add3A_808 = arith.constant 1.000000e-01 : f32
    %add3A_809 = vector.broadcast %add3A_808 : f32 to vector<16xf32>
    %add3A_810 = arith.addf %sub3A_807, %add3A_809 : vector<16xf32>
    %max3A_811 = arith.constant 0.000000e+00 : f32
    %max3A_812 = vector.broadcast %max3A_811 : f32 to vector<16xf32>
    %max3A_813 = arith.maximumf %add3A_810, %max3A_812 : vector<16xf32>
    %add3A_814 = arith.addf %add3A_800, %max3A_813 : vector<16xf32>
    %dma_wait3A_815 = arith.constant 5 : i32
    %dma_wait3A_816 = arith.constant 0 : i32
    %dma_wait3A_817 = tpu.memref_slice %arg6[%dma_wait3A_815, %dma_wait3A_816] : memref<16x128xf32, #tpu.memory_space<vmem>> -> memref<1x128xf32, #tpu.memory_space<vmem>>
    %dma_wait3A_818 = tpu.memref_squeeze %dma_wait3A_817 : memref<1x128xf32, #tpu.memory_space<vmem>> -> memref<128xf32, #tpu.memory_space<vmem>>
    %dma_wait3A_819 = arith.constant 640 : i32
    %dma_wait3A_820 = tpu.memref_slice %arg5[%dma_wait3A_819] : memref<2048xi32, #tpu.memory_space<vmem>> -> memref<128xi32, #tpu.memory_space<vmem>>
    %dma_wait3A_821 = arith.constant 0 : i32
    %dma_wait3A_822 = tpu.memref_slice %arg2[%dma_wait3A_821] : memref<32768xf32, #tpu.memory_space<hbm>> -> memref<32768xf32, #tpu.memory_space<hbm>>
    tpu.wait_indirect_dma semaphore(%arg12 : memref<!tpu.dma_semaphore, #tpu.memory_space<semaphore_mem>>) src(%dma_wait3A_822 : memref<32768xf32, #tpu.memory_space<hbm>>) dst(%dma_wait3A_818 : memref<128xf32, #tpu.memory_space<vmem>>)
    %get3A_823 = arith.constant 5 : i32
    %get3A_824 = arith.index_cast %get3A_823 : i32 to index
    %get3A_825 = arith.constant 0 : index
    %get3A_826 = tpu.vector_load %arg6[%get3A_824, %get3A_825] {strides = array<i32>} : memref<16x128xf32, #tpu.memory_space<vmem>>, vector<1x16xf32>,
    %get3A_827 = vector.shape_cast %get3A_826 : vector<1x16xf32> to vector<16xf32>
    %sub3A_828 = vector.broadcast %squeeze3A : f32 to vector<16xf32>
    %sub3A_829 = arith.subf %get3A_827, %sub3A_828 : vector<16xf32>
    %add3A_830 = arith.constant 1.000000e-01 : f32
    %add3A_831 = vector.broadcast %add3A_830 : f32 to vector<16xf32>
    %add3A_832 = arith.addf %sub3A_829, %add3A_831 : vector<16xf32>
    %max3A_833 = arith.constant 0.000000e+00 : f32
    %max3A_834 = vector.broadcast %max3A_833 : f32 to vector<16xf32>
    %max3A_835 = arith.maximumf %add3A_832, %max3A_834 : vector<16xf32>
    %add3A_836 = arith.addf %add3A_814, %max3A_835 : vector<16xf32>
    %get3A_837 = arith.constant 5 : i32
    %get3A_838 = arith.index_cast %get3A_837 : i32 to index
    %get3A_839 = arith.constant 16 : index
    %get3A_840 = tpu.vector_load %arg6[%get3A_838, %get3A_839] {strides = array<i32>} : memref<16x128xf32, #tpu.memory_space<vmem>>, vector<1x16xf32>,
    %get3A_841 = vector.shape_cast %get3A_840 : vector<1x16xf32> to vector<16xf32>
    %sub3A_842 = vector.broadcast %squeeze3A : f32 to vector<16xf32>
    %sub3A_843 = arith.subf %get3A_841, %sub3A_842 : vector<16xf32>
    %add3A_844 = arith.constant 1.000000e-01 : f32
    %add3A_845 = vector.broadcast %add3A_844 : f32 to vector<16xf32>
    %add3A_846 = arith.addf %sub3A_843, %add3A_845 : vector<16xf32>
    %max3A_847 = arith.constant 0.000000e+00 : f32
    %max3A_848 = vector.broadcast %max3A_847 : f32 to vector<16xf32>
    %max3A_849 = arith.maximumf %add3A_846, %max3A_848 : vector<16xf32>
    %add3A_850 = arith.addf %add3A_836, %max3A_849 : vector<16xf32>
    %get3A_851 = arith.constant 5 : i32
    %get3A_852 = arith.index_cast %get3A_851 : i32 to index
    %get3A_853 = arith.constant 32 : index
    %get3A_854 = tpu.vector_load %arg6[%get3A_852, %get3A_853] {strides = array<i32>} : memref<16x128xf32, #tpu.memory_space<vmem>>, vector<1x16xf32>,
    %get3A_855 = vector.shape_cast %get3A_854 : vector<1x16xf32> to vector<16xf32>
    %sub3A_856 = vector.broadcast %squeeze3A : f32 to vector<16xf32>
    %sub3A_857 = arith.subf %get3A_855, %sub3A_856 : vector<16xf32>
    %add3A_858 = arith.constant 1.000000e-01 : f32
    %add3A_859 = vector.broadcast %add3A_858 : f32 to vector<16xf32>
    %add3A_860 = arith.addf %sub3A_857, %add3A_859 : vector<16xf32>
    %max3A_861 = arith.constant 0.000000e+00 : f32
    %max3A_862 = vector.broadcast %max3A_861 : f32 to vector<16xf32>
    %max3A_863 = arith.maximumf %add3A_860, %max3A_862 : vector<16xf32>
    %add3A_864 = arith.addf %add3A_850, %max3A_863 : vector<16xf32>
    %get3A_865 = arith.constant 5 : i32
    %get3A_866 = arith.index_cast %get3A_865 : i32 to index
    %get3A_867 = arith.constant 48 : index
    %get3A_868 = tpu.vector_load %arg6[%get3A_866, %get3A_867] {strides = array<i32>} : memref<16x128xf32, #tpu.memory_space<vmem>>, vector<1x16xf32>,
    %get3A_869 = vector.shape_cast %get3A_868 : vector<1x16xf32> to vector<16xf32>
    %sub3A_870 = vector.broadcast %squeeze3A : f32 to vector<16xf32>
    %sub3A_871 = arith.subf %get3A_869, %sub3A_870 : vector<16xf32>
    %add3A_872 = arith.constant 1.000000e-01 : f32
    %add3A_873 = vector.broadcast %add3A_872 : f32 to vector<16xf32>
    %add3A_874 = arith.addf %sub3A_871, %add3A_873 : vector<16xf32>
    %max3A_875 = arith.constant 0.000000e+00 : f32
    %max3A_876 = vector.broadcast %max3A_875 : f32 to vector<16xf32>
    %max3A_877 = arith.maximumf %add3A_874, %max3A_876 : vector<16xf32>
    %add3A_878 = arith.addf %add3A_864, %max3A_877 : vector<16xf32>
    %get3A_879 = arith.constant 5 : i32
    %get3A_880 = arith.index_cast %get3A_879 : i32 to index
    %get3A_881 = arith.constant 64 : index
    %get3A_882 = tpu.vector_load %arg6[%get3A_880, %get3A_881] {strides = array<i32>} : memref<16x128xf32, #tpu.memory_space<vmem>>, vector<1x16xf32>,
    %get3A_883 = vector.shape_cast %get3A_882 : vector<1x16xf32> to vector<16xf32>
    %sub3A_884 = vector.broadcast %squeeze3A : f32 to vector<16xf32>
    %sub3A_885 = arith.subf %get3A_883, %sub3A_884 : vector<16xf32>
    %add3A_886 = arith.constant 1.000000e-01 : f32
    %add3A_887 = vector.broadcast %add3A_886 : f32 to vector<16xf32>
    %add3A_888 = arith.addf %sub3A_885, %add3A_887 : vector<16xf32>
    %max3A_889 = arith.constant 0.000000e+00 : f32
    %max3A_890 = vector.broadcast %max3A_889 : f32 to vector<16xf32>
    %max3A_891 = arith.maximumf %add3A_888, %max3A_890 : vector<16xf32>
    %add3A_892 = arith.addf %add3A_878, %max3A_891 : vector<16xf32>
    %get3A_893 = arith.constant 5 : i32
    %get3A_894 = arith.index_cast %get3A_893 : i32 to index
    %get3A_895 = arith.constant 80 : index
    %get3A_896 = tpu.vector_load %arg6[%get3A_894, %get3A_895] {strides = array<i32>} : memref<16x128xf32, #tpu.memory_space<vmem>>, vector<1x16xf32>,
    %get3A_897 = vector.shape_cast %get3A_896 : vector<1x16xf32> to vector<16xf32>
    %sub3A_898 = vector.broadcast %squeeze3A : f32 to vector<16xf32>
    %sub3A_899 = arith.subf %get3A_897, %sub3A_898 : vector<16xf32>
    %add3A_900 = arith.constant 1.000000e-01 : f32
    %add3A_901 = vector.broadcast %add3A_900 : f32 to vector<16xf32>
    %add3A_902 = arith.addf %sub3A_899, %add3A_901 : vector<16xf32>
    %max3A_903 = arith.constant 0.000000e+00 : f32
    %max3A_904 = vector.broadcast %max3A_903 : f32 to vector<16xf32>
    %max3A_905 = arith.maximumf %add3A_902, %max3A_904 : vector<16xf32>
    %add3A_906 = arith.addf %add3A_892, %max3A_905 : vector<16xf32>
    %get3A_907 = arith.constant 5 : i32
    %get3A_908 = arith.index_cast %get3A_907 : i32 to index
    %get3A_909 = arith.constant 96 : index
    %get3A_910 = tpu.vector_load %arg6[%get3A_908, %get3A_909] {strides = array<i32>} : memref<16x128xf32, #tpu.memory_space<vmem>>, vector<1x16xf32>,
    %get3A_911 = vector.shape_cast %get3A_910 : vector<1x16xf32> to vector<16xf32>
    %sub3A_912 = vector.broadcast %squeeze3A : f32 to vector<16xf32>
    %sub3A_913 = arith.subf %get3A_911, %sub3A_912 : vector<16xf32>
    %add3A_914 = arith.constant 1.000000e-01 : f32
    %add3A_915 = vector.broadcast %add3A_914 : f32 to vector<16xf32>
    %add3A_916 = arith.addf %sub3A_913, %add3A_915 : vector<16xf32>
    %max3A_917 = arith.constant 0.000000e+00 : f32
    %max3A_918 = vector.broadcast %max3A_917 : f32 to vector<16xf32>
    %max3A_919 = arith.maximumf %add3A_916, %max3A_918 : vector<16xf32>
    %add3A_920 = arith.addf %add3A_906, %max3A_919 : vector<16xf32>
    %get3A_921 = arith.constant 5 : i32
    %get3A_922 = arith.index_cast %get3A_921 : i32 to index
    %get3A_923 = arith.constant 112 : index
    %get3A_924 = tpu.vector_load %arg6[%get3A_922, %get3A_923] {strides = array<i32>} : memref<16x128xf32, #tpu.memory_space<vmem>>, vector<1x16xf32>,
    %get3A_925 = vector.shape_cast %get3A_924 : vector<1x16xf32> to vector<16xf32>
    %sub3A_926 = vector.broadcast %squeeze3A : f32 to vector<16xf32>
    %sub3A_927 = arith.subf %get3A_925, %sub3A_926 : vector<16xf32>
    %add3A_928 = arith.constant 1.000000e-01 : f32
    %add3A_929 = vector.broadcast %add3A_928 : f32 to vector<16xf32>
    %add3A_930 = arith.addf %sub3A_927, %add3A_929 : vector<16xf32>
    %max3A_931 = arith.constant 0.000000e+00 : f32
    %max3A_932 = vector.broadcast %max3A_931 : f32 to vector<16xf32>
    %max3A_933 = arith.maximumf %add3A_930, %max3A_932 : vector<16xf32>
    %add3A_934 = arith.addf %add3A_920, %max3A_933 : vector<16xf32>
    %dma_wait3A_935 = arith.constant 6 : i32
    %dma_wait3A_936 = arith.constant 0 : i32
    %dma_wait3A_937 = tpu.memref_slice %arg6[%dma_wait3A_935, %dma_wait3A_936] : memref<16x128xf32, #tpu.memory_space<vmem>> -> memref<1x128xf32, #tpu.memory_space<vmem>>
    %dma_wait3A_938 = tpu.memref_squeeze %dma_wait3A_937 : memref<1x128xf32, #tpu.memory_space<vmem>> -> memref<128xf32, #tpu.memory_space<vmem>>
    %dma_wait3A_939 = arith.constant 768 : i32
    %dma_wait3A_940 = tpu.memref_slice %arg5[%dma_wait3A_939] : memref<2048xi32, #tpu.memory_space<vmem>> -> memref<128xi32, #tpu.memory_space<vmem>>
    %dma_wait3A_941 = arith.constant 0 : i32
    %dma_wait3A_942 = tpu.memref_slice %arg2[%dma_wait3A_941] : memref<32768xf32, #tpu.memory_space<hbm>> -> memref<32768xf32, #tpu.memory_space<hbm>>
    tpu.wait_indirect_dma semaphore(%arg12 : memref<!tpu.dma_semaphore, #tpu.memory_space<semaphore_mem>>) src(%dma_wait3A_942 : memref<32768xf32, #tpu.memory_space<hbm>>) dst(%dma_wait3A_938 : memref<128xf32, #tpu.memory_space<vmem>>)
    %get3A_943 = arith.constant 6 : i32
    %get3A_944 = arith.index_cast %get3A_943 : i32 to index
    %get3A_945 = arith.constant 0 : index
    %get3A_946 = tpu.vector_load %arg6[%get3A_944, %get3A_945] {strides = array<i32>} : memref<16x128xf32, #tpu.memory_space<vmem>>, vector<1x16xf32>,
    %get3A_947 = vector.shape_cast %get3A_946 : vector<1x16xf32> to vector<16xf32>
    %sub3A_948 = vector.broadcast %squeeze3A : f32 to vector<16xf32>
    %sub3A_949 = arith.subf %get3A_947, %sub3A_948 : vector<16xf32>
    %add3A_950 = arith.constant 1.000000e-01 : f32
    %add3A_951 = vector.broadcast %add3A_950 : f32 to vector<16xf32>
    %add3A_952 = arith.addf %sub3A_949, %add3A_951 : vector<16xf32>
    %max3A_953 = arith.constant 0.000000e+00 : f32
    %max3A_954 = vector.broadcast %max3A_953 : f32 to vector<16xf32>
    %max3A_955 = arith.maximumf %add3A_952, %max3A_954 : vector<16xf32>
    %add3A_956 = arith.addf %add3A_934, %max3A_955 : vector<16xf32>
    %get3A_957 = arith.constant 6 : i32
    %get3A_958 = arith.index_cast %get3A_957 : i32 to index
    %get3A_959 = arith.constant 16 : index
    %get3A_960 = tpu.vector_load %arg6[%get3A_958, %get3A_959] {strides = array<i32>} : memref<16x128xf32, #tpu.memory_space<vmem>>, vector<1x16xf32>,
    %get3A_961 = vector.shape_cast %get3A_960 : vector<1x16xf32> to vector<16xf32>
    %sub3A_962 = vector.broadcast %squeeze3A : f32 to vector<16xf32>
    %sub3A_963 = arith.subf %get3A_961, %sub3A_962 : vector<16xf32>
    %add3A_964 = arith.constant 1.000000e-01 : f32
    %add3A_965 = vector.broadcast %add3A_964 : f32 to vector<16xf32>
    %add3A_966 = arith.addf %sub3A_963, %add3A_965 : vector<16xf32>
    %max3A_967 = arith.constant 0.000000e+00 : f32
    %max3A_968 = vector.broadcast %max3A_967 : f32 to vector<16xf32>
    %max3A_969 = arith.maximumf %add3A_966, %max3A_968 : vector<16xf32>
    %add3A_970 = arith.addf %add3A_956, %max3A_969 : vector<16xf32>
    %get3A_971 = arith.constant 6 : i32
    %get3A_972 = arith.index_cast %get3A_971 : i32 to index
    %get3A_973 = arith.constant 32 : index
    %get3A_974 = tpu.vector_load %arg6[%get3A_972, %get3A_973] {strides = array<i32>} : memref<16x128xf32, #tpu.memory_space<vmem>>, vector<1x16xf32>,
    %get3A_975 = vector.shape_cast %get3A_974 : vector<1x16xf32> to vector<16xf32>
    %sub3A_976 = vector.broadcast %squeeze3A : f32 to vector<16xf32>
    %sub3A_977 = arith.subf %get3A_975, %sub3A_976 : vector<16xf32>
    %add3A_978 = arith.constant 1.000000e-01 : f32
    %add3A_979 = vector.broadcast %add3A_978 : f32 to vector<16xf32>
    %add3A_980 = arith.addf %sub3A_977, %add3A_979 : vector<16xf32>
    %max3A_981 = arith.constant 0.000000e+00 : f32
    %max3A_982 = vector.broadcast %max3A_981 : f32 to vector<16xf32>
    %max3A_983 = arith.maximumf %add3A_980, %max3A_982 : vector<16xf32>
    %add3A_984 = arith.addf %add3A_970, %max3A_983 : vector<16xf32>
    %get3A_985 = arith.constant 6 : i32
    %get3A_986 = arith.index_cast %get3A_985 : i32 to index
    %get3A_987 = arith.constant 48 : index
    %get3A_988 = tpu.vector_load %arg6[%get3A_986, %get3A_987] {strides = array<i32>} : memref<16x128xf32, #tpu.memory_space<vmem>>, vector<1x16xf32>,
    %get3A_989 = vector.shape_cast %get3A_988 : vector<1x16xf32> to vector<16xf32>
    %sub3A_990 = vector.broadcast %squeeze3A : f32 to vector<16xf32>
    %sub3A_991 = arith.subf %get3A_989, %sub3A_990 : vector<16xf32>
    %add3A_992 = arith.constant 1.000000e-01 : f32
    %add3A_993 = vector.broadcast %add3A_992 : f32 to vector<16xf32>
    %add3A_994 = arith.addf %sub3A_991, %add3A_993 : vector<16xf32>
    %max3A_995 = arith.constant 0.000000e+00 : f32
    %max3A_996 = vector.broadcast %max3A_995 : f32 to vector<16xf32>
    %max3A_997 = arith.maximumf %add3A_994, %max3A_996 : vector<16xf32>
    %add3A_998 = arith.addf %add3A_984, %max3A_997 : vector<16xf32>
    %get3A_999 = arith.constant 6 : i32
    %get3A_1000 = arith.index_cast %get3A_999 : i32 to index
    %get3A_1001 = arith.constant 64 : index
    %get3A_1002 = tpu.vector_load %arg6[%get3A_1000, %get3A_1001] {strides = array<i32>} : memref<16x128xf32, #tpu.memory_space<vmem>>, vector<1x16xf32>,
    %get3A_1003 = vector.shape_cast %get3A_1002 : vector<1x16xf32> to vector<16xf32>
    %sub3A_1004 = vector.broadcast %squeeze3A : f32 to vector<16xf32>
    %sub3A_1005 = arith.subf %get3A_1003, %sub3A_1004 : vector<16xf32>
    %add3A_1006 = arith.constant 1.000000e-01 : f32
    %add3A_1007 = vector.broadcast %add3A_1006 : f32 to vector<16xf32>
    %add3A_1008 = arith.addf %sub3A_1005, %add3A_1007 : vector<16xf32>
    %max3A_1009 = arith.constant 0.000000e+00 : f32
    %max3A_1010 = vector.broadcast %max3A_1009 : f32 to vector<16xf32>
    %max3A_1011 = arith.maximumf %add3A_1008, %max3A_1010 : vector<16xf32>
    %add3A_1012 = arith.addf %add3A_998, %max3A_1011 : vector<16xf32>
    %get3A_1013 = arith.constant 6 : i32
    %get3A_1014 = arith.index_cast %get3A_1013 : i32 to index
    %get3A_1015 = arith.constant 80 : index
    %get3A_1016 = tpu.vector_load %arg6[%get3A_1014, %get3A_1015] {strides = array<i32>} : memref<16x128xf32, #tpu.memory_space<vmem>>, vector<1x16xf32>,
    %get3A_1017 = vector.shape_cast %get3A_1016 : vector<1x16xf32> to vector<16xf32>
    %sub3A_1018 = vector.broadcast %squeeze3A : f32 to vector<16xf32>
    %sub3A_1019 = arith.subf %get3A_1017, %sub3A_1018 : vector<16xf32>
    %add3A_1020 = arith.constant 1.000000e-01 : f32
    %add3A_1021 = vector.broadcast %add3A_1020 : f32 to vector<16xf32>
    %add3A_1022 = arith.addf %sub3A_1019, %add3A_1021 : vector<16xf32>
    %max3A_1023 = arith.constant 0.000000e+00 : f32
    %max3A_1024 = vector.broadcast %max3A_1023 : f32 to vector<16xf32>
    %max3A_1025 = arith.maximumf %add3A_1022, %max3A_1024 : vector<16xf32>
    %add3A_1026 = arith.addf %add3A_1012, %max3A_1025 : vector<16xf32>
    %get3A_1027 = arith.constant 6 : i32
    %get3A_1028 = arith.index_cast %get3A_1027 : i32 to index
    %get3A_1029 = arith.constant 96 : index
    %get3A_1030 = tpu.vector_load %arg6[%get3A_1028, %get3A_1029] {strides = array<i32>} : memref<16x128xf32, #tpu.memory_space<vmem>>, vector<1x16xf32>,
    %get3A_1031 = vector.shape_cast %get3A_1030 : vector<1x16xf32> to vector<16xf32>
    %sub3A_1032 = vector.broadcast %squeeze3A : f32 to vector<16xf32>
    %sub3A_1033 = arith.subf %get3A_1031, %sub3A_1032 : vector<16xf32>
    %add3A_1034 = arith.constant 1.000000e-01 : f32
    %add3A_1035 = vector.broadcast %add3A_1034 : f32 to vector<16xf32>
    %add3A_1036 = arith.addf %sub3A_1033, %add3A_1035 : vector<16xf32>
    %max3A_1037 = arith.constant 0.000000e+00 : f32
    %max3A_1038 = vector.broadcast %max3A_1037 : f32 to vector<16xf32>
    %max3A_1039 = arith.maximumf %add3A_1036, %max3A_1038 : vector<16xf32>
    %add3A_1040 = arith.addf %add3A_1026, %max3A_1039 : vector<16xf32>
    %get3A_1041 = arith.constant 6 : i32
    %get3A_1042 = arith.index_cast %get3A_1041 : i32 to index
    %get3A_1043 = arith.constant 112 : index
    %get3A_1044 = tpu.vector_load %arg6[%get3A_1042, %get3A_1043] {strides = array<i32>} : memref<16x128xf32, #tpu.memory_space<vmem>>, vector<1x16xf32>,
    %get3A_1045 = vector.shape_cast %get3A_1044 : vector<1x16xf32> to vector<16xf32>
    %sub3A_1046 = vector.broadcast %squeeze3A : f32 to vector<16xf32>
    %sub3A_1047 = arith.subf %get3A_1045, %sub3A_1046 : vector<16xf32>
    %add3A_1048 = arith.constant 1.000000e-01 : f32
    %add3A_1049 = vector.broadcast %add3A_1048 : f32 to vector<16xf32>
    %add3A_1050 = arith.addf %sub3A_1047, %add3A_1049 : vector<16xf32>
    %max3A_1051 = arith.constant 0.000000e+00 : f32
    %max3A_1052 = vector.broadcast %max3A_1051 : f32 to vector<16xf32>
    %max3A_1053 = arith.maximumf %add3A_1050, %max3A_1052 : vector<16xf32>
    %add3A_1054 = arith.addf %add3A_1040, %max3A_1053 : vector<16xf32>
    %dma_wait3A_1055 = arith.constant 7 : i32
    %dma_wait3A_1056 = arith.constant 0 : i32
    %dma_wait3A_1057 = tpu.memref_slice %arg6[%dma_wait3A_1055, %dma_wait3A_1056] : memref<16x128xf32, #tpu.memory_space<vmem>> -> memref<1x128xf32, #tpu.memory_space<vmem>>
    %dma_wait3A_1058 = tpu.memref_squeeze %dma_wait3A_1057 : memref<1x128xf32, #tpu.memory_space<vmem>> -> memref<128xf32, #tpu.memory_space<vmem>>
    %dma_wait3A_1059 = arith.constant 896 : i32
    %dma_wait3A_1060 = tpu.memref_slice %arg5[%dma_wait3A_1059] : memref<2048xi32, #tpu.memory_space<vmem>> -> memref<128xi32, #tpu.memory_space<vmem>>
    %dma_wait3A_1061 = arith.constant 0 : i32
    %dma_wait3A_1062 = tpu.memref_slice %arg2[%dma_wait3A_1061] : memref<32768xf32, #tpu.memory_space<hbm>> -> memref<32768xf32, #tpu.memory_space<hbm>>
    tpu.wait_indirect_dma semaphore(%arg12 : memref<!tpu.dma_semaphore, #tpu.memory_space<semaphore_mem>>) src(%dma_wait3A_1062 : memref<32768xf32, #tpu.memory_space<hbm>>) dst(%dma_wait3A_1058 : memref<128xf32, #tpu.memory_space<vmem>>)
    %get3A_1063 = arith.constant 7 : i32
    %get3A_1064 = arith.index_cast %get3A_1063 : i32 to index
    %get3A_1065 = arith.constant 0 : index
    %get3A_1066 = tpu.vector_load %arg6[%get3A_1064, %get3A_1065] {strides = array<i32>} : memref<16x128xf32, #tpu.memory_space<vmem>>, vector<1x16xf32>,
    %get3A_1067 = vector.shape_cast %get3A_1066 : vector<1x16xf32> to vector<16xf32>
    %sub3A_1068 = vector.broadcast %squeeze3A : f32 to vector<16xf32>
    %sub3A_1069 = arith.subf %get3A_1067, %sub3A_1068 : vector<16xf32>
    %add3A_1070 = arith.constant 1.000000e-01 : f32
    %add3A_1071 = vector.broadcast %add3A_1070 : f32 to vector<16xf32>
    %add3A_1072 = arith.addf %sub3A_1069, %add3A_1071 : vector<16xf32>
    %max3A_1073 = arith.constant 0.000000e+00 : f32
    %max3A_1074 = vector.broadcast %max3A_1073 : f32 to vector<16xf32>
    %max3A_1075 = arith.maximumf %add3A_1072, %max3A_1074 : vector<16xf32>
    %add3A_1076 = arith.addf %add3A_1054, %max3A_1075 : vector<16xf32>
    %get3A_1077 = arith.constant 7 : i32
    %get3A_1078 = arith.index_cast %get3A_1077 : i32 to index
    %get3A_1079 = arith.constant 16 : index
    %get3A_1080 = tpu.vector_load %arg6[%get3A_1078, %get3A_1079] {strides = array<i32>} : memref<16x128xf32, #tpu.memory_space<vmem>>, vector<1x16xf32>,
    %get3A_1081 = vector.shape_cast %get3A_1080 : vector<1x16xf32> to vector<16xf32>
    %sub3A_1082 = vector.broadcast %squeeze3A : f32 to vector<16xf32>
    %sub3A_1083 = arith.subf %get3A_1081, %sub3A_1082 : vector<16xf32>
    %add3A_1084 = arith.constant 1.000000e-01 : f32
    %add3A_1085 = vector.broadcast %add3A_1084 : f32 to vector<16xf32>
    %add3A_1086 = arith.addf %sub3A_1083, %add3A_1085 : vector<16xf32>
    %max3A_1087 = arith.constant 0.000000e+00 : f32
    %max3A_1088 = vector.broadcast %max3A_1087 : f32 to vector<16xf32>
    %max3A_1089 = arith.maximumf %add3A_1086, %max3A_1088 : vector<16xf32>
    %add3A_1090 = arith.addf %add3A_1076, %max3A_1089 : vector<16xf32>
    %get3A_1091 = arith.constant 7 : i32
    %get3A_1092 = arith.index_cast %get3A_1091 : i32 to index
    %get3A_1093 = arith.constant 32 : index
    %get3A_1094 = tpu.vector_load %arg6[%get3A_1092, %get3A_1093] {strides = array<i32>} : memref<16x128xf32, #tpu.memory_space<vmem>>, vector<1x16xf32>,
    %get3A_1095 = vector.shape_cast %get3A_1094 : vector<1x16xf32> to vector<16xf32>
    %sub3A_1096 = vector.broadcast %squeeze3A : f32 to vector<16xf32>
    %sub3A_1097 = arith.subf %get3A_1095, %sub3A_1096 : vector<16xf32>
    %add3A_1098 = arith.constant 1.000000e-01 : f32
    %add3A_1099 = vector.broadcast %add3A_1098 : f32 to vector<16xf32>
    %add3A_1100 = arith.addf %sub3A_1097, %add3A_1099 : vector<16xf32>
    %max3A_1101 = arith.constant 0.000000e+00 : f32
    %max3A_1102 = vector.broadcast %max3A_1101 : f32 to vector<16xf32>
    %max3A_1103 = arith.maximumf %add3A_1100, %max3A_1102 : vector<16xf32>
    %add3A_1104 = arith.addf %add3A_1090, %max3A_1103 : vector<16xf32>
    %get3A_1105 = arith.constant 7 : i32
    %get3A_1106 = arith.index_cast %get3A_1105 : i32 to index
    %get3A_1107 = arith.constant 48 : index
    %get3A_1108 = tpu.vector_load %arg6[%get3A_1106, %get3A_1107] {strides = array<i32>} : memref<16x128xf32, #tpu.memory_space<vmem>>, vector<1x16xf32>,
    %get3A_1109 = vector.shape_cast %get3A_1108 : vector<1x16xf32> to vector<16xf32>
    %sub3A_1110 = vector.broadcast %squeeze3A : f32 to vector<16xf32>
    %sub3A_1111 = arith.subf %get3A_1109, %sub3A_1110 : vector<16xf32>
    %add3A_1112 = arith.constant 1.000000e-01 : f32
    %add3A_1113 = vector.broadcast %add3A_1112 : f32 to vector<16xf32>
    %add3A_1114 = arith.addf %sub3A_1111, %add3A_1113 : vector<16xf32>
    %max3A_1115 = arith.constant 0.000000e+00 : f32
    %max3A_1116 = vector.broadcast %max3A_1115 : f32 to vector<16xf32>
    %max3A_1117 = arith.maximumf %add3A_1114, %max3A_1116 : vector<16xf32>
    %add3A_1118 = arith.addf %add3A_1104, %max3A_1117 : vector<16xf32>
    %get3A_1119 = arith.constant 7 : i32
    %get3A_1120 = arith.index_cast %get3A_1119 : i32 to index
    %get3A_1121 = arith.constant 64 : index
    %get3A_1122 = tpu.vector_load %arg6[%get3A_1120, %get3A_1121] {strides = array<i32>} : memref<16x128xf32, #tpu.memory_space<vmem>>, vector<1x16xf32>,
    %get3A_1123 = vector.shape_cast %get3A_1122 : vector<1x16xf32> to vector<16xf32>
    %sub3A_1124 = vector.broadcast %squeeze3A : f32 to vector<16xf32>
    %sub3A_1125 = arith.subf %get3A_1123, %sub3A_1124 : vector<16xf32>
    %add3A_1126 = arith.constant 1.000000e-01 : f32
    %add3A_1127 = vector.broadcast %add3A_1126 : f32 to vector<16xf32>
    %add3A_1128 = arith.addf %sub3A_1125, %add3A_1127 : vector<16xf32>
    %max3A_1129 = arith.constant 0.000000e+00 : f32
    %max3A_1130 = vector.broadcast %max3A_1129 : f32 to vector<16xf32>
    %max3A_1131 = arith.maximumf %add3A_1128, %max3A_1130 : vector<16xf32>
    %add3A_1132 = arith.addf %add3A_1118, %max3A_1131 : vector<16xf32>
    %get3A_1133 = arith.constant 7 : i32
    %get3A_1134 = arith.index_cast %get3A_1133 : i32 to index
    %get3A_1135 = arith.constant 80 : index
    %get3A_1136 = tpu.vector_load %arg6[%get3A_1134, %get3A_1135] {strides = array<i32>} : memref<16x128xf32, #tpu.memory_space<vmem>>, vector<1x16xf32>,
    %get3A_1137 = vector.shape_cast %get3A_1136 : vector<1x16xf32> to vector<16xf32>
    %sub3A_1138 = vector.broadcast %squeeze3A : f32 to vector<16xf32>
    %sub3A_1139 = arith.subf %get3A_1137, %sub3A_1138 : vector<16xf32>
    %add3A_1140 = arith.constant 1.000000e-01 : f32
    %add3A_1141 = vector.broadcast %add3A_1140 : f32 to vector<16xf32>
    %add3A_1142 = arith.addf %sub3A_1139, %add3A_1141 : vector<16xf32>
    %max3A_1143 = arith.constant 0.000000e+00 : f32
    %max3A_1144 = vector.broadcast %max3A_1143 : f32 to vector<16xf32>
    %max3A_1145 = arith.maximumf %add3A_1142, %max3A_1144 : vector<16xf32>
    %add3A_1146 = arith.addf %add3A_1132, %max3A_1145 : vector<16xf32>
    %get3A_1147 = arith.constant 7 : i32
    %get3A_1148 = arith.index_cast %get3A_1147 : i32 to index
    %get3A_1149 = arith.constant 96 : index
    %get3A_1150 = tpu.vector_load %arg6[%get3A_1148, %get3A_1149] {strides = array<i32>} : memref<16x128xf32, #tpu.memory_space<vmem>>, vector<1x16xf32>,
    %get3A_1151 = vector.shape_cast %get3A_1150 : vector<1x16xf32> to vector<16xf32>
    %sub3A_1152 = vector.broadcast %squeeze3A : f32 to vector<16xf32>
    %sub3A_1153 = arith.subf %get3A_1151, %sub3A_1152 : vector<16xf32>
    %add3A_1154 = arith.constant 1.000000e-01 : f32
    %add3A_1155 = vector.broadcast %add3A_1154 : f32 to vector<16xf32>
    %add3A_1156 = arith.addf %sub3A_1153, %add3A_1155 : vector<16xf32>
    %max3A_1157 = arith.constant 0.000000e+00 : f32
    %max3A_1158 = vector.broadcast %max3A_1157 : f32 to vector<16xf32>
    %max3A_1159 = arith.maximumf %add3A_1156, %max3A_1158 : vector<16xf32>
    %add3A_1160 = arith.addf %add3A_1146, %max3A_1159 : vector<16xf32>
    %get3A_1161 = arith.constant 7 : i32
    %get3A_1162 = arith.index_cast %get3A_1161 : i32 to index
    %get3A_1163 = arith.constant 112 : index
    %get3A_1164 = tpu.vector_load %arg6[%get3A_1162, %get3A_1163] {strides = array<i32>} : memref<16x128xf32, #tpu.memory_space<vmem>>, vector<1x16xf32>,
    %get3A_1165 = vector.shape_cast %get3A_1164 : vector<1x16xf32> to vector<16xf32>
    %sub3A_1166 = vector.broadcast %squeeze3A : f32 to vector<16xf32>
    %sub3A_1167 = arith.subf %get3A_1165, %sub3A_1166 : vector<16xf32>
    %add3A_1168 = arith.constant 1.000000e-01 : f32
    %add3A_1169 = vector.broadcast %add3A_1168 : f32 to vector<16xf32>
    %add3A_1170 = arith.addf %sub3A_1167, %add3A_1169 : vector<16xf32>
    %max3A_1171 = arith.constant 0.000000e+00 : f32
    %max3A_1172 = vector.broadcast %max3A_1171 : f32 to vector<16xf32>
    %max3A_1173 = arith.maximumf %add3A_1170, %max3A_1172 : vector<16xf32>
    %add3A_1174 = arith.addf %add3A_1160, %max3A_1173 : vector<16xf32>
    %dma_wait3A_1175 = arith.constant 8 : i32
    %dma_wait3A_1176 = arith.constant 0 : i32
    %dma_wait3A_1177 = tpu.memref_slice %arg6[%dma_wait3A_1175, %dma_wait3A_1176] : memref<16x128xf32, #tpu.memory_space<vmem>> -> memref<1x128xf32, #tpu.memory_space<vmem>>
    %dma_wait3A_1178 = tpu.memref_squeeze %dma_wait3A_1177 : memref<1x128xf32, #tpu.memory_space<vmem>> -> memref<128xf32, #tpu.memory_space<vmem>>
    %dma_wait3A_1179 = arith.constant 1024 : i32
    %dma_wait3A_1180 = tpu.memref_slice %arg5[%dma_wait3A_1179] : memref<2048xi32, #tpu.memory_space<vmem>> -> memref<128xi32, #tpu.memory_space<vmem>>
    %dma_wait3A_1181 = arith.constant 0 : i32
    %dma_wait3A_1182 = tpu.memref_slice %arg2[%dma_wait3A_1181] : memref<32768xf32, #tpu.memory_space<hbm>> -> memref<32768xf32, #tpu.memory_space<hbm>>
    tpu.wait_indirect_dma semaphore(%arg12 : memref<!tpu.dma_semaphore, #tpu.memory_space<semaphore_mem>>) src(%dma_wait3A_1182 : memref<32768xf32, #tpu.memory_space<hbm>>) dst(%dma_wait3A_1178 : memref<128xf32, #tpu.memory_space<vmem>>)
    %get3A_1183 = arith.constant 8 : i32
    %get3A_1184 = arith.index_cast %get3A_1183 : i32 to index
    %get3A_1185 = arith.constant 0 : index
    %get3A_1186 = tpu.vector_load %arg6[%get3A_1184, %get3A_1185] {strides = array<i32>} : memref<16x128xf32, #tpu.memory_space<vmem>>, vector<1x16xf32>,
    %get3A_1187 = vector.shape_cast %get3A_1186 : vector<1x16xf32> to vector<16xf32>
    %sub3A_1188 = vector.broadcast %squeeze3A : f32 to vector<16xf32>
    %sub3A_1189 = arith.subf %get3A_1187, %sub3A_1188 : vector<16xf32>
    %add3A_1190 = arith.constant 1.000000e-01 : f32
    %add3A_1191 = vector.broadcast %add3A_1190 : f32 to vector<16xf32>
    %add3A_1192 = arith.addf %sub3A_1189, %add3A_1191 : vector<16xf32>
    %max3A_1193 = arith.constant 0.000000e+00 : f32
    %max3A_1194 = vector.broadcast %max3A_1193 : f32 to vector<16xf32>
    %max3A_1195 = arith.maximumf %add3A_1192, %max3A_1194 : vector<16xf32>
    %add3A_1196 = arith.addf %add3A_1174, %max3A_1195 : vector<16xf32>
    %get3A_1197 = arith.constant 8 : i32
    %get3A_1198 = arith.index_cast %get3A_1197 : i32 to index
    %get3A_1199 = arith.constant 16 : index
    %get3A_1200 = tpu.vector_load %arg6[%get3A_1198, %get3A_1199] {strides = array<i32>} : memref<16x128xf32, #tpu.memory_space<vmem>>, vector<1x16xf32>,
    %get3A_1201 = vector.shape_cast %get3A_1200 : vector<1x16xf32> to vector<16xf32>
    %sub3A_1202 = vector.broadcast %squeeze3A : f32 to vector<16xf32>
    %sub3A_1203 = arith.subf %get3A_1201, %sub3A_1202 : vector<16xf32>
    %add3A_1204 = arith.constant 1.000000e-01 : f32
    %add3A_1205 = vector.broadcast %add3A_1204 : f32 to vector<16xf32>
    %add3A_1206 = arith.addf %sub3A_1203, %add3A_1205 : vector<16xf32>
    %max3A_1207 = arith.constant 0.000000e+00 : f32
    %max3A_1208 = vector.broadcast %max3A_1207 : f32 to vector<16xf32>
    %max3A_1209 = arith.maximumf %add3A_1206, %max3A_1208 : vector<16xf32>
    %add3A_1210 = arith.addf %add3A_1196, %max3A_1209 : vector<16xf32>
    %get3A_1211 = arith.constant 8 : i32
    %get3A_1212 = arith.index_cast %get3A_1211 : i32 to index
    %get3A_1213 = arith.constant 32 : index
    %get3A_1214 = tpu.vector_load %arg6[%get3A_1212, %get3A_1213] {strides = array<i32>} : memref<16x128xf32, #tpu.memory_space<vmem>>, vector<1x16xf32>,
    %get3A_1215 = vector.shape_cast %get3A_1214 : vector<1x16xf32> to vector<16xf32>
    %sub3A_1216 = vector.broadcast %squeeze3A : f32 to vector<16xf32>
    %sub3A_1217 = arith.subf %get3A_1215, %sub3A_1216 : vector<16xf32>
    %add3A_1218 = arith.constant 1.000000e-01 : f32
    %add3A_1219 = vector.broadcast %add3A_1218 : f32 to vector<16xf32>
    %add3A_1220 = arith.addf %sub3A_1217, %add3A_1219 : vector<16xf32>
    %max3A_1221 = arith.constant 0.000000e+00 : f32
    %max3A_1222 = vector.broadcast %max3A_1221 : f32 to vector<16xf32>
    %max3A_1223 = arith.maximumf %add3A_1220, %max3A_1222 : vector<16xf32>
    %add3A_1224 = arith.addf %add3A_1210, %max3A_1223 : vector<16xf32>
    %get3A_1225 = arith.constant 8 : i32
    %get3A_1226 = arith.index_cast %get3A_1225 : i32 to index
    %get3A_1227 = arith.constant 48 : index
    %get3A_1228 = tpu.vector_load %arg6[%get3A_1226, %get3A_1227] {strides = array<i32>} : memref<16x128xf32, #tpu.memory_space<vmem>>, vector<1x16xf32>,
    %get3A_1229 = vector.shape_cast %get3A_1228 : vector<1x16xf32> to vector<16xf32>
    %sub3A_1230 = vector.broadcast %squeeze3A : f32 to vector<16xf32>
    %sub3A_1231 = arith.subf %get3A_1229, %sub3A_1230 : vector<16xf32>
    %add3A_1232 = arith.constant 1.000000e-01 : f32
    %add3A_1233 = vector.broadcast %add3A_1232 : f32 to vector<16xf32>
    %add3A_1234 = arith.addf %sub3A_1231, %add3A_1233 : vector<16xf32>
    %max3A_1235 = arith.constant 0.000000e+00 : f32
    %max3A_1236 = vector.broadcast %max3A_1235 : f32 to vector<16xf32>
    %max3A_1237 = arith.maximumf %add3A_1234, %max3A_1236 : vector<16xf32>
    %add3A_1238 = arith.addf %add3A_1224, %max3A_1237 : vector<16xf32>
    %get3A_1239 = arith.constant 8 : i32
    %get3A_1240 = arith.index_cast %get3A_1239 : i32 to index
    %get3A_1241 = arith.constant 64 : index
    %get3A_1242 = tpu.vector_load %arg6[%get3A_1240, %get3A_1241] {strides = array<i32>} : memref<16x128xf32, #tpu.memory_space<vmem>>, vector<1x16xf32>,
    %get3A_1243 = vector.shape_cast %get3A_1242 : vector<1x16xf32> to vector<16xf32>
    %sub3A_1244 = vector.broadcast %squeeze3A : f32 to vector<16xf32>
    %sub3A_1245 = arith.subf %get3A_1243, %sub3A_1244 : vector<16xf32>
    %add3A_1246 = arith.constant 1.000000e-01 : f32
    %add3A_1247 = vector.broadcast %add3A_1246 : f32 to vector<16xf32>
    %add3A_1248 = arith.addf %sub3A_1245, %add3A_1247 : vector<16xf32>
    %max3A_1249 = arith.constant 0.000000e+00 : f32
    %max3A_1250 = vector.broadcast %max3A_1249 : f32 to vector<16xf32>
    %max3A_1251 = arith.maximumf %add3A_1248, %max3A_1250 : vector<16xf32>
    %add3A_1252 = arith.addf %add3A_1238, %max3A_1251 : vector<16xf32>
    %get3A_1253 = arith.constant 8 : i32
    %get3A_1254 = arith.index_cast %get3A_1253 : i32 to index
    %get3A_1255 = arith.constant 80 : index
    %get3A_1256 = tpu.vector_load %arg6[%get3A_1254, %get3A_1255] {strides = array<i32>} : memref<16x128xf32, #tpu.memory_space<vmem>>, vector<1x16xf32>,
    %get3A_1257 = vector.shape_cast %get3A_1256 : vector<1x16xf32> to vector<16xf32>
    %sub3A_1258 = vector.broadcast %squeeze3A : f32 to vector<16xf32>
    %sub3A_1259 = arith.subf %get3A_1257, %sub3A_1258 : vector<16xf32>
    %add3A_1260 = arith.constant 1.000000e-01 : f32
    %add3A_1261 = vector.broadcast %add3A_1260 : f32 to vector<16xf32>
    %add3A_1262 = arith.addf %sub3A_1259, %add3A_1261 : vector<16xf32>
    %max3A_1263 = arith.constant 0.000000e+00 : f32
    %max3A_1264 = vector.broadcast %max3A_1263 : f32 to vector<16xf32>
    %max3A_1265 = arith.maximumf %add3A_1262, %max3A_1264 : vector<16xf32>
    %add3A_1266 = arith.addf %add3A_1252, %max3A_1265 : vector<16xf32>
    %get3A_1267 = arith.constant 8 : i32
    %get3A_1268 = arith.index_cast %get3A_1267 : i32 to index
    %get3A_1269 = arith.constant 96 : index
    %get3A_1270 = tpu.vector_load %arg6[%get3A_1268, %get3A_1269] {strides = array<i32>} : memref<16x128xf32, #tpu.memory_space<vmem>>, vector<1x16xf32>,
    %get3A_1271 = vector.shape_cast %get3A_1270 : vector<1x16xf32> to vector<16xf32>
    %sub3A_1272 = vector.broadcast %squeeze3A : f32 to vector<16xf32>
    %sub3A_1273 = arith.subf %get3A_1271, %sub3A_1272 : vector<16xf32>
    %add3A_1274 = arith.constant 1.000000e-01 : f32
    %add3A_1275 = vector.broadcast %add3A_1274 : f32 to vector<16xf32>
    %add3A_1276 = arith.addf %sub3A_1273, %add3A_1275 : vector<16xf32>
    %max3A_1277 = arith.constant 0.000000e+00 : f32
    %max3A_1278 = vector.broadcast %max3A_1277 : f32 to vector<16xf32>
    %max3A_1279 = arith.maximumf %add3A_1276, %max3A_1278 : vector<16xf32>
    %add3A_1280 = arith.addf %add3A_1266, %max3A_1279 : vector<16xf32>
    %get3A_1281 = arith.constant 8 : i32
    %get3A_1282 = arith.index_cast %get3A_1281 : i32 to index
    %get3A_1283 = arith.constant 112 : index
    %get3A_1284 = tpu.vector_load %arg6[%get3A_1282, %get3A_1283] {strides = array<i32>} : memref<16x128xf32, #tpu.memory_space<vmem>>, vector<1x16xf32>,
    %get3A_1285 = vector.shape_cast %get3A_1284 : vector<1x16xf32> to vector<16xf32>
    %sub3A_1286 = vector.broadcast %squeeze3A : f32 to vector<16xf32>
    %sub3A_1287 = arith.subf %get3A_1285, %sub3A_1286 : vector<16xf32>
    %add3A_1288 = arith.constant 1.000000e-01 : f32
    %add3A_1289 = vector.broadcast %add3A_1288 : f32 to vector<16xf32>
    %add3A_1290 = arith.addf %sub3A_1287, %add3A_1289 : vector<16xf32>
    %max3A_1291 = arith.constant 0.000000e+00 : f32
    %max3A_1292 = vector.broadcast %max3A_1291 : f32 to vector<16xf32>
    %max3A_1293 = arith.maximumf %add3A_1290, %max3A_1292 : vector<16xf32>
    %add3A_1294 = arith.addf %add3A_1280, %max3A_1293 : vector<16xf32>
    %dma_wait3A_1295 = arith.constant 9 : i32
    %dma_wait3A_1296 = arith.constant 0 : i32
    %dma_wait3A_1297 = tpu.memref_slice %arg6[%dma_wait3A_1295, %dma_wait3A_1296] : memref<16x128xf32, #tpu.memory_space<vmem>> -> memref<1x128xf32, #tpu.memory_space<vmem>>
    %dma_wait3A_1298 = tpu.memref_squeeze %dma_wait3A_1297 : memref<1x128xf32, #tpu.memory_space<vmem>> -> memref<128xf32, #tpu.memory_space<vmem>>
    %dma_wait3A_1299 = arith.constant 1152 : i32
    %dma_wait3A_1300 = tpu.memref_slice %arg5[%dma_wait3A_1299] : memref<2048xi32, #tpu.memory_space<vmem>> -> memref<128xi32, #tpu.memory_space<vmem>>
    %dma_wait3A_1301 = arith.constant 0 : i32
    %dma_wait3A_1302 = tpu.memref_slice %arg2[%dma_wait3A_1301] : memref<32768xf32, #tpu.memory_space<hbm>> -> memref<32768xf32, #tpu.memory_space<hbm>>
    tpu.wait_indirect_dma semaphore(%arg12 : memref<!tpu.dma_semaphore, #tpu.memory_space<semaphore_mem>>) src(%dma_wait3A_1302 : memref<32768xf32, #tpu.memory_space<hbm>>) dst(%dma_wait3A_1298 : memref<128xf32, #tpu.memory_space<vmem>>)
    %get3A_1303 = arith.constant 9 : i32
    %get3A_1304 = arith.index_cast %get3A_1303 : i32 to index
    %get3A_1305 = arith.constant 0 : index
    %get3A_1306 = tpu.vector_load %arg6[%get3A_1304, %get3A_1305] {strides = array<i32>} : memref<16x128xf32, #tpu.memory_space<vmem>>, vector<1x16xf32>,
    %get3A_1307 = vector.shape_cast %get3A_1306 : vector<1x16xf32> to vector<16xf32>
    %sub3A_1308 = vector.broadcast %squeeze3A : f32 to vector<16xf32>
    %sub3A_1309 = arith.subf %get3A_1307, %sub3A_1308 : vector<16xf32>
    %add3A_1310 = arith.constant 1.000000e-01 : f32
    %add3A_1311 = vector.broadcast %add3A_1310 : f32 to vector<16xf32>
    %add3A_1312 = arith.addf %sub3A_1309, %add3A_1311 : vector<16xf32>
    %max3A_1313 = arith.constant 0.000000e+00 : f32
    %max3A_1314 = vector.broadcast %max3A_1313 : f32 to vector<16xf32>
    %max3A_1315 = arith.maximumf %add3A_1312, %max3A_1314 : vector<16xf32>
    %add3A_1316 = arith.addf %add3A_1294, %max3A_1315 : vector<16xf32>
    %get3A_1317 = arith.constant 9 : i32
    %get3A_1318 = arith.index_cast %get3A_1317 : i32 to index
    %get3A_1319 = arith.constant 16 : index
    %get3A_1320 = tpu.vector_load %arg6[%get3A_1318, %get3A_1319] {strides = array<i32>} : memref<16x128xf32, #tpu.memory_space<vmem>>, vector<1x16xf32>,
    %get3A_1321 = vector.shape_cast %get3A_1320 : vector<1x16xf32> to vector<16xf32>
    %sub3A_1322 = vector.broadcast %squeeze3A : f32 to vector<16xf32>
    %sub3A_1323 = arith.subf %get3A_1321, %sub3A_1322 : vector<16xf32>
    %add3A_1324 = arith.constant 1.000000e-01 : f32
    %add3A_1325 = vector.broadcast %add3A_1324 : f32 to vector<16xf32>
    %add3A_1326 = arith.addf %sub3A_1323, %add3A_1325 : vector<16xf32>
    %max3A_1327 = arith.constant 0.000000e+00 : f32
    %max3A_1328 = vector.broadcast %max3A_1327 : f32 to vector<16xf32>
    %max3A_1329 = arith.maximumf %add3A_1326, %max3A_1328 : vector<16xf32>
    %add3A_1330 = arith.addf %add3A_1316, %max3A_1329 : vector<16xf32>
    %get3A_1331 = arith.constant 9 : i32
    %get3A_1332 = arith.index_cast %get3A_1331 : i32 to index
    %get3A_1333 = arith.constant 32 : index
    %get3A_1334 = tpu.vector_load %arg6[%get3A_1332, %get3A_1333] {strides = array<i32>} : memref<16x128xf32, #tpu.memory_space<vmem>>, vector<1x16xf32>,
    %get3A_1335 = vector.shape_cast %get3A_1334 : vector<1x16xf32> to vector<16xf32>
    %sub3A_1336 = vector.broadcast %squeeze3A : f32 to vector<16xf32>
    %sub3A_1337 = arith.subf %get3A_1335, %sub3A_1336 : vector<16xf32>
    %add3A_1338 = arith.constant 1.000000e-01 : f32
    %add3A_1339 = vector.broadcast %add3A_1338 : f32 to vector<16xf32>
    %add3A_1340 = arith.addf %sub3A_1337, %add3A_1339 : vector<16xf32>
    %max3A_1341 = arith.constant 0.000000e+00 : f32
    %max3A_1342 = vector.broadcast %max3A_1341 : f32 to vector<16xf32>
    %max3A_1343 = arith.maximumf %add3A_1340, %max3A_1342 : vector<16xf32>
    %add3A_1344 = arith.addf %add3A_1330, %max3A_1343 : vector<16xf32>
    %get3A_1345 = arith.constant 9 : i32
    %get3A_1346 = arith.index_cast %get3A_1345 : i32 to index
    %get3A_1347 = arith.constant 48 : index
    %get3A_1348 = tpu.vector_load %arg6[%get3A_1346, %get3A_1347] {strides = array<i32>} : memref<16x128xf32, #tpu.memory_space<vmem>>, vector<1x16xf32>,
    %get3A_1349 = vector.shape_cast %get3A_1348 : vector<1x16xf32> to vector<16xf32>
    %sub3A_1350 = vector.broadcast %squeeze3A : f32 to vector<16xf32>
    %sub3A_1351 = arith.subf %get3A_1349, %sub3A_1350 : vector<16xf32>
    %add3A_1352 = arith.constant 1.000000e-01 : f32
    %add3A_1353 = vector.broadcast %add3A_1352 : f32 to vector<16xf32>
    %add3A_1354 = arith.addf %sub3A_1351, %add3A_1353 : vector<16xf32>
    %max3A_1355 = arith.constant 0.000000e+00 : f32
    %max3A_1356 = vector.broadcast %max3A_1355 : f32 to vector<16xf32>
    %max3A_1357 = arith.maximumf %add3A_1354, %max3A_1356 : vector<16xf32>
    %add3A_1358 = arith.addf %add3A_1344, %max3A_1357 : vector<16xf32>
    %get3A_1359 = arith.constant 9 : i32
    %get3A_1360 = arith.index_cast %get3A_1359 : i32 to index
    %get3A_1361 = arith.constant 64 : index
    %get3A_1362 = tpu.vector_load %arg6[%get3A_1360, %get3A_1361] {strides = array<i32>} : memref<16x128xf32, #tpu.memory_space<vmem>>, vector<1x16xf32>,
    %get3A_1363 = vector.shape_cast %get3A_1362 : vector<1x16xf32> to vector<16xf32>
    %sub3A_1364 = vector.broadcast %squeeze3A : f32 to vector<16xf32>
    %sub3A_1365 = arith.subf %get3A_1363, %sub3A_1364 : vector<16xf32>
    %add3A_1366 = arith.constant 1.000000e-01 : f32
    %add3A_1367 = vector.broadcast %add3A_1366 : f32 to vector<16xf32>
    %add3A_1368 = arith.addf %sub3A_1365, %add3A_1367 : vector<16xf32>
    %max3A_1369 = arith.constant 0.000000e+00 : f32
    %max3A_1370 = vector.broadcast %max3A_1369 : f32 to vector<16xf32>
    %max3A_1371 = arith.maximumf %add3A_1368, %max3A_1370 : vector<16xf32>
    %add3A_1372 = arith.addf %add3A_1358, %max3A_1371 : vector<16xf32>
    %get3A_1373 = arith.constant 9 : i32
    %get3A_1374 = arith.index_cast %get3A_1373 : i32 to index
    %get3A_1375 = arith.constant 80 : index
    %get3A_1376 = tpu.vector_load %arg6[%get3A_1374, %get3A_1375] {strides = array<i32>} : memref<16x128xf32, #tpu.memory_space<vmem>>, vector<1x16xf32>,
    %get3A_1377 = vector.shape_cast %get3A_1376 : vector<1x16xf32> to vector<16xf32>
    %sub3A_1378 = vector.broadcast %squeeze3A : f32 to vector<16xf32>
    %sub3A_1379 = arith.subf %get3A_1377, %sub3A_1378 : vector<16xf32>
    %add3A_1380 = arith.constant 1.000000e-01 : f32
    %add3A_1381 = vector.broadcast %add3A_1380 : f32 to vector<16xf32>
    %add3A_1382 = arith.addf %sub3A_1379, %add3A_1381 : vector<16xf32>
    %max3A_1383 = arith.constant 0.000000e+00 : f32
    %max3A_1384 = vector.broadcast %max3A_1383 : f32 to vector<16xf32>
    %max3A_1385 = arith.maximumf %add3A_1382, %max3A_1384 : vector<16xf32>
    %add3A_1386 = arith.addf %add3A_1372, %max3A_1385 : vector<16xf32>
    %get3A_1387 = arith.constant 9 : i32
    %get3A_1388 = arith.index_cast %get3A_1387 : i32 to index
    %get3A_1389 = arith.constant 96 : index
    %get3A_1390 = tpu.vector_load %arg6[%get3A_1388, %get3A_1389] {strides = array<i32>} : memref<16x128xf32, #tpu.memory_space<vmem>>, vector<1x16xf32>,
    %get3A_1391 = vector.shape_cast %get3A_1390 : vector<1x16xf32> to vector<16xf32>
    %sub3A_1392 = vector.broadcast %squeeze3A : f32 to vector<16xf32>
    %sub3A_1393 = arith.subf %get3A_1391, %sub3A_1392 : vector<16xf32>
    %add3A_1394 = arith.constant 1.000000e-01 : f32
    %add3A_1395 = vector.broadcast %add3A_1394 : f32 to vector<16xf32>
    %add3A_1396 = arith.addf %sub3A_1393, %add3A_1395 : vector<16xf32>
    %max3A_1397 = arith.constant 0.000000e+00 : f32
    %max3A_1398 = vector.broadcast %max3A_1397 : f32 to vector<16xf32>
    %max3A_1399 = arith.maximumf %add3A_1396, %max3A_1398 : vector<16xf32>
    %add3A_1400 = arith.addf %add3A_1386, %max3A_1399 : vector<16xf32>
    %get3A_1401 = arith.constant 9 : i32
    %get3A_1402 = arith.index_cast %get3A_1401 : i32 to index
    %get3A_1403 = arith.constant 112 : index
    %get3A_1404 = tpu.vector_load %arg6[%get3A_1402, %get3A_1403] {strides = array<i32>} : memref<16x128xf32, #tpu.memory_space<vmem>>, vector<1x16xf32>,
    %get3A_1405 = vector.shape_cast %get3A_1404 : vector<1x16xf32> to vector<16xf32>
    %sub3A_1406 = vector.broadcast %squeeze3A : f32 to vector<16xf32>
    %sub3A_1407 = arith.subf %get3A_1405, %sub3A_1406 : vector<16xf32>
    %add3A_1408 = arith.constant 1.000000e-01 : f32
    %add3A_1409 = vector.broadcast %add3A_1408 : f32 to vector<16xf32>
    %add3A_1410 = arith.addf %sub3A_1407, %add3A_1409 : vector<16xf32>
    %max3A_1411 = arith.constant 0.000000e+00 : f32
    %max3A_1412 = vector.broadcast %max3A_1411 : f32 to vector<16xf32>
    %max3A_1413 = arith.maximumf %add3A_1410, %max3A_1412 : vector<16xf32>
    %add3A_1414 = arith.addf %add3A_1400, %max3A_1413 : vector<16xf32>
    %dma_wait3A_1415 = arith.constant 10 : i32
    %dma_wait3A_1416 = arith.constant 0 : i32
    %dma_wait3A_1417 = tpu.memref_slice %arg6[%dma_wait3A_1415, %dma_wait3A_1416] : memref<16x128xf32, #tpu.memory_space<vmem>> -> memref<1x128xf32, #tpu.memory_space<vmem>>
    %dma_wait3A_1418 = tpu.memref_squeeze %dma_wait3A_1417 : memref<1x128xf32, #tpu.memory_space<vmem>> -> memref<128xf32, #tpu.memory_space<vmem>>
    %dma_wait3A_1419 = arith.constant 1280 : i32
    %dma_wait3A_1420 = tpu.memref_slice %arg5[%dma_wait3A_1419] : memref<2048xi32, #tpu.memory_space<vmem>> -> memref<128xi32, #tpu.memory_space<vmem>>
    %dma_wait3A_1421 = arith.constant 0 : i32
    %dma_wait3A_1422 = tpu.memref_slice %arg2[%dma_wait3A_1421] : memref<32768xf32, #tpu.memory_space<hbm>> -> memref<32768xf32, #tpu.memory_space<hbm>>
    tpu.wait_indirect_dma semaphore(%arg12 : memref<!tpu.dma_semaphore, #tpu.memory_space<semaphore_mem>>) src(%dma_wait3A_1422 : memref<32768xf32, #tpu.memory_space<hbm>>) dst(%dma_wait3A_1418 : memref<128xf32, #tpu.memory_space<vmem>>)
    %get3A_1423 = arith.constant 10 : i32
    %get3A_1424 = arith.index_cast %get3A_1423 : i32 to index
    %get3A_1425 = arith.constant 0 : index
    %get3A_1426 = tpu.vector_load %arg6[%get3A_1424, %get3A_1425] {strides = array<i32>} : memref<16x128xf32, #tpu.memory_space<vmem>>, vector<1x16xf32>,
    %get3A_1427 = vector.shape_cast %get3A_1426 : vector<1x16xf32> to vector<16xf32>
    %sub3A_1428 = vector.broadcast %squeeze3A : f32 to vector<16xf32>
    %sub3A_1429 = arith.subf %get3A_1427, %sub3A_1428 : vector<16xf32>
    %add3A_1430 = arith.constant 1.000000e-01 : f32
    %add3A_1431 = vector.broadcast %add3A_1430 : f32 to vector<16xf32>
    %add3A_1432 = arith.addf %sub3A_1429, %add3A_1431 : vector<16xf32>
    %max3A_1433 = arith.constant 0.000000e+00 : f32
    %max3A_1434 = vector.broadcast %max3A_1433 : f32 to vector<16xf32>
    %max3A_1435 = arith.maximumf %add3A_1432, %max3A_1434 : vector<16xf32>
    %add3A_1436 = arith.addf %add3A_1414, %max3A_1435 : vector<16xf32>
    %get3A_1437 = arith.constant 10 : i32
    %get3A_1438 = arith.index_cast %get3A_1437 : i32 to index
    %get3A_1439 = arith.constant 16 : index
    %get3A_1440 = tpu.vector_load %arg6[%get3A_1438, %get3A_1439] {strides = array<i32>} : memref<16x128xf32, #tpu.memory_space<vmem>>, vector<1x16xf32>,
    %get3A_1441 = vector.shape_cast %get3A_1440 : vector<1x16xf32> to vector<16xf32>
    %sub3A_1442 = vector.broadcast %squeeze3A : f32 to vector<16xf32>
    %sub3A_1443 = arith.subf %get3A_1441, %sub3A_1442 : vector<16xf32>
    %add3A_1444 = arith.constant 1.000000e-01 : f32
    %add3A_1445 = vector.broadcast %add3A_1444 : f32 to vector<16xf32>
    %add3A_1446 = arith.addf %sub3A_1443, %add3A_1445 : vector<16xf32>
    %max3A_1447 = arith.constant 0.000000e+00 : f32
    %max3A_1448 = vector.broadcast %max3A_1447 : f32 to vector<16xf32>
    %max3A_1449 = arith.maximumf %add3A_1446, %max3A_1448 : vector<16xf32>
    %add3A_1450 = arith.addf %add3A_1436, %max3A_1449 : vector<16xf32>
    %get3A_1451 = arith.constant 10 : i32
    %get3A_1452 = arith.index_cast %get3A_1451 : i32 to index
    %get3A_1453 = arith.constant 32 : index
    %get3A_1454 = tpu.vector_load %arg6[%get3A_1452, %get3A_1453] {strides = array<i32>} : memref<16x128xf32, #tpu.memory_space<vmem>>, vector<1x16xf32>,
    %get3A_1455 = vector.shape_cast %get3A_1454 : vector<1x16xf32> to vector<16xf32>
    %sub3A_1456 = vector.broadcast %squeeze3A : f32 to vector<16xf32>
    %sub3A_1457 = arith.subf %get3A_1455, %sub3A_1456 : vector<16xf32>
    %add3A_1458 = arith.constant 1.000000e-01 : f32
    %add3A_1459 = vector.broadcast %add3A_1458 : f32 to vector<16xf32>
    %add3A_1460 = arith.addf %sub3A_1457, %add3A_1459 : vector<16xf32>
    %max3A_1461 = arith.constant 0.000000e+00 : f32
    %max3A_1462 = vector.broadcast %max3A_1461 : f32 to vector<16xf32>
    %max3A_1463 = arith.maximumf %add3A_1460, %max3A_1462 : vector<16xf32>
    %add3A_1464 = arith.addf %add3A_1450, %max3A_1463 : vector<16xf32>
    %get3A_1465 = arith.constant 10 : i32
    %get3A_1466 = arith.index_cast %get3A_1465 : i32 to index
    %get3A_1467 = arith.constant 48 : index
    %get3A_1468 = tpu.vector_load %arg6[%get3A_1466, %get3A_1467] {strides = array<i32>} : memref<16x128xf32, #tpu.memory_space<vmem>>, vector<1x16xf32>,
    %get3A_1469 = vector.shape_cast %get3A_1468 : vector<1x16xf32> to vector<16xf32>
    %sub3A_1470 = vector.broadcast %squeeze3A : f32 to vector<16xf32>
    %sub3A_1471 = arith.subf %get3A_1469, %sub3A_1470 : vector<16xf32>
    %add3A_1472 = arith.constant 1.000000e-01 : f32
    %add3A_1473 = vector.broadcast %add3A_1472 : f32 to vector<16xf32>
    %add3A_1474 = arith.addf %sub3A_1471, %add3A_1473 : vector<16xf32>
    %max3A_1475 = arith.constant 0.000000e+00 : f32
    %max3A_1476 = vector.broadcast %max3A_1475 : f32 to vector<16xf32>
    %max3A_1477 = arith.maximumf %add3A_1474, %max3A_1476 : vector<16xf32>
    %add3A_1478 = arith.addf %add3A_1464, %max3A_1477 : vector<16xf32>
    %get3A_1479 = arith.constant 10 : i32
    %get3A_1480 = arith.index_cast %get3A_1479 : i32 to index
    %get3A_1481 = arith.constant 64 : index
    %get3A_1482 = tpu.vector_load %arg6[%get3A_1480, %get3A_1481] {strides = array<i32>} : memref<16x128xf32, #tpu.memory_space<vmem>>, vector<1x16xf32>,
    %get3A_1483 = vector.shape_cast %get3A_1482 : vector<1x16xf32> to vector<16xf32>
    %sub3A_1484 = vector.broadcast %squeeze3A : f32 to vector<16xf32>
    %sub3A_1485 = arith.subf %get3A_1483, %sub3A_1484 : vector<16xf32>
    %add3A_1486 = arith.constant 1.000000e-01 : f32
    %add3A_1487 = vector.broadcast %add3A_1486 : f32 to vector<16xf32>
    %add3A_1488 = arith.addf %sub3A_1485, %add3A_1487 : vector<16xf32>
    %max3A_1489 = arith.constant 0.000000e+00 : f32
    %max3A_1490 = vector.broadcast %max3A_1489 : f32 to vector<16xf32>
    %max3A_1491 = arith.maximumf %add3A_1488, %max3A_1490 : vector<16xf32>
    %add3A_1492 = arith.addf %add3A_1478, %max3A_1491 : vector<16xf32>
    %get3A_1493 = arith.constant 10 : i32
    %get3A_1494 = arith.index_cast %get3A_1493 : i32 to index
    %get3A_1495 = arith.constant 80 : index
    %get3A_1496 = tpu.vector_load %arg6[%get3A_1494, %get3A_1495] {strides = array<i32>} : memref<16x128xf32, #tpu.memory_space<vmem>>, vector<1x16xf32>,
    %get3A_1497 = vector.shape_cast %get3A_1496 : vector<1x16xf32> to vector<16xf32>
    %sub3A_1498 = vector.broadcast %squeeze3A : f32 to vector<16xf32>
    %sub3A_1499 = arith.subf %get3A_1497, %sub3A_1498 : vector<16xf32>
    %add3A_1500 = arith.constant 1.000000e-01 : f32
    %add3A_1501 = vector.broadcast %add3A_1500 : f32 to vector<16xf32>
    %add3A_1502 = arith.addf %sub3A_1499, %add3A_1501 : vector<16xf32>
    %max3A_1503 = arith.constant 0.000000e+00 : f32
    %max3A_1504 = vector.broadcast %max3A_1503 : f32 to vector<16xf32>
    %max3A_1505 = arith.maximumf %add3A_1502, %max3A_1504 : vector<16xf32>
    %add3A_1506 = arith.addf %add3A_1492, %max3A_1505 : vector<16xf32>
    %get3A_1507 = arith.constant 10 : i32
    %get3A_1508 = arith.index_cast %get3A_1507 : i32 to index
    %get3A_1509 = arith.constant 96 : index
    %get3A_1510 = tpu.vector_load %arg6[%get3A_1508, %get3A_1509] {strides = array<i32>} : memref<16x128xf32, #tpu.memory_space<vmem>>, vector<1x16xf32>,
    %get3A_1511 = vector.shape_cast %get3A_1510 : vector<1x16xf32> to vector<16xf32>
    %sub3A_1512 = vector.broadcast %squeeze3A : f32 to vector<16xf32>
    %sub3A_1513 = arith.subf %get3A_1511, %sub3A_1512 : vector<16xf32>
    %add3A_1514 = arith.constant 1.000000e-01 : f32
    %add3A_1515 = vector.broadcast %add3A_1514 : f32 to vector<16xf32>
    %add3A_1516 = arith.addf %sub3A_1513, %add3A_1515 : vector<16xf32>
    %max3A_1517 = arith.constant 0.000000e+00 : f32
    %max3A_1518 = vector.broadcast %max3A_1517 : f32 to vector<16xf32>
    %max3A_1519 = arith.maximumf %add3A_1516, %max3A_1518 : vector<16xf32>
    %add3A_1520 = arith.addf %add3A_1506, %max3A_1519 : vector<16xf32>
    %get3A_1521 = arith.constant 10 : i32
    %get3A_1522 = arith.index_cast %get3A_1521 : i32 to index
    %get3A_1523 = arith.constant 112 : index
    %get3A_1524 = tpu.vector_load %arg6[%get3A_1522, %get3A_1523] {strides = array<i32>} : memref<16x128xf32, #tpu.memory_space<vmem>>, vector<1x16xf32>,
    %get3A_1525 = vector.shape_cast %get3A_1524 : vector<1x16xf32> to vector<16xf32>
    %sub3A_1526 = vector.broadcast %squeeze3A : f32 to vector<16xf32>
    %sub3A_1527 = arith.subf %get3A_1525, %sub3A_1526 : vector<16xf32>
    %add3A_1528 = arith.constant 1.000000e-01 : f32
    %add3A_1529 = vector.broadcast %add3A_1528 : f32 to vector<16xf32>
    %add3A_1530 = arith.addf %sub3A_1527, %add3A_1529 : vector<16xf32>
    %max3A_1531 = arith.constant 0.000000e+00 : f32
    %max3A_1532 = vector.broadcast %max3A_1531 : f32 to vector<16xf32>
    %max3A_1533 = arith.maximumf %add3A_1530, %max3A_1532 : vector<16xf32>
    %add3A_1534 = arith.addf %add3A_1520, %max3A_1533 : vector<16xf32>
    %dma_wait3A_1535 = arith.constant 11 : i32
    %dma_wait3A_1536 = arith.constant 0 : i32
    %dma_wait3A_1537 = tpu.memref_slice %arg6[%dma_wait3A_1535, %dma_wait3A_1536] : memref<16x128xf32, #tpu.memory_space<vmem>> -> memref<1x128xf32, #tpu.memory_space<vmem>>
    %dma_wait3A_1538 = tpu.memref_squeeze %dma_wait3A_1537 : memref<1x128xf32, #tpu.memory_space<vmem>> -> memref<128xf32, #tpu.memory_space<vmem>>
    %dma_wait3A_1539 = arith.constant 1408 : i32
    %dma_wait3A_1540 = tpu.memref_slice %arg5[%dma_wait3A_1539] : memref<2048xi32, #tpu.memory_space<vmem>> -> memref<128xi32, #tpu.memory_space<vmem>>
    %dma_wait3A_1541 = arith.constant 0 : i32
    %dma_wait3A_1542 = tpu.memref_slice %arg2[%dma_wait3A_1541] : memref<32768xf32, #tpu.memory_space<hbm>> -> memref<32768xf32, #tpu.memory_space<hbm>>
    tpu.wait_indirect_dma semaphore(%arg12 : memref<!tpu.dma_semaphore, #tpu.memory_space<semaphore_mem>>) src(%dma_wait3A_1542 : memref<32768xf32, #tpu.memory_space<hbm>>) dst(%dma_wait3A_1538 : memref<128xf32, #tpu.memory_space<vmem>>)
    %get3A_1543 = arith.constant 11 : i32
    %get3A_1544 = arith.index_cast %get3A_1543 : i32 to index
    %get3A_1545 = arith.constant 0 : index
    %get3A_1546 = tpu.vector_load %arg6[%get3A_1544, %get3A_1545] {strides = array<i32>} : memref<16x128xf32, #tpu.memory_space<vmem>>, vector<1x16xf32>,
    %get3A_1547 = vector.shape_cast %get3A_1546 : vector<1x16xf32> to vector<16xf32>
    %sub3A_1548 = vector.broadcast %squeeze3A : f32 to vector<16xf32>
    %sub3A_1549 = arith.subf %get3A_1547, %sub3A_1548 : vector<16xf32>
    %add3A_1550 = arith.constant 1.000000e-01 : f32
    %add3A_1551 = vector.broadcast %add3A_1550 : f32 to vector<16xf32>
    %add3A_1552 = arith.addf %sub3A_1549, %add3A_1551 : vector<16xf32>
    %max3A_1553 = arith.constant 0.000000e+00 : f32
    %max3A_1554 = vector.broadcast %max3A_1553 : f32 to vector<16xf32>
    %max3A_1555 = arith.maximumf %add3A_1552, %max3A_1554 : vector<16xf32>
    %add3A_1556 = arith.addf %add3A_1534, %max3A_1555 : vector<16xf32>
    %get3A_1557 = arith.constant 11 : i32
    %get3A_1558 = arith.index_cast %get3A_1557 : i32 to index
    %get3A_1559 = arith.constant 16 : index
    %get3A_1560 = tpu.vector_load %arg6[%get3A_1558, %get3A_1559] {strides = array<i32>} : memref<16x128xf32, #tpu.memory_space<vmem>>, vector<1x16xf32>,
    %get3A_1561 = vector.shape_cast %get3A_1560 : vector<1x16xf32> to vector<16xf32>
    %sub3A_1562 = vector.broadcast %squeeze3A : f32 to vector<16xf32>
    %sub3A_1563 = arith.subf %get3A_1561, %sub3A_1562 : vector<16xf32>
    %add3A_1564 = arith.constant 1.000000e-01 : f32
    %add3A_1565 = vector.broadcast %add3A_1564 : f32 to vector<16xf32>
    %add3A_1566 = arith.addf %sub3A_1563, %add3A_1565 : vector<16xf32>
    %max3A_1567 = arith.constant 0.000000e+00 : f32
    %max3A_1568 = vector.broadcast %max3A_1567 : f32 to vector<16xf32>
    %max3A_1569 = arith.maximumf %add3A_1566, %max3A_1568 : vector<16xf32>
    %add3A_1570 = arith.addf %add3A_1556, %max3A_1569 : vector<16xf32>
    %get3A_1571 = arith.constant 11 : i32
    %get3A_1572 = arith.index_cast %get3A_1571 : i32 to index
    %get3A_1573 = arith.constant 32 : index
    %get3A_1574 = tpu.vector_load %arg6[%get3A_1572, %get3A_1573] {strides = array<i32>} : memref<16x128xf32, #tpu.memory_space<vmem>>, vector<1x16xf32>,
    %get3A_1575 = vector.shape_cast %get3A_1574 : vector<1x16xf32> to vector<16xf32>
    %sub3A_1576 = vector.broadcast %squeeze3A : f32 to vector<16xf32>
    %sub3A_1577 = arith.subf %get3A_1575, %sub3A_1576 : vector<16xf32>
    %add3A_1578 = arith.constant 1.000000e-01 : f32
    %add3A_1579 = vector.broadcast %add3A_1578 : f32 to vector<16xf32>
    %add3A_1580 = arith.addf %sub3A_1577, %add3A_1579 : vector<16xf32>
    %max3A_1581 = arith.constant 0.000000e+00 : f32
    %max3A_1582 = vector.broadcast %max3A_1581 : f32 to vector<16xf32>
    %max3A_1583 = arith.maximumf %add3A_1580, %max3A_1582 : vector<16xf32>
    %add3A_1584 = arith.addf %add3A_1570, %max3A_1583 : vector<16xf32>
    %get3A_1585 = arith.constant 11 : i32
    %get3A_1586 = arith.index_cast %get3A_1585 : i32 to index
    %get3A_1587 = arith.constant 48 : index
    %get3A_1588 = tpu.vector_load %arg6[%get3A_1586, %get3A_1587] {strides = array<i32>} : memref<16x128xf32, #tpu.memory_space<vmem>>, vector<1x16xf32>,
    %get3A_1589 = vector.shape_cast %get3A_1588 : vector<1x16xf32> to vector<16xf32>
    %sub3A_1590 = vector.broadcast %squeeze3A : f32 to vector<16xf32>
    %sub3A_1591 = arith.subf %get3A_1589, %sub3A_1590 : vector<16xf32>
    %add3A_1592 = arith.constant 1.000000e-01 : f32
    %add3A_1593 = vector.broadcast %add3A_1592 : f32 to vector<16xf32>
    %add3A_1594 = arith.addf %sub3A_1591, %add3A_1593 : vector<16xf32>
    %max3A_1595 = arith.constant 0.000000e+00 : f32
    %max3A_1596 = vector.broadcast %max3A_1595 : f32 to vector<16xf32>
    %max3A_1597 = arith.maximumf %add3A_1594, %max3A_1596 : vector<16xf32>
    %add3A_1598 = arith.addf %add3A_1584, %max3A_1597 : vector<16xf32>
    %get3A_1599 = arith.constant 11 : i32
    %get3A_1600 = arith.index_cast %get3A_1599 : i32 to index
    %get3A_1601 = arith.constant 64 : index
    %get3A_1602 = tpu.vector_load %arg6[%get3A_1600, %get3A_1601] {strides = array<i32>} : memref<16x128xf32, #tpu.memory_space<vmem>>, vector<1x16xf32>,
    %get3A_1603 = vector.shape_cast %get3A_1602 : vector<1x16xf32> to vector<16xf32>
    %sub3A_1604 = vector.broadcast %squeeze3A : f32 to vector<16xf32>
    %sub3A_1605 = arith.subf %get3A_1603, %sub3A_1604 : vector<16xf32>
    %add3A_1606 = arith.constant 1.000000e-01 : f32
    %add3A_1607 = vector.broadcast %add3A_1606 : f32 to vector<16xf32>
    %add3A_1608 = arith.addf %sub3A_1605, %add3A_1607 : vector<16xf32>
    %max3A_1609 = arith.constant 0.000000e+00 : f32
    %max3A_1610 = vector.broadcast %max3A_1609 : f32 to vector<16xf32>
    %max3A_1611 = arith.maximumf %add3A_1608, %max3A_1610 : vector<16xf32>
    %add3A_1612 = arith.addf %add3A_1598, %max3A_1611 : vector<16xf32>
    %get3A_1613 = arith.constant 11 : i32
    %get3A_1614 = arith.index_cast %get3A_1613 : i32 to index
    %get3A_1615 = arith.constant 80 : index
    %get3A_1616 = tpu.vector_load %arg6[%get3A_1614, %get3A_1615] {strides = array<i32>} : memref<16x128xf32, #tpu.memory_space<vmem>>, vector<1x16xf32>,
    %get3A_1617 = vector.shape_cast %get3A_1616 : vector<1x16xf32> to vector<16xf32>
    %sub3A_1618 = vector.broadcast %squeeze3A : f32 to vector<16xf32>
    %sub3A_1619 = arith.subf %get3A_1617, %sub3A_1618 : vector<16xf32>
    %add3A_1620 = arith.constant 1.000000e-01 : f32
    %add3A_1621 = vector.broadcast %add3A_1620 : f32 to vector<16xf32>
    %add3A_1622 = arith.addf %sub3A_1619, %add3A_1621 : vector<16xf32>
    %max3A_1623 = arith.constant 0.000000e+00 : f32
    %max3A_1624 = vector.broadcast %max3A_1623 : f32 to vector<16xf32>
    %max3A_1625 = arith.maximumf %add3A_1622, %max3A_1624 : vector<16xf32>
    %add3A_1626 = arith.addf %add3A_1612, %max3A_1625 : vector<16xf32>
    %get3A_1627 = arith.constant 11 : i32
    %get3A_1628 = arith.index_cast %get3A_1627 : i32 to index
    %get3A_1629 = arith.constant 96 : index
    %get3A_1630 = tpu.vector_load %arg6[%get3A_1628, %get3A_1629] {strides = array<i32>} : memref<16x128xf32, #tpu.memory_space<vmem>>, vector<1x16xf32>,
    %get3A_1631 = vector.shape_cast %get3A_1630 : vector<1x16xf32> to vector<16xf32>
    %sub3A_1632 = vector.broadcast %squeeze3A : f32 to vector<16xf32>
    %sub3A_1633 = arith.subf %get3A_1631, %sub3A_1632 : vector<16xf32>
    %add3A_1634 = arith.constant 1.000000e-01 : f32
    %add3A_1635 = vector.broadcast %add3A_1634 : f32 to vector<16xf32>
    %add3A_1636 = arith.addf %sub3A_1633, %add3A_1635 : vector<16xf32>
    %max3A_1637 = arith.constant 0.000000e+00 : f32
    %max3A_1638 = vector.broadcast %max3A_1637 : f32 to vector<16xf32>
    %max3A_1639 = arith.maximumf %add3A_1636, %max3A_1638 : vector<16xf32>
    %add3A_1640 = arith.addf %add3A_1626, %max3A_1639 : vector<16xf32>
    %get3A_1641 = arith.constant 11 : i32
    %get3A_1642 = arith.index_cast %get3A_1641 : i32 to index
    %get3A_1643 = arith.constant 112 : index
    %get3A_1644 = tpu.vector_load %arg6[%get3A_1642, %get3A_1643] {strides = array<i32>} : memref<16x128xf32, #tpu.memory_space<vmem>>, vector<1x16xf32>,
    %get3A_1645 = vector.shape_cast %get3A_1644 : vector<1x16xf32> to vector<16xf32>
    %sub3A_1646 = vector.broadcast %squeeze3A : f32 to vector<16xf32>
    %sub3A_1647 = arith.subf %get3A_1645, %sub3A_1646 : vector<16xf32>
    %add3A_1648 = arith.constant 1.000000e-01 : f32
    %add3A_1649 = vector.broadcast %add3A_1648 : f32 to vector<16xf32>
    %add3A_1650 = arith.addf %sub3A_1647, %add3A_1649 : vector<16xf32>
    %max3A_1651 = arith.constant 0.000000e+00 : f32
    %max3A_1652 = vector.broadcast %max3A_1651 : f32 to vector<16xf32>
    %max3A_1653 = arith.maximumf %add3A_1650, %max3A_1652 : vector<16xf32>
    %add3A_1654 = arith.addf %add3A_1640, %max3A_1653 : vector<16xf32>
    %dma_wait3A_1655 = arith.constant 12 : i32
    %dma_wait3A_1656 = arith.constant 0 : i32
    %dma_wait3A_1657 = tpu.memref_slice %arg6[%dma_wait3A_1655, %dma_wait3A_1656] : memref<16x128xf32, #tpu.memory_space<vmem>> -> memref<1x128xf32, #tpu.memory_space<vmem>>
    %dma_wait3A_1658 = tpu.memref_squeeze %dma_wait3A_1657 : memref<1x128xf32, #tpu.memory_space<vmem>> -> memref<128xf32, #tpu.memory_space<vmem>>
    %dma_wait3A_1659 = arith.constant 1536 : i32
    %dma_wait3A_1660 = tpu.memref_slice %arg5[%dma_wait3A_1659] : memref<2048xi32, #tpu.memory_space<vmem>> -> memref<128xi32, #tpu.memory_space<vmem>>
    %dma_wait3A_1661 = arith.constant 0 : i32
    %dma_wait3A_1662 = tpu.memref_slice %arg2[%dma_wait3A_1661] : memref<32768xf32, #tpu.memory_space<hbm>> -> memref<32768xf32, #tpu.memory_space<hbm>>
    tpu.wait_indirect_dma semaphore(%arg12 : memref<!tpu.dma_semaphore, #tpu.memory_space<semaphore_mem>>) src(%dma_wait3A_1662 : memref<32768xf32, #tpu.memory_space<hbm>>) dst(%dma_wait3A_1658 : memref<128xf32, #tpu.memory_space<vmem>>)
    %get3A_1663 = arith.constant 12 : i32
    %get3A_1664 = arith.index_cast %get3A_1663 : i32 to index
    %get3A_1665 = arith.constant 0 : index
    %get3A_1666 = tpu.vector_load %arg6[%get3A_1664, %get3A_1665] {strides = array<i32>} : memref<16x128xf32, #tpu.memory_space<vmem>>, vector<1x16xf32>,
    %get3A_1667 = vector.shape_cast %get3A_1666 : vector<1x16xf32> to vector<16xf32>
    %sub3A_1668 = vector.broadcast %squeeze3A : f32 to vector<16xf32>
    %sub3A_1669 = arith.subf %get3A_1667, %sub3A_1668 : vector<16xf32>
    %add3A_1670 = arith.constant 1.000000e-01 : f32
    %add3A_1671 = vector.broadcast %add3A_1670 : f32 to vector<16xf32>
    %add3A_1672 = arith.addf %sub3A_1669, %add3A_1671 : vector<16xf32>
    %max3A_1673 = arith.constant 0.000000e+00 : f32
    %max3A_1674 = vector.broadcast %max3A_1673 : f32 to vector<16xf32>
    %max3A_1675 = arith.maximumf %add3A_1672, %max3A_1674 : vector<16xf32>
    %add3A_1676 = arith.addf %add3A_1654, %max3A_1675 : vector<16xf32>
    %get3A_1677 = arith.constant 12 : i32
    %get3A_1678 = arith.index_cast %get3A_1677 : i32 to index
    %get3A_1679 = arith.constant 16 : index
    %get3A_1680 = tpu.vector_load %arg6[%get3A_1678, %get3A_1679] {strides = array<i32>} : memref<16x128xf32, #tpu.memory_space<vmem>>, vector<1x16xf32>,
    %get3A_1681 = vector.shape_cast %get3A_1680 : vector<1x16xf32> to vector<16xf32>
    %sub3A_1682 = vector.broadcast %squeeze3A : f32 to vector<16xf32>
    %sub3A_1683 = arith.subf %get3A_1681, %sub3A_1682 : vector<16xf32>
    %add3A_1684 = arith.constant 1.000000e-01 : f32
    %add3A_1685 = vector.broadcast %add3A_1684 : f32 to vector<16xf32>
    %add3A_1686 = arith.addf %sub3A_1683, %add3A_1685 : vector<16xf32>
    %max3A_1687 = arith.constant 0.000000e+00 : f32
    %max3A_1688 = vector.broadcast %max3A_1687 : f32 to vector<16xf32>
    %max3A_1689 = arith.maximumf %add3A_1686, %max3A_1688 : vector<16xf32>
    %add3A_1690 = arith.addf %add3A_1676, %max3A_1689 : vector<16xf32>
    %get3A_1691 = arith.constant 12 : i32
    %get3A_1692 = arith.index_cast %get3A_1691 : i32 to index
    %get3A_1693 = arith.constant 32 : index
    %get3A_1694 = tpu.vector_load %arg6[%get3A_1692, %get3A_1693] {strides = array<i32>} : memref<16x128xf32, #tpu.memory_space<vmem>>, vector<1x16xf32>,
    %get3A_1695 = vector.shape_cast %get3A_1694 : vector<1x16xf32> to vector<16xf32>
    %sub3A_1696 = vector.broadcast %squeeze3A : f32 to vector<16xf32>
    %sub3A_1697 = arith.subf %get3A_1695, %sub3A_1696 : vector<16xf32>
    %add3A_1698 = arith.constant 1.000000e-01 : f32
    %add3A_1699 = vector.broadcast %add3A_1698 : f32 to vector<16xf32>
    %add3A_1700 = arith.addf %sub3A_1697, %add3A_1699 : vector<16xf32>
    %max3A_1701 = arith.constant 0.000000e+00 : f32
    %max3A_1702 = vector.broadcast %max3A_1701 : f32 to vector<16xf32>
    %max3A_1703 = arith.maximumf %add3A_1700, %max3A_1702 : vector<16xf32>
    %add3A_1704 = arith.addf %add3A_1690, %max3A_1703 : vector<16xf32>
    %get3A_1705 = arith.constant 12 : i32
    %get3A_1706 = arith.index_cast %get3A_1705 : i32 to index
    %get3A_1707 = arith.constant 48 : index
    %get3A_1708 = tpu.vector_load %arg6[%get3A_1706, %get3A_1707] {strides = array<i32>} : memref<16x128xf32, #tpu.memory_space<vmem>>, vector<1x16xf32>,
    %get3A_1709 = vector.shape_cast %get3A_1708 : vector<1x16xf32> to vector<16xf32>
    %sub3A_1710 = vector.broadcast %squeeze3A : f32 to vector<16xf32>
    %sub3A_1711 = arith.subf %get3A_1709, %sub3A_1710 : vector<16xf32>
    %add3A_1712 = arith.constant 1.000000e-01 : f32
    %add3A_1713 = vector.broadcast %add3A_1712 : f32 to vector<16xf32>
    %add3A_1714 = arith.addf %sub3A_1711, %add3A_1713 : vector<16xf32>
    %max3A_1715 = arith.constant 0.000000e+00 : f32
    %max3A_1716 = vector.broadcast %max3A_1715 : f32 to vector<16xf32>
    %max3A_1717 = arith.maximumf %add3A_1714, %max3A_1716 : vector<16xf32>
    %add3A_1718 = arith.addf %add3A_1704, %max3A_1717 : vector<16xf32>
    %get3A_1719 = arith.constant 12 : i32
    %get3A_1720 = arith.index_cast %get3A_1719 : i32 to index
    %get3A_1721 = arith.constant 64 : index
    %get3A_1722 = tpu.vector_load %arg6[%get3A_1720, %get3A_1721] {strides = array<i32>} : memref<16x128xf32, #tpu.memory_space<vmem>>, vector<1x16xf32>,
    %get3A_1723 = vector.shape_cast %get3A_1722 : vector<1x16xf32> to vector<16xf32>
    %sub3A_1724 = vector.broadcast %squeeze3A : f32 to vector<16xf32>
    %sub3A_1725 = arith.subf %get3A_1723, %sub3A_1724 : vector<16xf32>
    %add3A_1726 = arith.constant 1.000000e-01 : f32
    %add3A_1727 = vector.broadcast %add3A_1726 : f32 to vector<16xf32>
    %add3A_1728 = arith.addf %sub3A_1725, %add3A_1727 : vector<16xf32>
    %max3A_1729 = arith.constant 0.000000e+00 : f32
    %max3A_1730 = vector.broadcast %max3A_1729 : f32 to vector<16xf32>
    %max3A_1731 = arith.maximumf %add3A_1728, %max3A_1730 : vector<16xf32>
    %add3A_1732 = arith.addf %add3A_1718, %max3A_1731 : vector<16xf32>
    %get3A_1733 = arith.constant 12 : i32
    %get3A_1734 = arith.index_cast %get3A_1733 : i32 to index
    %get3A_1735 = arith.constant 80 : index
    %get3A_1736 = tpu.vector_load %arg6[%get3A_1734, %get3A_1735] {strides = array<i32>} : memref<16x128xf32, #tpu.memory_space<vmem>>, vector<1x16xf32>,
    %get3A_1737 = vector.shape_cast %get3A_1736 : vector<1x16xf32> to vector<16xf32>
    %sub3A_1738 = vector.broadcast %squeeze3A : f32 to vector<16xf32>
    %sub3A_1739 = arith.subf %get3A_1737, %sub3A_1738 : vector<16xf32>
    %add3A_1740 = arith.constant 1.000000e-01 : f32
    %add3A_1741 = vector.broadcast %add3A_1740 : f32 to vector<16xf32>
    %add3A_1742 = arith.addf %sub3A_1739, %add3A_1741 : vector<16xf32>
    %max3A_1743 = arith.constant 0.000000e+00 : f32
    %max3A_1744 = vector.broadcast %max3A_1743 : f32 to vector<16xf32>
    %max3A_1745 = arith.maximumf %add3A_1742, %max3A_1744 : vector<16xf32>
    %add3A_1746 = arith.addf %add3A_1732, %max3A_1745 : vector<16xf32>
    %get3A_1747 = arith.constant 12 : i32
    %get3A_1748 = arith.index_cast %get3A_1747 : i32 to index
    %get3A_1749 = arith.constant 96 : index
    %get3A_1750 = tpu.vector_load %arg6[%get3A_1748, %get3A_1749] {strides = array<i32>} : memref<16x128xf32, #tpu.memory_space<vmem>>, vector<1x16xf32>,
    %get3A_1751 = vector.shape_cast %get3A_1750 : vector<1x16xf32> to vector<16xf32>
    %sub3A_1752 = vector.broadcast %squeeze3A : f32 to vector<16xf32>
    %sub3A_1753 = arith.subf %get3A_1751, %sub3A_1752 : vector<16xf32>
    %add3A_1754 = arith.constant 1.000000e-01 : f32
    %add3A_1755 = vector.broadcast %add3A_1754 : f32 to vector<16xf32>
    %add3A_1756 = arith.addf %sub3A_1753, %add3A_1755 : vector<16xf32>
    %max3A_1757 = arith.constant 0.000000e+00 : f32
    %max3A_1758 = vector.broadcast %max3A_1757 : f32 to vector<16xf32>
    %max3A_1759 = arith.maximumf %add3A_1756, %max3A_1758 : vector<16xf32>
    %add3A_1760 = arith.addf %add3A_1746, %max3A_1759 : vector<16xf32>
    %get3A_1761 = arith.constant 12 : i32
    %get3A_1762 = arith.index_cast %get3A_1761 : i32 to index
    %get3A_1763 = arith.constant 112 : index
    %get3A_1764 = tpu.vector_load %arg6[%get3A_1762, %get3A_1763] {strides = array<i32>} : memref<16x128xf32, #tpu.memory_space<vmem>>, vector<1x16xf32>,
    %get3A_1765 = vector.shape_cast %get3A_1764 : vector<1x16xf32> to vector<16xf32>
    %sub3A_1766 = vector.broadcast %squeeze3A : f32 to vector<16xf32>
    %sub3A_1767 = arith.subf %get3A_1765, %sub3A_1766 : vector<16xf32>
    %add3A_1768 = arith.constant 1.000000e-01 : f32
    %add3A_1769 = vector.broadcast %add3A_1768 : f32 to vector<16xf32>
    %add3A_1770 = arith.addf %sub3A_1767, %add3A_1769 : vector<16xf32>
    %max3A_1771 = arith.constant 0.000000e+00 : f32
    %max3A_1772 = vector.broadcast %max3A_1771 : f32 to vector<16xf32>
    %max3A_1773 = arith.maximumf %add3A_1770, %max3A_1772 : vector<16xf32>
    %add3A_1774 = arith.addf %add3A_1760, %max3A_1773 : vector<16xf32>
    %dma_wait3A_1775 = arith.constant 13 : i32
    %dma_wait3A_1776 = arith.constant 0 : i32
    %dma_wait3A_1777 = tpu.memref_slice %arg6[%dma_wait3A_1775, %dma_wait3A_1776] : memref<16x128xf32, #tpu.memory_space<vmem>> -> memref<1x128xf32, #tpu.memory_space<vmem>>
    %dma_wait3A_1778 = tpu.memref_squeeze %dma_wait3A_1777 : memref<1x128xf32, #tpu.memory_space<vmem>> -> memref<128xf32, #tpu.memory_space<vmem>>
    %dma_wait3A_1779 = arith.constant 1664 : i32
    %dma_wait3A_1780 = tpu.memref_slice %arg5[%dma_wait3A_1779] : memref<2048xi32, #tpu.memory_space<vmem>> -> memref<128xi32, #tpu.memory_space<vmem>>
    %dma_wait3A_1781 = arith.constant 0 : i32
    %dma_wait3A_1782 = tpu.memref_slice %arg2[%dma_wait3A_1781] : memref<32768xf32, #tpu.memory_space<hbm>> -> memref<32768xf32, #tpu.memory_space<hbm>>
    tpu.wait_indirect_dma semaphore(%arg12 : memref<!tpu.dma_semaphore, #tpu.memory_space<semaphore_mem>>) src(%dma_wait3A_1782 : memref<32768xf32, #tpu.memory_space<hbm>>) dst(%dma_wait3A_1778 : memref<128xf32, #tpu.memory_space<vmem>>)
    %get3A_1783 = arith.constant 13 : i32
    %get3A_1784 = arith.index_cast %get3A_1783 : i32 to index
    %get3A_1785 = arith.constant 0 : index
    %get3A_1786 = tpu.vector_load %arg6[%get3A_1784, %get3A_1785] {strides = array<i32>} : memref<16x128xf32, #tpu.memory_space<vmem>>, vector<1x16xf32>,
    %get3A_1787 = vector.shape_cast %get3A_1786 : vector<1x16xf32> to vector<16xf32>
    %sub3A_1788 = vector.broadcast %squeeze3A : f32 to vector<16xf32>
    %sub3A_1789 = arith.subf %get3A_1787, %sub3A_1788 : vector<16xf32>
    %add3A_1790 = arith.constant 1.000000e-01 : f32
    %add3A_1791 = vector.broadcast %add3A_1790 : f32 to vector<16xf32>
    %add3A_1792 = arith.addf %sub3A_1789, %add3A_1791 : vector<16xf32>
    %max3A_1793 = arith.constant 0.000000e+00 : f32
    %max3A_1794 = vector.broadcast %max3A_1793 : f32 to vector<16xf32>
    %max3A_1795 = arith.maximumf %add3A_1792, %max3A_1794 : vector<16xf32>
    %add3A_1796 = arith.addf %add3A_1774, %max3A_1795 : vector<16xf32>
    %get3A_1797 = arith.constant 13 : i32
    %get3A_1798 = arith.index_cast %get3A_1797 : i32 to index
    %get3A_1799 = arith.constant 16 : index
    %get3A_1800 = tpu.vector_load %arg6[%get3A_1798, %get3A_1799] {strides = array<i32>} : memref<16x128xf32, #tpu.memory_space<vmem>>, vector<1x16xf32>,
    %get3A_1801 = vector.shape_cast %get3A_1800 : vector<1x16xf32> to vector<16xf32>
    %sub3A_1802 = vector.broadcast %squeeze3A : f32 to vector<16xf32>
    %sub3A_1803 = arith.subf %get3A_1801, %sub3A_1802 : vector<16xf32>
    %add3A_1804 = arith.constant 1.000000e-01 : f32
    %add3A_1805 = vector.broadcast %add3A_1804 : f32 to vector<16xf32>
    %add3A_1806 = arith.addf %sub3A_1803, %add3A_1805 : vector<16xf32>
    %max3A_1807 = arith.constant 0.000000e+00 : f32
    %max3A_1808 = vector.broadcast %max3A_1807 : f32 to vector<16xf32>
    %max3A_1809 = arith.maximumf %add3A_1806, %max3A_1808 : vector<16xf32>
    %add3A_1810 = arith.addf %add3A_1796, %max3A_1809 : vector<16xf32>
    %get3A_1811 = arith.constant 13 : i32
    %get3A_1812 = arith.index_cast %get3A_1811 : i32 to index
    %get3A_1813 = arith.constant 32 : index
    %get3A_1814 = tpu.vector_load %arg6[%get3A_1812, %get3A_1813] {strides = array<i32>} : memref<16x128xf32, #tpu.memory_space<vmem>>, vector<1x16xf32>,
    %get3A_1815 = vector.shape_cast %get3A_1814 : vector<1x16xf32> to vector<16xf32>
    %sub3A_1816 = vector.broadcast %squeeze3A : f32 to vector<16xf32>
    %sub3A_1817 = arith.subf %get3A_1815, %sub3A_1816 : vector<16xf32>
    %add3A_1818 = arith.constant 1.000000e-01 : f32
    %add3A_1819 = vector.broadcast %add3A_1818 : f32 to vector<16xf32>
    %add3A_1820 = arith.addf %sub3A_1817, %add3A_1819 : vector<16xf32>
    %max3A_1821 = arith.constant 0.000000e+00 : f32
    %max3A_1822 = vector.broadcast %max3A_1821 : f32 to vector<16xf32>
    %max3A_1823 = arith.maximumf %add3A_1820, %max3A_1822 : vector<16xf32>
    %add3A_1824 = arith.addf %add3A_1810, %max3A_1823 : vector<16xf32>
    %get3A_1825 = arith.constant 13 : i32
    %get3A_1826 = arith.index_cast %get3A_1825 : i32 to index
    %get3A_1827 = arith.constant 48 : index
    %get3A_1828 = tpu.vector_load %arg6[%get3A_1826, %get3A_1827] {strides = array<i32>} : memref<16x128xf32, #tpu.memory_space<vmem>>, vector<1x16xf32>,
    %get3A_1829 = vector.shape_cast %get3A_1828 : vector<1x16xf32> to vector<16xf32>
    %sub3A_1830 = vector.broadcast %squeeze3A : f32 to vector<16xf32>
    %sub3A_1831 = arith.subf %get3A_1829, %sub3A_1830 : vector<16xf32>
    %add3A_1832 = arith.constant 1.000000e-01 : f32
    %add3A_1833 = vector.broadcast %add3A_1832 : f32 to vector<16xf32>
    %add3A_1834 = arith.addf %sub3A_1831, %add3A_1833 : vector<16xf32>
    %max3A_1835 = arith.constant 0.000000e+00 : f32
    %max3A_1836 = vector.broadcast %max3A_1835 : f32 to vector<16xf32>
    %max3A_1837 = arith.maximumf %add3A_1834, %max3A_1836 : vector<16xf32>
    %add3A_1838 = arith.addf %add3A_1824, %max3A_1837 : vector<16xf32>
    %get3A_1839 = arith.constant 13 : i32
    %get3A_1840 = arith.index_cast %get3A_1839 : i32 to index
    %get3A_1841 = arith.constant 64 : index
    %get3A_1842 = tpu.vector_load %arg6[%get3A_1840, %get3A_1841] {strides = array<i32>} : memref<16x128xf32, #tpu.memory_space<vmem>>, vector<1x16xf32>,
    %get3A_1843 = vector.shape_cast %get3A_1842 : vector<1x16xf32> to vector<16xf32>
    %sub3A_1844 = vector.broadcast %squeeze3A : f32 to vector<16xf32>
    %sub3A_1845 = arith.subf %get3A_1843, %sub3A_1844 : vector<16xf32>
    %add3A_1846 = arith.constant 1.000000e-01 : f32
    %add3A_1847 = vector.broadcast %add3A_1846 : f32 to vector<16xf32>
    %add3A_1848 = arith.addf %sub3A_1845, %add3A_1847 : vector<16xf32>
    %max3A_1849 = arith.constant 0.000000e+00 : f32
    %max3A_1850 = vector.broadcast %max3A_1849 : f32 to vector<16xf32>
    %max3A_1851 = arith.maximumf %add3A_1848, %max3A_1850 : vector<16xf32>
    %add3A_1852 = arith.addf %add3A_1838, %max3A_1851 : vector<16xf32>
    %get3A_1853 = arith.constant 13 : i32
    %get3A_1854 = arith.index_cast %get3A_1853 : i32 to index
    %get3A_1855 = arith.constant 80 : index
    %get3A_1856 = tpu.vector_load %arg6[%get3A_1854, %get3A_1855] {strides = array<i32>} : memref<16x128xf32, #tpu.memory_space<vmem>>, vector<1x16xf32>,
    %get3A_1857 = vector.shape_cast %get3A_1856 : vector<1x16xf32> to vector<16xf32>
    %sub3A_1858 = vector.broadcast %squeeze3A : f32 to vector<16xf32>
    %sub3A_1859 = arith.subf %get3A_1857, %sub3A_1858 : vector<16xf32>
    %add3A_1860 = arith.constant 1.000000e-01 : f32
    %add3A_1861 = vector.broadcast %add3A_1860 : f32 to vector<16xf32>
    %add3A_1862 = arith.addf %sub3A_1859, %add3A_1861 : vector<16xf32>
    %max3A_1863 = arith.constant 0.000000e+00 : f32
    %max3A_1864 = vector.broadcast %max3A_1863 : f32 to vector<16xf32>
    %max3A_1865 = arith.maximumf %add3A_1862, %max3A_1864 : vector<16xf32>
    %add3A_1866 = arith.addf %add3A_1852, %max3A_1865 : vector<16xf32>
    %get3A_1867 = arith.constant 13 : i32
    %get3A_1868 = arith.index_cast %get3A_1867 : i32 to index
    %get3A_1869 = arith.constant 96 : index
    %get3A_1870 = tpu.vector_load %arg6[%get3A_1868, %get3A_1869] {strides = array<i32>} : memref<16x128xf32, #tpu.memory_space<vmem>>, vector<1x16xf32>,
    %get3A_1871 = vector.shape_cast %get3A_1870 : vector<1x16xf32> to vector<16xf32>
    %sub3A_1872 = vector.broadcast %squeeze3A : f32 to vector<16xf32>
    %sub3A_1873 = arith.subf %get3A_1871, %sub3A_1872 : vector<16xf32>
    %add3A_1874 = arith.constant 1.000000e-01 : f32
    %add3A_1875 = vector.broadcast %add3A_1874 : f32 to vector<16xf32>
    %add3A_1876 = arith.addf %sub3A_1873, %add3A_1875 : vector<16xf32>
    %max3A_1877 = arith.constant 0.000000e+00 : f32
    %max3A_1878 = vector.broadcast %max3A_1877 : f32 to vector<16xf32>
    %max3A_1879 = arith.maximumf %add3A_1876, %max3A_1878 : vector<16xf32>
    %add3A_1880 = arith.addf %add3A_1866, %max3A_1879 : vector<16xf32>
    %get3A_1881 = arith.constant 13 : i32
    %get3A_1882 = arith.index_cast %get3A_1881 : i32 to index
    %get3A_1883 = arith.constant 112 : index
    %get3A_1884 = tpu.vector_load %arg6[%get3A_1882, %get3A_1883] {strides = array<i32>} : memref<16x128xf32, #tpu.memory_space<vmem>>, vector<1x16xf32>,
    %get3A_1885 = vector.shape_cast %get3A_1884 : vector<1x16xf32> to vector<16xf32>
    %sub3A_1886 = vector.broadcast %squeeze3A : f32 to vector<16xf32>
    %sub3A_1887 = arith.subf %get3A_1885, %sub3A_1886 : vector<16xf32>
    %add3A_1888 = arith.constant 1.000000e-01 : f32
    %add3A_1889 = vector.broadcast %add3A_1888 : f32 to vector<16xf32>
    %add3A_1890 = arith.addf %sub3A_1887, %add3A_1889 : vector<16xf32>
    %max3A_1891 = arith.constant 0.000000e+00 : f32
    %max3A_1892 = vector.broadcast %max3A_1891 : f32 to vector<16xf32>
    %max3A_1893 = arith.maximumf %add3A_1890, %max3A_1892 : vector<16xf32>
    %add3A_1894 = arith.addf %add3A_1880, %max3A_1893 : vector<16xf32>
    %dma_wait3A_1895 = arith.constant 14 : i32
    %dma_wait3A_1896 = arith.constant 0 : i32
    %dma_wait3A_1897 = tpu.memref_slice %arg6[%dma_wait3A_1895, %dma_wait3A_1896] : memref<16x128xf32, #tpu.memory_space<vmem>> -> memref<1x128xf32, #tpu.memory_space<vmem>>
    %dma_wait3A_1898 = tpu.memref_squeeze %dma_wait3A_1897 : memref<1x128xf32, #tpu.memory_space<vmem>> -> memref<128xf32, #tpu.memory_space<vmem>>
    %dma_wait3A_1899 = arith.constant 1792 : i32
    %dma_wait3A_1900 = tpu.memref_slice %arg5[%dma_wait3A_1899] : memref<2048xi32, #tpu.memory_space<vmem>> -> memref<128xi32, #tpu.memory_space<vmem>>
    %dma_wait3A_1901 = arith.constant 0 : i32
    %dma_wait3A_1902 = tpu.memref_slice %arg2[%dma_wait3A_1901] : memref<32768xf32, #tpu.memory_space<hbm>> -> memref<32768xf32, #tpu.memory_space<hbm>>
    tpu.wait_indirect_dma semaphore(%arg12 : memref<!tpu.dma_semaphore, #tpu.memory_space<semaphore_mem>>) src(%dma_wait3A_1902 : memref<32768xf32, #tpu.memory_space<hbm>>) dst(%dma_wait3A_1898 : memref<128xf32, #tpu.memory_space<vmem>>)
    %get3A_1903 = arith.constant 14 : i32
    %get3A_1904 = arith.index_cast %get3A_1903 : i32 to index
    %get3A_1905 = arith.constant 0 : index
    %get3A_1906 = tpu.vector_load %arg6[%get3A_1904, %get3A_1905] {strides = array<i32>} : memref<16x128xf32, #tpu.memory_space<vmem>>, vector<1x16xf32>,
    %get3A_1907 = vector.shape_cast %get3A_1906 : vector<1x16xf32> to vector<16xf32>
    %sub3A_1908 = vector.broadcast %squeeze3A : f32 to vector<16xf32>
    %sub3A_1909 = arith.subf %get3A_1907, %sub3A_1908 : vector<16xf32>
    %add3A_1910 = arith.constant 1.000000e-01 : f32
    %add3A_1911 = vector.broadcast %add3A_1910 : f32 to vector<16xf32>
    %add3A_1912 = arith.addf %sub3A_1909, %add3A_1911 : vector<16xf32>
    %max3A_1913 = arith.constant 0.000000e+00 : f32
    %max3A_1914 = vector.broadcast %max3A_1913 : f32 to vector<16xf32>
    %max3A_1915 = arith.maximumf %add3A_1912, %max3A_1914 : vector<16xf32>
    %add3A_1916 = arith.addf %add3A_1894, %max3A_1915 : vector<16xf32>
    %get3A_1917 = arith.constant 14 : i32
    %get3A_1918 = arith.index_cast %get3A_1917 : i32 to index
    %get3A_1919 = arith.constant 16 : index
    %get3A_1920 = tpu.vector_load %arg6[%get3A_1918, %get3A_1919] {strides = array<i32>} : memref<16x128xf32, #tpu.memory_space<vmem>>, vector<1x16xf32>,
    %get3A_1921 = vector.shape_cast %get3A_1920 : vector<1x16xf32> to vector<16xf32>
    %sub3A_1922 = vector.broadcast %squeeze3A : f32 to vector<16xf32>
    %sub3A_1923 = arith.subf %get3A_1921, %sub3A_1922 : vector<16xf32>
    %add3A_1924 = arith.constant 1.000000e-01 : f32
    %add3A_1925 = vector.broadcast %add3A_1924 : f32 to vector<16xf32>
    %add3A_1926 = arith.addf %sub3A_1923, %add3A_1925 : vector<16xf32>
    %max3A_1927 = arith.constant 0.000000e+00 : f32
    %max3A_1928 = vector.broadcast %max3A_1927 : f32 to vector<16xf32>
    %max3A_1929 = arith.maximumf %add3A_1926, %max3A_1928 : vector<16xf32>
    %add3A_1930 = arith.addf %add3A_1916, %max3A_1929 : vector<16xf32>
    %get3A_1931 = arith.constant 14 : i32
    %get3A_1932 = arith.index_cast %get3A_1931 : i32 to index
    %get3A_1933 = arith.constant 32 : index
    %get3A_1934 = tpu.vector_load %arg6[%get3A_1932, %get3A_1933] {strides = array<i32>} : memref<16x128xf32, #tpu.memory_space<vmem>>, vector<1x16xf32>,
    %get3A_1935 = vector.shape_cast %get3A_1934 : vector<1x16xf32> to vector<16xf32>
    %sub3A_1936 = vector.broadcast %squeeze3A : f32 to vector<16xf32>
    %sub3A_1937 = arith.subf %get3A_1935, %sub3A_1936 : vector<16xf32>
    %add3A_1938 = arith.constant 1.000000e-01 : f32
    %add3A_1939 = vector.broadcast %add3A_1938 : f32 to vector<16xf32>
    %add3A_1940 = arith.addf %sub3A_1937, %add3A_1939 : vector<16xf32>
    %max3A_1941 = arith.constant 0.000000e+00 : f32
    %max3A_1942 = vector.broadcast %max3A_1941 : f32 to vector<16xf32>
    %max3A_1943 = arith.maximumf %add3A_1940, %max3A_1942 : vector<16xf32>
    %add3A_1944 = arith.addf %add3A_1930, %max3A_1943 : vector<16xf32>
    %get3A_1945 = arith.constant 14 : i32
    %get3A_1946 = arith.index_cast %get3A_1945 : i32 to index
    %get3A_1947 = arith.constant 48 : index
    %get3A_1948 = tpu.vector_load %arg6[%get3A_1946, %get3A_1947] {strides = array<i32>} : memref<16x128xf32, #tpu.memory_space<vmem>>, vector<1x16xf32>,
    %get3A_1949 = vector.shape_cast %get3A_1948 : vector<1x16xf32> to vector<16xf32>
    %sub3A_1950 = vector.broadcast %squeeze3A : f32 to vector<16xf32>
    %sub3A_1951 = arith.subf %get3A_1949, %sub3A_1950 : vector<16xf32>
    %add3A_1952 = arith.constant 1.000000e-01 : f32
    %add3A_1953 = vector.broadcast %add3A_1952 : f32 to vector<16xf32>
    %add3A_1954 = arith.addf %sub3A_1951, %add3A_1953 : vector<16xf32>
    %max3A_1955 = arith.constant 0.000000e+00 : f32
    %max3A_1956 = vector.broadcast %max3A_1955 : f32 to vector<16xf32>
    %max3A_1957 = arith.maximumf %add3A_1954, %max3A_1956 : vector<16xf32>
    %add3A_1958 = arith.addf %add3A_1944, %max3A_1957 : vector<16xf32>
    %get3A_1959 = arith.constant 14 : i32
    %get3A_1960 = arith.index_cast %get3A_1959 : i32 to index
    %get3A_1961 = arith.constant 64 : index
    %get3A_1962 = tpu.vector_load %arg6[%get3A_1960, %get3A_1961] {strides = array<i32>} : memref<16x128xf32, #tpu.memory_space<vmem>>, vector<1x16xf32>,
    %get3A_1963 = vector.shape_cast %get3A_1962 : vector<1x16xf32> to vector<16xf32>
    %sub3A_1964 = vector.broadcast %squeeze3A : f32 to vector<16xf32>
    %sub3A_1965 = arith.subf %get3A_1963, %sub3A_1964 : vector<16xf32>
    %add3A_1966 = arith.constant 1.000000e-01 : f32
    %add3A_1967 = vector.broadcast %add3A_1966 : f32 to vector<16xf32>
    %add3A_1968 = arith.addf %sub3A_1965, %add3A_1967 : vector<16xf32>
    %max3A_1969 = arith.constant 0.000000e+00 : f32
    %max3A_1970 = vector.broadcast %max3A_1969 : f32 to vector<16xf32>
    %max3A_1971 = arith.maximumf %add3A_1968, %max3A_1970 : vector<16xf32>
    %add3A_1972 = arith.addf %add3A_1958, %max3A_1971 : vector<16xf32>
    %get3A_1973 = arith.constant 14 : i32
    %get3A_1974 = arith.index_cast %get3A_1973 : i32 to index
    %get3A_1975 = arith.constant 80 : index
    %get3A_1976 = tpu.vector_load %arg6[%get3A_1974, %get3A_1975] {strides = array<i32>} : memref<16x128xf32, #tpu.memory_space<vmem>>, vector<1x16xf32>,
    %get3A_1977 = vector.shape_cast %get3A_1976 : vector<1x16xf32> to vector<16xf32>
    %sub3A_1978 = vector.broadcast %squeeze3A : f32 to vector<16xf32>
    %sub3A_1979 = arith.subf %get3A_1977, %sub3A_1978 : vector<16xf32>
    %add3A_1980 = arith.constant 1.000000e-01 : f32
    %add3A_1981 = vector.broadcast %add3A_1980 : f32 to vector<16xf32>
    %add3A_1982 = arith.addf %sub3A_1979, %add3A_1981 : vector<16xf32>
    %max3A_1983 = arith.constant 0.000000e+00 : f32
    %max3A_1984 = vector.broadcast %max3A_1983 : f32 to vector<16xf32>
    %max3A_1985 = arith.maximumf %add3A_1982, %max3A_1984 : vector<16xf32>
    %add3A_1986 = arith.addf %add3A_1972, %max3A_1985 : vector<16xf32>
    %get3A_1987 = arith.constant 14 : i32
    %get3A_1988 = arith.index_cast %get3A_1987 : i32 to index
    %get3A_1989 = arith.constant 96 : index
    %get3A_1990 = tpu.vector_load %arg6[%get3A_1988, %get3A_1989] {strides = array<i32>} : memref<16x128xf32, #tpu.memory_space<vmem>>, vector<1x16xf32>,
    %get3A_1991 = vector.shape_cast %get3A_1990 : vector<1x16xf32> to vector<16xf32>
    %sub3A_1992 = vector.broadcast %squeeze3A : f32 to vector<16xf32>
    %sub3A_1993 = arith.subf %get3A_1991, %sub3A_1992 : vector<16xf32>
    %add3A_1994 = arith.constant 1.000000e-01 : f32
    %add3A_1995 = vector.broadcast %add3A_1994 : f32 to vector<16xf32>
    %add3A_1996 = arith.addf %sub3A_1993, %add3A_1995 : vector<16xf32>
    %max3A_1997 = arith.constant 0.000000e+00 : f32
    %max3A_1998 = vector.broadcast %max3A_1997 : f32 to vector<16xf32>
    %max3A_1999 = arith.maximumf %add3A_1996, %max3A_1998 : vector<16xf32>
    %add3A_2000 = arith.addf %add3A_1986, %max3A_1999 : vector<16xf32>
    %get3A_2001 = arith.constant 14 : i32
    %get3A_2002 = arith.index_cast %get3A_2001 : i32 to index
    %get3A_2003 = arith.constant 112 : index
    %get3A_2004 = tpu.vector_load %arg6[%get3A_2002, %get3A_2003] {strides = array<i32>} : memref<16x128xf32, #tpu.memory_space<vmem>>, vector<1x16xf32>,
    %get3A_2005 = vector.shape_cast %get3A_2004 : vector<1x16xf32> to vector<16xf32>
    %sub3A_2006 = vector.broadcast %squeeze3A : f32 to vector<16xf32>
    %sub3A_2007 = arith.subf %get3A_2005, %sub3A_2006 : vector<16xf32>
    %add3A_2008 = arith.constant 1.000000e-01 : f32
    %add3A_2009 = vector.broadcast %add3A_2008 : f32 to vector<16xf32>
    %add3A_2010 = arith.addf %sub3A_2007, %add3A_2009 : vector<16xf32>
    %max3A_2011 = arith.constant 0.000000e+00 : f32
    %max3A_2012 = vector.broadcast %max3A_2011 : f32 to vector<16xf32>
    %max3A_2013 = arith.maximumf %add3A_2010, %max3A_2012 : vector<16xf32>
    %add3A_2014 = arith.addf %add3A_2000, %max3A_2013 : vector<16xf32>
    %dma_wait3A_2015 = arith.constant 15 : i32
    %dma_wait3A_2016 = arith.constant 0 : i32
    %dma_wait3A_2017 = tpu.memref_slice %arg6[%dma_wait3A_2015, %dma_wait3A_2016] : memref<16x128xf32, #tpu.memory_space<vmem>> -> memref<1x128xf32, #tpu.memory_space<vmem>>
    %dma_wait3A_2018 = tpu.memref_squeeze %dma_wait3A_2017 : memref<1x128xf32, #tpu.memory_space<vmem>> -> memref<128xf32, #tpu.memory_space<vmem>>
    %dma_wait3A_2019 = arith.constant 1920 : i32
    %dma_wait3A_2020 = tpu.memref_slice %arg5[%dma_wait3A_2019] : memref<2048xi32, #tpu.memory_space<vmem>> -> memref<128xi32, #tpu.memory_space<vmem>>
    %dma_wait3A_2021 = arith.constant 0 : i32
    %dma_wait3A_2022 = tpu.memref_slice %arg2[%dma_wait3A_2021] : memref<32768xf32, #tpu.memory_space<hbm>> -> memref<32768xf32, #tpu.memory_space<hbm>>
    tpu.wait_indirect_dma semaphore(%arg12 : memref<!tpu.dma_semaphore, #tpu.memory_space<semaphore_mem>>) src(%dma_wait3A_2022 : memref<32768xf32, #tpu.memory_space<hbm>>) dst(%dma_wait3A_2018 : memref<128xf32, #tpu.memory_space<vmem>>)
    %get3A_2023 = arith.constant 15 : i32
    %get3A_2024 = arith.index_cast %get3A_2023 : i32 to index
    %get3A_2025 = arith.constant 0 : index
    %get3A_2026 = tpu.vector_load %arg6[%get3A_2024, %get3A_2025] {strides = array<i32>} : memref<16x128xf32, #tpu.memory_space<vmem>>, vector<1x16xf32>,
    %get3A_2027 = vector.shape_cast %get3A_2026 : vector<1x16xf32> to vector<16xf32>
    %sub3A_2028 = vector.broadcast %squeeze3A : f32 to vector<16xf32>
    %sub3A_2029 = arith.subf %get3A_2027, %sub3A_2028 : vector<16xf32>
    %add3A_2030 = arith.constant 1.000000e-01 : f32
    %add3A_2031 = vector.broadcast %add3A_2030 : f32 to vector<16xf32>
    %add3A_2032 = arith.addf %sub3A_2029, %add3A_2031 : vector<16xf32>
    %max3A_2033 = arith.constant 0.000000e+00 : f32
    %max3A_2034 = vector.broadcast %max3A_2033 : f32 to vector<16xf32>
    %max3A_2035 = arith.maximumf %add3A_2032, %max3A_2034 : vector<16xf32>
    %add3A_2036 = arith.addf %add3A_2014, %max3A_2035 : vector<16xf32>
    %get3A_2037 = arith.constant 15 : i32
    %get3A_2038 = arith.index_cast %get3A_2037 : i32 to index
    %get3A_2039 = arith.constant 16 : index
    %get3A_2040 = tpu.vector_load %arg6[%get3A_2038, %get3A_2039] {strides = array<i32>} : memref<16x128xf32, #tpu.memory_space<vmem>>, vector<1x16xf32>,
    %get3A_2041 = vector.shape_cast %get3A_2040 : vector<1x16xf32> to vector<16xf32>
    %sub3A_2042 = vector.broadcast %squeeze3A : f32 to vector<16xf32>
    %sub3A_2043 = arith.subf %get3A_2041, %sub3A_2042 : vector<16xf32>
    %add3A_2044 = arith.constant 1.000000e-01 : f32
    %add3A_2045 = vector.broadcast %add3A_2044 : f32 to vector<16xf32>
    %add3A_2046 = arith.addf %sub3A_2043, %add3A_2045 : vector<16xf32>
    %max3A_2047 = arith.constant 0.000000e+00 : f32
    %max3A_2048 = vector.broadcast %max3A_2047 : f32 to vector<16xf32>
    %max3A_2049 = arith.maximumf %add3A_2046, %max3A_2048 : vector<16xf32>
    %add3A_2050 = arith.addf %add3A_2036, %max3A_2049 : vector<16xf32>
    %get3A_2051 = arith.constant 15 : i32
    %get3A_2052 = arith.index_cast %get3A_2051 : i32 to index
    %get3A_2053 = arith.constant 32 : index
    %get3A_2054 = tpu.vector_load %arg6[%get3A_2052, %get3A_2053] {strides = array<i32>} : memref<16x128xf32, #tpu.memory_space<vmem>>, vector<1x16xf32>,
    %get3A_2055 = vector.shape_cast %get3A_2054 : vector<1x16xf32> to vector<16xf32>
    %sub3A_2056 = vector.broadcast %squeeze3A : f32 to vector<16xf32>
    %sub3A_2057 = arith.subf %get3A_2055, %sub3A_2056 : vector<16xf32>
    %add3A_2058 = arith.constant 1.000000e-01 : f32
    %add3A_2059 = vector.broadcast %add3A_2058 : f32 to vector<16xf32>
    %add3A_2060 = arith.addf %sub3A_2057, %add3A_2059 : vector<16xf32>
    %max3A_2061 = arith.constant 0.000000e+00 : f32
    %max3A_2062 = vector.broadcast %max3A_2061 : f32 to vector<16xf32>
    %max3A_2063 = arith.maximumf %add3A_2060, %max3A_2062 : vector<16xf32>
    %add3A_2064 = arith.addf %add3A_2050, %max3A_2063 : vector<16xf32>
    %get3A_2065 = arith.constant 15 : i32
    %get3A_2066 = arith.index_cast %get3A_2065 : i32 to index
    %get3A_2067 = arith.constant 48 : index
    %get3A_2068 = tpu.vector_load %arg6[%get3A_2066, %get3A_2067] {strides = array<i32>} : memref<16x128xf32, #tpu.memory_space<vmem>>, vector<1x16xf32>,
    %get3A_2069 = vector.shape_cast %get3A_2068 : vector<1x16xf32> to vector<16xf32>
    %sub3A_2070 = vector.broadcast %squeeze3A : f32 to vector<16xf32>
    %sub3A_2071 = arith.subf %get3A_2069, %sub3A_2070 : vector<16xf32>
    %add3A_2072 = arith.constant 1.000000e-01 : f32
    %add3A_2073 = vector.broadcast %add3A_2072 : f32 to vector<16xf32>
    %add3A_2074 = arith.addf %sub3A_2071, %add3A_2073 : vector<16xf32>
    %max3A_2075 = arith.constant 0.000000e+00 : f32
    %max3A_2076 = vector.broadcast %max3A_2075 : f32 to vector<16xf32>
    %max3A_2077 = arith.maximumf %add3A_2074, %max3A_2076 : vector<16xf32>
    %add3A_2078 = arith.addf %add3A_2064, %max3A_2077 : vector<16xf32>
    %get3A_2079 = arith.constant 15 : i32
    %get3A_2080 = arith.index_cast %get3A_2079 : i32 to index
    %get3A_2081 = arith.constant 64 : index
    %get3A_2082 = tpu.vector_load %arg6[%get3A_2080, %get3A_2081] {strides = array<i32>} : memref<16x128xf32, #tpu.memory_space<vmem>>, vector<1x16xf32>,
    %get3A_2083 = vector.shape_cast %get3A_2082 : vector<1x16xf32> to vector<16xf32>
    %sub3A_2084 = vector.broadcast %squeeze3A : f32 to vector<16xf32>
    %sub3A_2085 = arith.subf %get3A_2083, %sub3A_2084 : vector<16xf32>
    %add3A_2086 = arith.constant 1.000000e-01 : f32
    %add3A_2087 = vector.broadcast %add3A_2086 : f32 to vector<16xf32>
    %add3A_2088 = arith.addf %sub3A_2085, %add3A_2087 : vector<16xf32>
    %max3A_2089 = arith.constant 0.000000e+00 : f32
    %max3A_2090 = vector.broadcast %max3A_2089 : f32 to vector<16xf32>
    %max3A_2091 = arith.maximumf %add3A_2088, %max3A_2090 : vector<16xf32>
    %add3A_2092 = arith.addf %add3A_2078, %max3A_2091 : vector<16xf32>
    %get3A_2093 = arith.constant 15 : i32
    %get3A_2094 = arith.index_cast %get3A_2093 : i32 to index
    %get3A_2095 = arith.constant 80 : index
    %get3A_2096 = tpu.vector_load %arg6[%get3A_2094, %get3A_2095] {strides = array<i32>} : memref<16x128xf32, #tpu.memory_space<vmem>>, vector<1x16xf32>,
    %get3A_2097 = vector.shape_cast %get3A_2096 : vector<1x16xf32> to vector<16xf32>
    %sub3A_2098 = vector.broadcast %squeeze3A : f32 to vector<16xf32>
    %sub3A_2099 = arith.subf %get3A_2097, %sub3A_2098 : vector<16xf32>
    %add3A_2100 = arith.constant 1.000000e-01 : f32
    %add3A_2101 = vector.broadcast %add3A_2100 : f32 to vector<16xf32>
    %add3A_2102 = arith.addf %sub3A_2099, %add3A_2101 : vector<16xf32>
    %max3A_2103 = arith.constant 0.000000e+00 : f32
    %max3A_2104 = vector.broadcast %max3A_2103 : f32 to vector<16xf32>
    %max3A_2105 = arith.maximumf %add3A_2102, %max3A_2104 : vector<16xf32>
    %add3A_2106 = arith.addf %add3A_2092, %max3A_2105 : vector<16xf32>
    %get3A_2107 = arith.constant 15 : i32
    %get3A_2108 = arith.index_cast %get3A_2107 : i32 to index
    %get3A_2109 = arith.constant 96 : index
    %get3A_2110 = tpu.vector_load %arg6[%get3A_2108, %get3A_2109] {strides = array<i32>} : memref<16x128xf32, #tpu.memory_space<vmem>>, vector<1x16xf32>,
    %get3A_2111 = vector.shape_cast %get3A_2110 : vector<1x16xf32> to vector<16xf32>
    %sub3A_2112 = vector.broadcast %squeeze3A : f32 to vector<16xf32>
    %sub3A_2113 = arith.subf %get3A_2111, %sub3A_2112 : vector<16xf32>
    %add3A_2114 = arith.constant 1.000000e-01 : f32
    %add3A_2115 = vector.broadcast %add3A_2114 : f32 to vector<16xf32>
    %add3A_2116 = arith.addf %sub3A_2113, %add3A_2115 : vector<16xf32>
    %max3A_2117 = arith.constant 0.000000e+00 : f32
    %max3A_2118 = vector.broadcast %max3A_2117 : f32 to vector<16xf32>
    %max3A_2119 = arith.maximumf %add3A_2116, %max3A_2118 : vector<16xf32>
    %add3A_2120 = arith.addf %add3A_2106, %max3A_2119 : vector<16xf32>
    %get3A_2121 = arith.constant 15 : i32
    %get3A_2122 = arith.index_cast %get3A_2121 : i32 to index
    %get3A_2123 = arith.constant 112 : index
    %get3A_2124 = tpu.vector_load %arg6[%get3A_2122, %get3A_2123] {strides = array<i32>} : memref<16x128xf32, #tpu.memory_space<vmem>>, vector<1x16xf32>,
    %get3A_2125 = vector.shape_cast %get3A_2124 : vector<1x16xf32> to vector<16xf32>
    %sub3A_2126 = vector.broadcast %squeeze3A : f32 to vector<16xf32>
    %sub3A_2127 = arith.subf %get3A_2125, %sub3A_2126 : vector<16xf32>
    %add3A_2128 = arith.constant 1.000000e-01 : f32
    %add3A_2129 = vector.broadcast %add3A_2128 : f32 to vector<16xf32>
    %add3A_2130 = arith.addf %sub3A_2127, %add3A_2129 : vector<16xf32>
    %max3A_2131 = arith.constant 0.000000e+00 : f32
    %max3A_2132 = vector.broadcast %max3A_2131 : f32 to vector<16xf32>
    %max3A_2133 = arith.maximumf %add3A_2130, %max3A_2132 : vector<16xf32>
    %add3A_2134 = arith.addf %add3A_2120, %max3A_2133 : vector<16xf32>
    %swap3A_2135 = arith.constant 0 : i32
    %swap3A_2136 = arith.index_cast %swap3A_2135 : i32 to index
    %swap3A_2137 = arith.constant 0 : index
    %swap3A_2138 = tpu.vector_load %arg7[%swap3A_2136, %swap3A_2137] {strides = array<i32>} : memref<1x16xf32, #tpu.memory_space<vmem>>, vector<1x16xf32>,
    %swap3A_2139 = vector.shape_cast %swap3A_2138 : vector<1x16xf32> to vector<16xf32>
    %swap3A_2140 = vector.shape_cast %add3A_2134 : vector<16xf32> to vector<1x16xf32>
    tpu.vector_store %arg7[%swap3A_2136, %swap3A_2137], %swap3A_2140 {strides = array<i32>} : memref<1x16xf32, #tpu.memory_space<vmem>>, vector<1x16xf32>,
    %barrier3A = arith.constant 0 : index
    tpu.barrier barrier_id(%barrier3A)
    "tpu.region"() ({
      %run_scoped3A = tpu.sem_alloc : memref<!tpu.dma_semaphore, #tpu.memory_space<semaphore_mem>>
      %dma_start3A_2147 = arith.constant 0 : i32
      %dma_start3A_2148 = tpu.memref_slice %arg8[%dma_start3A_2147] : memref<16xi32, #tpu.memory_space<vmem>> -> memref<1xi32, #tpu.memory_space<vmem>>
      %dma_start3A_2149 = arith.constant 0 : i32
      %dma_start3A_2150 = arith.constant 0 : i32
      %dma_start3A_2151 = tpu.memref_slice %arg9[%dma_start3A_2149, %dma_start3A_2150] : memref<1x16xf32, #tpu.memory_space<vmem_shared>> -> memref<1x16xf32, #tpu.memory_space<vmem_shared>>
      tpu.enqueue_indirect_dma source(%arg7 : memref<1x16xf32, #tpu.memory_space<vmem>>) target(%dma_start3A_2151 : memref<1x16xf32, #tpu.memory_space<vmem_shared>>) offsets(%dma_start3A_2148 : memref<1xi32, #tpu.memory_space<vmem>>) semaphore(%run_scoped3A : memref<!tpu.dma_semaphore, #tpu.memory_space<semaphore_mem>>) {add = true}
      %dma_wait3A_2152 = arith.constant 0 : i32
      %dma_wait3A_2153 = tpu.memref_slice %arg8[%dma_wait3A_2152] : memref<16xi32, #tpu.memory_space<vmem>> -> memref<1xi32, #tpu.memory_space<vmem>>
      %dma_wait3A_2154 = arith.constant 0 : i32
      %dma_wait3A_2155 = arith.constant 0 : i32
      %dma_wait3A_2156 = tpu.memref_slice %arg9[%dma_wait3A_2154, %dma_wait3A_2155] : memref<1x16xf32, #tpu.memory_space<vmem_shared>> -> memref<1x16xf32, #tpu.memory_space<vmem_shared>>
      tpu.wait_indirect_dma semaphore(%run_scoped3A : memref<!tpu.dma_semaphore, #tpu.memory_space<semaphore_mem>>) src(%arg7 : memref<1x16xf32, #tpu.memory_space<vmem>>) dst(%dma_wait3A_2156 : memref<1x16xf32, #tpu.memory_space<vmem_shared>>)
      tpu.yield
    }) : () -> ()
    %barrier3A_2141 = arith.constant 0 : index
    tpu.barrier barrier_id(%barrier3A_2141)
    %eq3A_2142 = arith.constant 0 : i32
    %eq3A_2143 = arith.cmpi eq, %arg1, %eq3A_2142 : i32
    %convert_element_type3A_2144 = arith.extui %eq3A_2143 : i1 to i32
    %cond3A_2145 = arith.constant 0 : i32
    %cond3A_2146 = arith.cmpi ne, %convert_element_type3A_2144, %cond3A_2145 : i32
    scf.if %cond3A_2146 {
      %run_scoped3A = arith.constant 0 : i32
      "tpu.region"() ({
        %run_scoped3A_2208 = tpu.sem_alloc : memref<!tpu.dma_semaphore, #tpu.memory_space<semaphore_mem>>
        %dma_start3A_2209 = arith.constant 0 : i32
        %dma_start3A_2210 = tpu.memref_slice %arg9[%run_scoped3A, %dma_start3A_2209] : memref<1x16xf32, #tpu.memory_space<vmem_shared>> -> memref<1x16xf32, #tpu.memory_space<vmem_shared>>
        %dma_start3A_2211 = tpu.memref_squeeze %dma_start3A_2210 : memref<1x16xf32, #tpu.memory_space<vmem_shared>> -> memref<16xf32, #tpu.memory_space<vmem_shared>>
        %dma_start3A_2212 = arith.constant 0 : i32
        %dma_start3A_2213 = tpu.memref_slice %arg9[%run_scoped3A, %dma_start3A_2212] : memref<1x16xf32, #tpu.memory_space<vmem_shared>> -> memref<1x16xf32, #tpu.memory_space<vmem_shared>>
        %dma_start3A_2214 = tpu.memref_squeeze %dma_start3A_2213 : memref<1x16xf32, #tpu.memory_space<vmem_shared>> -> memref<16xf32, #tpu.memory_space<vmem_shared>>
        tpu.enqueue_dma source(%dma_start3A_2214 : memref<16xf32, #tpu.memory_space<vmem_shared>>) target(%arg10 : memref<16xf32, #tpu.memory_space<vmem>>) target_semaphore(%run_scoped3A_2208 : memref<!tpu.dma_semaphore, #tpu.memory_space<semaphore_mem>>)
        %dma_wait3A_2215 = arith.constant 0 : i32
        %dma_wait3A_2216 = tpu.memref_slice %arg9[%run_scoped3A, %dma_wait3A_2215] : memref<1x16xf32, #tpu.memory_space<vmem_shared>> -> memref<1x16xf32, #tpu.memory_space<vmem_shared>>
        %dma_wait3A_2217 = tpu.memref_squeeze %dma_wait3A_2216 : memref<1x16xf32, #tpu.memory_space<vmem_shared>> -> memref<16xf32, #tpu.memory_space<vmem_shared>>
        %dma_wait3A_2218 = arith.constant 0 : i32
        %dma_wait3A_2219 = tpu.memref_slice %arg9[%run_scoped3A, %dma_wait3A_2218] : memref<1x16xf32, #tpu.memory_space<vmem_shared>> -> memref<1x16xf32, #tpu.memory_space<vmem_shared>>
        %dma_wait3A_2220 = tpu.memref_squeeze %dma_wait3A_2219 : memref<1x16xf32, #tpu.memory_space<vmem_shared>> -> memref<16xf32, #tpu.memory_space<vmem_shared>>
        tpu.wait_dma2 semaphore(%run_scoped3A_2208 : memref<!tpu.dma_semaphore, #tpu.memory_space<semaphore_mem>>) src(%dma_wait3A_2220 : memref<16xf32, #tpu.memory_space<vmem_shared>>) dst(%arg10 : memref<16xf32, #tpu.memory_space<vmem>>)
        tpu.yield
      }) : () -> ()
      %get3A_2147 = arith.constant 0 : index
      %get3A_2148 = tpu.vector_load %arg10[%get3A_2147] {strides = array<i32>} : memref<16xf32, #tpu.memory_space<vmem>>, vector<16xf32>,
      %get3A_2149 = vector.shape_cast %get3A_2148 : vector<16xf32> to vector<16xf32>
      %slice3A_2150 = vector.extract_strided_slice %get3A_2149 {offsets = [0], sizes = [1], strides = [1]} : vector<16xf32> to vector<1xf32>
      %squeeze3A_2151 = vector.extract %slice3A_2150[0] : f32 from vector<1xf32>
      %slice3A_2152 = vector.extract_strided_slice %get3A_2149 {offsets = [1], sizes = [1], strides = [1]} : vector<16xf32> to vector<1xf32>
      %squeeze3A_2153 = vector.extract %slice3A_2152[0] : f32 from vector<1xf32>
      %add3A_2154 = arith.addf %squeeze3A_2151, %squeeze3A_2153 : f32
      %slice3A_2155 = vector.extract_strided_slice %get3A_2149 {offsets = [2], sizes = [1], strides = [1]} : vector<16xf32> to vector<1xf32>
      %squeeze3A_2156 = vector.extract %slice3A_2155[0] : f32 from vector<1xf32>
      %slice3A_2157 = vector.extract_strided_slice %get3A_2149 {offsets = [3], sizes = [1], strides = [1]} : vector<16xf32> to vector<1xf32>
      %squeeze3A_2158 = vector.extract %slice3A_2157[0] : f32 from vector<1xf32>
      %add3A_2159 = arith.addf %squeeze3A_2156, %squeeze3A_2158 : f32
      %add3A_2160 = arith.addf %add3A_2154, %add3A_2159 : f32
      %slice3A_2161 = vector.extract_strided_slice %get3A_2149 {offsets = [4], sizes = [1], strides = [1]} : vector<16xf32> to vector<1xf32>
      %squeeze3A_2162 = vector.extract %slice3A_2161[0] : f32 from vector<1xf32>
      %slice3A_2163 = vector.extract_strided_slice %get3A_2149 {offsets = [5], sizes = [1], strides = [1]} : vector<16xf32> to vector<1xf32>
      %squeeze3A_2164 = vector.extract %slice3A_2163[0] : f32 from vector<1xf32>
      %add3A_2165 = arith.addf %squeeze3A_2162, %squeeze3A_2164 : f32
      %slice3A_2166 = vector.extract_strided_slice %get3A_2149 {offsets = [6], sizes = [1], strides = [1]} : vector<16xf32> to vector<1xf32>
      %squeeze3A_2167 = vector.extract %slice3A_2166[0] : f32 from vector<1xf32>
      %slice3A_2168 = vector.extract_strided_slice %get3A_2149 {offsets = [7], sizes = [1], strides = [1]} : vector<16xf32> to vector<1xf32>
      %squeeze3A_2169 = vector.extract %slice3A_2168[0] : f32 from vector<1xf32>
      %add3A_2170 = arith.addf %squeeze3A_2167, %squeeze3A_2169 : f32
      %add3A_2171 = arith.addf %add3A_2165, %add3A_2170 : f32
      %add3A_2172 = arith.addf %add3A_2160, %add3A_2171 : f32
      %slice3A_2173 = vector.extract_strided_slice %get3A_2149 {offsets = [8], sizes = [1], strides = [1]} : vector<16xf32> to vector<1xf32>
      %squeeze3A_2174 = vector.extract %slice3A_2173[0] : f32 from vector<1xf32>
      %slice3A_2175 = vector.extract_strided_slice %get3A_2149 {offsets = [9], sizes = [1], strides = [1]} : vector<16xf32> to vector<1xf32>
      %squeeze3A_2176 = vector.extract %slice3A_2175[0] : f32 from vector<1xf32>
      %add3A_2177 = arith.addf %squeeze3A_2174, %squeeze3A_2176 : f32
      %slice3A_2178 = vector.extract_strided_slice %get3A_2149 {offsets = [10], sizes = [1], strides = [1]} : vector<16xf32> to vector<1xf32>
      %squeeze3A_2179 = vector.extract %slice3A_2178[0] : f32 from vector<1xf32>
      %slice3A_2180 = vector.extract_strided_slice %get3A_2149 {offsets = [11], sizes = [1], strides = [1]} : vector<16xf32> to vector<1xf32>
      %squeeze3A_2181 = vector.extract %slice3A_2180[0] : f32 from vector<1xf32>
      %add3A_2182 = arith.addf %squeeze3A_2179, %squeeze3A_2181 : f32
      %add3A_2183 = arith.addf %add3A_2177, %add3A_2182 : f32
      %slice3A_2184 = vector.extract_strided_slice %get3A_2149 {offsets = [12], sizes = [1], strides = [1]} : vector<16xf32> to vector<1xf32>
      %squeeze3A_2185 = vector.extract %slice3A_2184[0] : f32 from vector<1xf32>
      %slice3A_2186 = vector.extract_strided_slice %get3A_2149 {offsets = [13], sizes = [1], strides = [1]} : vector<16xf32> to vector<1xf32>
      %squeeze3A_2187 = vector.extract %slice3A_2186[0] : f32 from vector<1xf32>
      %add3A_2188 = arith.addf %squeeze3A_2185, %squeeze3A_2187 : f32
      %slice3A_2189 = vector.extract_strided_slice %get3A_2149 {offsets = [14], sizes = [1], strides = [1]} : vector<16xf32> to vector<1xf32>
      %squeeze3A_2190 = vector.extract %slice3A_2189[0] : f32 from vector<1xf32>
      %slice3A_2191 = vector.extract_strided_slice %get3A_2149 {offsets = [15], sizes = [1], strides = [1]} : vector<16xf32> to vector<1xf32>
      %squeeze3A_2192 = vector.extract %slice3A_2191[0] : f32 from vector<1xf32>
      %add3A_2193 = arith.addf %squeeze3A_2190, %squeeze3A_2192 : f32
      %add3A_2194 = arith.addf %add3A_2188, %add3A_2193 : f32
      %add3A_2195 = arith.addf %add3A_2183, %add3A_2194 : f32
      %add3A_2196 = arith.addf %add3A_2172, %add3A_2195 : f32
      %sub3A_2197 = arith.constant 1.600000e+00 : f32
      %sub3A_2198 = arith.subf %add3A_2196, %sub3A_2197 : f32
      %mul3A = arith.constant 4.88519785E-4 : f32
      %mul3A_2199 = arith.mulf %sub3A_2198, %mul3A : f32
      %broadcast_in_dim3A_2200 = arith.constant 0.000000e+00 : f32
      %broadcast_in_dim3A_2201 = vector.broadcast %broadcast_in_dim3A_2200 : f32 to vector<16xf32>
      %add3A_2202 = vector.broadcast %mul3A_2199 : f32 to vector<16xf32>
      %add3A_2203 = arith.addf %broadcast_in_dim3A_2201, %add3A_2202 : vector<16xf32>
      %swap3A_2204 = arith.constant 0 : index
      %swap3A_2205 = tpu.vector_load %arg11[%swap3A_2204] {strides = array<i32>} : memref<16xf32, #tpu.memory_space<vmem>>, vector<16xf32>,
      %swap3A_2206 = vector.shape_cast %swap3A_2205 : vector<16xf32> to vector<16xf32>
      %swap3A_2207 = vector.shape_cast %add3A_2203 : vector<16xf32> to vector<16xf32>
      tpu.vector_store %arg11[%swap3A_2204], %swap3A_2207 {strides = array<i32>} : memref<16xf32, #tpu.memory_space<vmem>>, vector<16xf32>,
      "tpu.region"() ({
        %run_scoped3A_2208 = tpu.sem_alloc : memref<!tpu.dma_semaphore, #tpu.memory_space<semaphore_mem>>
        tpu.enqueue_dma source(%arg11 : memref<16xf32, #tpu.memory_space<vmem>>) target(%arg4 : memref<16xf32, #tpu.memory_space<hbm>>) target_semaphore(%run_scoped3A_2208 : memref<!tpu.dma_semaphore, #tpu.memory_space<semaphore_mem>>)
        tpu.wait_dma2 semaphore(%run_scoped3A_2208 : memref<!tpu.dma_semaphore, #tpu.memory_space<semaphore_mem>>) src(%arg11 : memref<16xf32, #tpu.memory_space<vmem>>) dst(%arg4 : memref<16xf32, #tpu.memory_space<hbm>>)
        tpu.yield
      }) : () -> ()
    } else {
    }
    return
  }
}

</mosaic_0001>

<sc_bundles>
// kernel: self_margin_loss_sc.3.cloned.1.call-start
scs
__scs_entry_jumppad:
0x0: {  	(pc) =	sbr.rel $0x88, $3  }
0x1: {  	(tag) =	ssettag $0x0;
	lr =	simm.s32 $0x1  }
0x2: {  	[smem:$0x3F9F] =	sst lr;
	_ =	strace $0xD0000000  }
0x3: {  	_ = 	snop  }
0x4: {  	_ = 	snop  }
0x5: {  	_ = 	snop  }
0x6: {  	_ = 	snop  }
0x7: {  	_ = 	snop  }
__scs_overlays_trampoline_lowered:
0x8: {  	[smem:$0x3FAE] =	sst s0  }
0x9: {  	[smem:$0x3FAF] =	sst s1  }
0xa: {  	[smem:$0x3FB0] =	sst s2  }
0xb: {  	[smem:$0x3FB1] =	sst s3  }
0xc: {  	[smem:$0x3FB2] =	sst s4  }
0xd: {  	[smem:$0x3FB3] =	sst s5  }
0xe: {  	[smem:$0x3FB4] =	sst s6  }
0xf: {  	[smem:$0x3FB5] =	sst s7  }
0x10: {  	[smem:$0x3FB6] =	sst s8  }
0x11: {  	[smem:$0x3FB7] =	sst s9;
	s0 =	simm.s32 @!p0 $0x0  }
0x12: {  	s1 =	sld [smem:$0x3F9D];
	s0 =	simm.s32 @p0 $0x1  }
0x13: {  	[smem:$0x3FB8] =	sst s0;
	s0 =	simm.s32 @!p1 $0x0  }
0x14: {  	s2 =	sld [smem:$0x3F9C];
	s0 =	simm.s32 @p1 $0x1  }
0x15: {  	[smem:$0x3FB9] =	sst s0;
	s0 =	simm.s32 @!p2 $0x0  }
0x16: {  	s3 =	sld [smem:$0x3FDB];
	s0 =	simm.s32 @p2 $0x1  }
0x17: {  	s4 =	simm.s32 $0x1BF5;
	[smem:$0x3FBB] =	sst s0  }
0x18: {  	s0 =	sld [smem:$0x3F9E];
	_ =	swait.ge [sflag:s4], $0x0  }
0x19: {  	s7 =	sld [smem:$0x3F9F]  }
0x1a: {  	s8 =	sadd.s32 $0xFFFFE003, lr  }
0x1b: {  	s9 =	sadd.s32 $0xFFFFFEF7, lr;
	s5 =	simm.s32 $0xFFFFFFFF;
	p2 =	slt.u32 s8, $0xFFFFF086  }
0x1c: {  	p1 =	slt.u32 s9, $0xF7A;
	s5 =	simm.s32 @!p2 $0x0  }
0x1d: {  	s5 =	simm.s32 @p1 $0x1;
	p0 =	seq.s32 s7, s2  }
0x1e: {  	s7 =	smul.u32 @!p0 $0xF7A, s2;
	p2 =	seq.s32 @!p0 s5, $0x0  }
0x1f: {  	s9 =	smul.u32 $0xF7A, s1;
	s8 =	simm.s32 @!p0 $0x1BF5;
	p2 =	por !p2, p0  }
0x20: {  	[sflag:s8] =	ssyncset.s32 @!p0 $0xFFFFF086;
	s6 =	sadd.s32 @!p0 s3, s7;
	s7 =	simm.s32 @!p0 $0x108  }
0x21: {  	s3 =	sadd.s32 s3, s9;
	s6 =	sadd.s32 @!p0 $0x88, s6;
	s7 =	simm.s32 @p2 $0x1082  }
0x22: {  	[simem:s7], [sflag:s8] =	dma.local @!p0 [hbm:s6], $0xF7A  }
0x23: {  	s9 =	sor.u32 $0xD0000000, s2;
	s6 =	simm.s32 $0x108;
	_ =	swait.ge @!p0 [sflag:s8], $0x0  }
0x24: {  	s3 =	sadd.s32 $0x88, s3;
	s6 =	simm.s32 @!p1 $0x1082;
	[sflag:s4] =	ssyncset.s32 $0xFFFFF086  }
0x25: {  	[simem:s6], [sflag:s4] =	dma.local [hbm:s3], $0xF7A  }
0x26: {  	[smem:$0x3F9F] =	sst s1;
	(tag) =	ssettag s2;
	_ =	strace s9  }
0x27: {  	s1 =	sld [smem:$0x3FAF]  }
0x28: {  	s2 =	sld [smem:$0x3FB0]  }
0x29: {  	s4 =	sld [smem:$0x3FB2]  }
0x2a: {  	p0 =	seq.s32 s5, $0x0;
	s5 =	sld [smem:$0x3FB3]  }
0x2b: {  	s6 =	sld [smem:$0x3FB4]  }
0x2c: {  	s7 =	sld [smem:$0x3FB5]  }
0x2d: {  	s3 =	simm.s32 $0x108;
	s8 =	sld [smem:$0x3FB6]  }
0x2e: {  	s3 =	simm.s32 @!p0 $0x1082;
	s9 =	sld [smem:$0x3FB7]  }
0x2f: {  	lr =	sadd.s32 s0, s3;
	s0 =	sld [smem:$0x3FAE]  }
0x30: {  	s3 =	sld [smem:$0x3FB1]  }
0x31: {  	[smem:$0x3FBA] =	sst s10  }
0x32: {  	s10 =	sld [smem:$0x3FB8];
	_ =	sdelay $0x3  }
0x33: {  	p0 =	seq.s32 s10, $0x1;
	s10 =	sld [smem:$0x3FBA];
	_ =	sdelay $0x3  }
0x34: {  	[smem:$0x3FBA] =	sst s10  }
0x35: {  	s10 =	sld [smem:$0x3FB9];
	_ =	sdelay $0x3  }
0x36: {  	p1 =	seq.s32 s10, $0x1;
	s10 =	sld [smem:$0x3FBA];
	_ =	sdelay $0x3  }
0x37: {  	[smem:$0x3FBA] =	sst s10  }
0x38: {  	s10 =	sld [smem:$0x3FBB]  }
0x39: {  	_ = 	snop;
	(pc) =	sbr.ind lr, $3  }
0x3a: {  	_ = 	snop  }
0x3b: {  	_ = 	snop  }
0x3c: {  	p2 =	seq.s32 s10, $0x1;
	s10 =	sld [smem:$0x3FBA]  }
0x3d: {  	_ =	shalt  }
0x3e: {  	_ =	shalt  }
0x3f: {  	_ =	shalt  }
0x40: {  	_ =	shalt  }
0x41: {  	_ =	shalt  }
0x42: {  	_ =	shalt  }
0x43: {  	_ =	shalt  }
0x44: {  	_ =	shalt  }
0x45: {  	_ =	shalt  }
0x46: {  	_ =	shalt  }
0x47: {  	_ =	shalt  }
0x48: {  	_ =	shalt  }
0x49: {  	_ =	shalt  }
0x4a: {  	_ =	shalt  }
0x4b: {  	_ =	shalt  }
0x4c: {  	_ =	shalt  }
0x4d: {  	_ =	shalt  }
0x4e: {  	_ =	shalt  }
0x4f: {  	_ =	shalt  }
0x50: {  	_ =	shalt  }
0x51: {  	_ =	shalt  }
0x52: {  	_ =	shalt  }
0x53: {  	_ =	shalt  }
0x54: {  	_ =	shalt  }
0x55: {  	_ =	shalt  }
0x56: {  	_ =	shalt  }
0x57: {  	_ =	shalt  }
0x58: {  	_ =	shalt  }
0x59: {  	_ =	shalt  }
0x5a: {  	_ =	shalt  }
0x5b: {  	_ =	shalt  }
0x5c: {  	_ =	shalt  }
0x5d: {  	_ =	shalt  }
0x5e: {  	_ =	shalt  }
0x5f: {  	_ =	shalt  }
0x60: {  	_ =	shalt  }
0x61: {  	_ =	shalt  }
0x62: {  	_ =	shalt  }
0x63: {  	_ =	shalt  }
0x64: {  	_ =	shalt  }
0x65: {  	_ =	shalt  }
0x66: {  	_ =	shalt  }
0x67: {  	_ =	shalt  }
0x68: {  	_ =	shalt  }
0x69: {  	_ =	shalt  }
0x6a: {  	_ =	shalt  }
0x6b: {  	_ =	shalt  }
0x6c: {  	_ =	shalt  }
0x6d: {  	_ =	shalt  }
0x6e: {  	_ =	shalt  }
0x6f: {  	_ =	shalt  }
0x70: {  	_ =	shalt  }
0x71: {  	_ =	shalt  }
0x72: {  	_ =	shalt  }
0x73: {  	_ =	shalt  }
0x74: {  	_ =	shalt  }
0x75: {  	_ =	shalt  }
0x76: {  	_ =	shalt  }
0x77: {  	_ =	shalt  }
0x78: {  	_ =	shalt  }
0x79: {  	_ =	shalt  }
0x7a: {  	_ =	shalt  }
0x7b: {  	_ =	shalt  }
0x7c: {  	_ =	shalt  }
0x7d: {  	_ =	shalt  }
0x7e: {  	_ =	shalt  }
0x7f: {  	_ =	shalt  }
0x80: {  	_ =	shalt  }
0x81: {  	_ =	shalt  }
0x82: {  	_ =	shalt  }
0x83: {  	_ =	shalt  }
0x84: {  	_ =	shalt  }
0x85: {  	_ =	shalt  }
0x86: {  	_ =	shalt  }
0x87: {  	_ =	shalt  }
.Lfunc_end0:
.L_simem_size_0:
called_computation_lowered:
.L_overlay_start_0:
0x88: {  	s0 =	sld [smem:$0x3FD9]  }
0x89: {  	s1 =	sld [smem:$0x3FFE];
	_ =	sdelay $0x3  }
0x8a: {  	s0 =	sadd.s32 s1, s0  }
0x8b: {  	[smem:$0x3FC6] =	sst s0  }
0x8c: {  	_ = 	snop  }
0x8d: {  	s0 =	sld [smem:$0x3FC9]  }
0x8e: {  	s17 =	sld [smem:$0x3FC8]  }
0x8f: {  	s2 =	sld [smem:$0x3FD0];
	(tm) =	ssettm $0x1  }
0x90: {  	s3 =	sld [smem:$0x3FFB];
	_ =	sdelay $0x3  }
0x91: {  	_ =	strace s3  }
0x92: {  	s3 =	sld [smem:$0x3FFC];
	_ =	sdelay $0x3  }
0x93: {  	_ =	strace s3  }
0x94: {  	s3 =	sld [smem:$0x3FFD];
	_ =	sdelay $0x3  }
0x95: {  	_ =	strace s3  }
0x96: {  	_ =	strace $0x8FFFFFFF  }
0x97: {  	s18 =	sld [smem:$0x3FDB];
	_ =	sdelay $0x1  }
0x98: {  	s4 =	simm.s32 $_scs_section_size  }
0x99: {  	s5 =	simm.s32 $_size__tile_overlayer_lowered;
	s6 =	simm.s32 $_tile_overlayer_lowered  }
0x9a: {  	s21 =	simm.s32 $0x1BFF;
	s20 =	sshll.u32 s6, $0x1;
	s3 =	sadd.s32 s4, s18  }
0x9b: {  	s7 =	simm.s32 $0x0;
	s19 =	sshll.u32 s5, $0x1;
	s5 =	sadd.s32 s20, s3  }
0x9c: {  	[timem:s7], [sflag:s21] =	dma.local [hbm:s5], s19  }
0x9d: {  	_ =	swait.ge [sflag:s21], s19  }
0x9e: {  	s4 =	ssub.s32 $0x0, s19;
	[sflag:s21] =	ssyncset.done $0x0  }
0x9f: {  	[sflag:s21] =	ssyncadd.s32 s4;
	_ =	sdelay $0x1  }
0xa0: {  	s22 =	simm.s32 $0x1B8B  }
0xa1: {  	_ =	swait.ge [sflag:s22], $0x1  }
0xa2: {  	[sflag:s22] =	ssyncset.done $0x0  }
0xa3: {  	s23 =	simm.s32 $0x1B8E;
	[sflag:s22] =	ssyncadd.s32 $0xFFFFFFFF  }
0xa4: {  	s24 =	simm.s32 $execute0_lowered;
	[smem:$0x3FD2] =	sst s23  }
0xa5: {  	s4 =	sshll.u32 s24, $0x1;
	_ =	strace $0x80000046;
	[dreg:$0x1] =	wrdreg $0xFFFFFFFF  }
0xa6: {  	s25 =	simm.s32 $_size_execute0_lowered;
	s3 =	sadd.s32 s3, s4;
	[dreg:$0x0] =	wrdreg $0x0  }
0xa7: {  	s4 =	sshll.u32 s25, $0x1;
	[dreg:$0x2] =	wrdreg s3  }
0xa8: {  	[dreg:$0x3] =	wrdreg s4  }
0xa9: {  	[dreg:$0x4] =	wrdreg $0xC0  }
0xaa: {  	_ =	task [dreg:s7], $0x5FFFF  }
0xab: {  	[dreg:$0x1] =	wrdreg $0xFFFFFFFF  }
0xac: {  	[dreg:$0x0] =	wrdreg $0x60  }
0xad: {  	[dreg:$0x2] =	wrdreg s0  }
0xae: {  	[dreg:$0x3] =	wrdreg s17  }
0xaf: {  	[dreg:$0x4] =	wrdreg s2  }
0xb0: {  	[dreg:$0x5] =	wrdreg $0x11000  }
0xb1: {  	[dreg:$0x6] =	wrdreg $0x9  }
0xb2: {  	_ =	task.clear_ibuf [dreg:s7], $0x7FFFF;
	_ =	strace $0x90000046  }
0xb3: {  	s26 =	simm.s32 $0x9;
	_ =	strace $0x80000048  }
0xb4: {  	_ =	swait.ge [sflag:s26], $0x1  }
0xb5: {  	[sflag:s26] =	ssyncadd.s32 $0xFFFFFFFF  }
0xb6: {  	_ =	strace $0x90000048  }
0xb7: {  	_ =	sfence  }
0xb8: {  	s28 =	sld [smem:$0x0];
	_ =	sdelay $0x1  }
0xb9: {  	s29 =	srdreg.scid  }
0xba: {  	s30 =	sshll.u32 s29, $0xD;
	s31 =	sshrl.u32 s29, $0x2  }
0xbb: {  	s1 =	sand.u32 $0x1, s29;
	s2 =	sand.u32 $0x4000, s30;
	s0 =	sadd.s32 s31, s28  }
0xbc: {  	s1 =	sor.u32 s2, s1;
	s0 =	sshll.u32 s0, $0x11  }
0xbd: {  	s0 =	sor.u32 s0, s1  }
0xbe: {  	s0 =	sadd.s32 $0x8F2B, s0  }
0xbf: {  	[sflag:s0] =	ssyncadd.remote.s32 $0x1  }
0xc0: {  	_ =	sfence.sel $0xFFFF  }
0xc1: {  	[dreg:$0x0] =	wrdreg $0xFFFFFFFF;
	(pc) =	sbr.abs _section_cstart, $3  }
0xc2: {  	[dreg:$0x1] =	wrdreg $0xFFFFFFFF  }
0xc3: {  	_ =	task.clear_ibuf [dreg:s7], $0x2FFFF;
	_ =	strace $0x9FFFFFFF  }
0xc4: {  	(tm) =	ssettm $0x7FFFFFFF  }
0xc5: {  	_ =	shalt  }
tec
execute0_lowered:
.L_overlay_start_1:
0x0: {  	(tag) =	ssettag $0x1  }
0x1: {  	s4 =	rddreg [dreg:$0x0]  }
0x2: {  	s6 =	rddreg [dreg:$0x1]  }
0x3: {  	s1 =	rddreg [dreg:$0x2];
	s5 =	stileid.u32  }
0x4: {  	s3 =	rddreg [dreg:$0x3];
	s7 =	sshll.u32 s5, $0x8;
	s8 =	sshll.u32 s5, $0x4  }
0x5: {  	s0 =	rddreg [dreg:$0x4];
	s2 =	simm.s32 $0x0;
	s7 =	sor.u32 s8, s7  }
0x6: {  	s19 =	simm.s32 $0x400;
	[smem:$0x7FF] =	sst s2;
	s7 =	sand.u32 $0x870, s7  }
0x7: {  	_ =	strace $0x80000047;
	s7 =	sadd.s32 s6, s7;
	s6 =	simm.s32 $0x80  }
0x8: {  	[tilespmem:s2], [sflag:$0x2] =	stream.strided.gather [hbm4b:s7+s6], $0x200, s19, s6, $0x38;
	[tilespmem:$0x1208] =	vst v63  }
0x9: {  	s10 =	simm.s32 $0x200;
	s9 =	sadd.s32 $0x200, s7  }
0xa: {  	[tilespmem:s10], [sflag:$0x2] =	stream.strided.gather [hbm4b:s9+s6], $0x200, s19, s6, $0x38;
	[tilespmem:$0x1208] =	vst v63  }
0xb: {  	s20 =	sadd.s32 $0x400, s7  }
0xc: {  	[tilespmem:s19], [sflag:$0x2] =	stream.strided.gather [hbm4b:s20+s6], $0x200, s19, s6, $0x38;
	[tilespmem:$0x1208] =	vst v63  }
0xd: {  	s21 =	simm.s32 $0x2;
	s7 =	sadd.s32 $0x600, s7;
	s9 =	simm.s32 $0x600  }
0xe: {  	[tilespmem:s9], [sflag:$0x2] =	stream.strided.gather [hbm4b:s7+s6], $0x200, s19, s6, $0x38;
	[tilespmem:$0x1208] =	vst v63  }
0xf: {  	_ =	swait.ge [sflag:s21], $0x200  }
0x10: {  	[sflag:s21] =	ssyncset.done $0x0  }
0x11: {  	s11 =	simm.s32 $0x800;
	[sflag:s21] =	ssyncadd.s32 $0xFFFFFE00  }
0x12: {  	[tilespmem:s11], [sflag:$0x1] =	stream.indirect.gather [hbm4b:s4+s6], $0x1, s2, s6, $0xb8;
	[tilespmem:$0x1208] =	vst v63  }
0x13: {  	s22 =	simm.s32 $0x880  }
0x14: {  	[tilespmem:s22], [sflag:$0x1] =	stream.indirect.gather [hbm4b:s4+s6], $0x1, s6, s6, $0xb8;
	[tilespmem:$0x1208] =	vst v63  }
0x15: {  	s23 =	simm.s32 $0x100;
	s12 =	simm.s32 $0x900  }
0x16: {  	[tilespmem:s12], [sflag:$0x1] =	stream.indirect.gather [hbm4b:s4+s6], $0x1, s23, s6, $0xb8;
	[tilespmem:$0x1208] =	vst v63  }
0x17: {  	s24 =	simm.s32 $0x180;
	s25 =	simm.s32 $0x980  }
0x18: {  	[tilespmem:s25], [sflag:$0x1] =	stream.indirect.gather [hbm4b:s4+s6], $0x1, s24, s6, $0xb8;
	[tilespmem:$0x1208] =	vst v63  }
0x19: {  	_ =	swait.ge [sflag:s21], $0x200  }
0x1a: {  	[sflag:s21] =	ssyncset.done $0x0  }
0x1b: {  	s26 =	simm.s32 $0xA00;
	[sflag:s21] =	ssyncadd.s32 $0xFFFFFE00  }
0x1c: {  	[tilespmem:s26], [sflag:$0x1] =	stream.indirect.gather [hbm4b:s4+s6], $0x1, s10, s6, $0xb8;
	[tilespmem:$0x1208] =	vst v63  }
0x1d: {  	s28 =	simm.s32 $0x280;
	s29 =	simm.s32 $0xA80  }
0x1e: {  	[tilespmem:s29], [sflag:$0x1] =	stream.indirect.gather [hbm4b:s4+s6], $0x1, s28, s6, $0xb8;
	[tilespmem:$0x1208] =	vst v63  }
0x1f: {  	s30 =	simm.s32 $0x300;
	s31 =	simm.s32 $0xB00  }
0x20: {  	[tilespmem:s31], [sflag:$0x1] =	stream.indirect.gather [hbm4b:s4+s6], $0x1, s30, s6, $0xb8;
	[tilespmem:$0x1208] =	vst v63  }
0x21: {  	s13 =	simm.s32 $0xB80;
	s12 =	simm.s32 $0x380  }
0x22: {  	[tilespmem:s13], [sflag:$0x1] =	stream.indirect.gather [hbm4b:s4+s6], $0x1, s12, s6, $0xb8;
	[tilespmem:$0x1208] =	vst v63  }
0x23: {  	_ =	swait.ge [sflag:s21], $0x200  }
0x24: {  	[sflag:s21] =	ssyncset.done $0x0  }
0x25: {  	s14 =	simm.s32 $0xC00;
	[sflag:s21] =	ssyncadd.s32 $0xFFFFFE00  }
0x26: {  	[tilespmem:s14], [sflag:$0x1] =	stream.indirect.gather [hbm4b:s4+s6], $0x1, s19, s6, $0xb8;
	[tilespmem:$0x1208] =	vst v63  }
0x27: {  	s15 =	simm.s32 $0x480;
	s16 =	simm.s32 $0xC80  }
0x28: {  	[tilespmem:s16], [sflag:$0x1] =	stream.indirect.gather [hbm4b:s4+s6], $0x1, s15, s6, $0xb8;
	[tilespmem:$0x1208] =	vst v63  }
0x29: {  	s17 =	simm.s32 $0x500;
	s18 =	simm.s32 $0xD00  }
0x2a: {  	[tilespmem:s18], [sflag:$0x1] =	stream.indirect.gather [hbm4b:s4+s6], $0x1, s17, s6, $0xb8;
	[tilespmem:$0x1208] =	vst v63  }
0x2b: {  	s20 =	simm.s32 $0xD80;
	s19 =	simm.s32 $0x580  }
0x2c: {  	[tilespmem:s20], [sflag:$0x1] =	stream.indirect.gather [hbm4b:s4+s6], $0x1, s19, s6, $0xb8;
	[tilespmem:$0x1208] =	vst v63  }
0x2d: {  	_ =	swait.ge [sflag:s21], $0x200  }
0x2e: {  	[sflag:s21] =	ssyncset.done $0x0  }
0x2f: {  	[sflag:s21] =	ssyncadd.s32 $0xFFFFFE00;
	s21 =	simm.s32 $0xE00  }
0x30: {  	[tilespmem:s21], [sflag:$0x1] =	stream.indirect.gather [hbm4b:s4+s6], $0x1, s9, s6, $0xb8;
	[tilespmem:$0x1208] =	vst v63  }
0x31: {  	s22 =	simm.s32 $0x680;
	s23 =	simm.s32 $0xE80  }
0x32: {  	[tilespmem:s23], [sflag:$0x1] =	stream.indirect.gather [hbm4b:s4+s6], $0x1, s22, s6, $0xb8;
	[tilespmem:$0x1208] =	vst v63  }
0x33: {  	s24 =	simm.s32 $0x700;
	s25 =	simm.s32 $0xF00  }
0x34: {  	[tilespmem:s25], [sflag:$0x1] =	stream.indirect.gather [hbm4b:s4+s6], $0x1, s24, s6, $0xb8;
	[tilespmem:$0x1208] =	vst v63  }
0x35: {  	p0 =	sne.s32 s5, $0x0;
	s26 =	simm.s32 $0x780;
	s28 =	simm.s32 $0xF80  }
0x36: {  	v0 =	vimm.s32 $0x0;
	[tilespmem:s28], [sflag:$0x1] =	stream.indirect.gather [hbm4b:s4+s6], $0x1, s26, s6, $0xb8;
	[tilespmem:$0x1208] =	vst v63  }
0x37: {  	[tilespmem:$0x1080] =	vst v0;
	v0 =	vimm.f32 @!p0 $0.0e+00  }
0x38: {  	s4 =	simm.s32 @!p0 $0x1188;
	[tilespmem:$0x1188] =	vst @!p0 v0  }
0x39: {  	[spmem:s3] =	stream.linear.scatter @!p0 [tilespmem:s4], [sflag:$0x3], $0x80, $0x38;
	[tilespmem:$0x1208] =	vst v63  }
0x3a: {  	s4 =	simm.s32 @!p0 $0x3  }
0x3b: {  	_ =	swait.ge @!p0 [sflag:s4], $0x80  }
0x3c: {  	[sflag:s4] =	ssyncset.done @!p0 $0x0  }
0x3d: {  	s29 =	simm.s32 $0x1;
	[sflag:s4] =	ssyncadd.s32 @!p0 $0xFFFFFF80  }
0x3e: {  	_ =	swait.ge [sflag:s29], $0x80  }
0x3f: {  	[sflag:s29] =	ssyncset.done $0x0  }
0x40: {  	[sflag:s29] =	ssyncadd.s32 $0xFFFFFF80  }
0x41: {  	v1 =	vld [tilespmem:$0x800];
	_ =	sdelay $0x1  }
0x42: {  	v2 =	vld [tilespmem:$0x810]  }
0x43: {  	v3 =	vld [tilespmem:$0x820];
	_ =	sdelay $0x1  }
0x44: {  	v4 =	vld [tilespmem:$0x830];
	v0 =	vbroadcast v1, $0x0;
	_ =	sdelay $0x1  }
0x45: {  	v1 =	vsub.f32 v1, v0;
	v2 =	vsub.f32 v2, v0  }
0x46: {  	v5 =	vld [tilespmem:$0x840];
	v3 =	vsub.f32 v3, v0  }
0x47: {  	v1 =	vadd.f32 $1.000000010e-01, v1;
	v2 =	vadd.f32 $1.000000010e-01, v2  }
0x48: {  	v6 =	vld [tilespmem:$0x850];
	v4 =	vsub.f32 v4, v0  }
0x49: {  	v3 =	vadd.f32 $1.000000010e-01, v3;
	v1 =	vmax.f32 v1, $0.0e+00;
	v2 =	vmax.f32 v2, $0.0e+00  }
0x4a: {  	v7 =	vld [tilespmem:$0x860];
	v1 =	vadd.f32 v2, v1  }
0x4b: {  	v18 =	vld [tilespmem:$0x870];
	_ =	swait.ge [sflag:s29], $0x80;
	v5 =	vsub.f32 v5, v0;
	v4 =	vadd.f32 $1.000000010e-01, v4;
	v3 =	vmax.f32 v3, $0.0e+00  }
0x4c: {  	[sflag:s29] =	ssyncset.done $0x0;
	v1 =	vadd.f32 v3, v1  }
0x4d: {  	[sflag:s29] =	ssyncadd.s32 $0xFFFFFF80;
	v21 =	vsub.f32 v6, v0;
	v20 =	vadd.f32 $1.000000010e-01, v5;
	v19 =	vmax.f32 v4, $0.0e+00  }
0x4e: {  	v22 =	vld [tilespmem:$0x880];
	v1 =	vadd.f32 v19, v1  }
0x4f: {  	v23 =	vsub.f32 v7, v0;
	v5 =	vadd.f32 $1.000000010e-01, v21;
	v4 =	vmax.f32 v20, $0.0e+00  }
0x50: {  	v24 =	vld [tilespmem:$0x890];
	v1 =	vadd.f32 v4, v1  }
0x51: {  	v6 =	vadd.f32 $1.000000010e-01, v23;
	v5 =	vmax.f32 v5, $0.0e+00;
	v2 =	vsub.f32 v18, v0  }
0x52: {  	v25 =	vld [tilespmem:$0x8A0];
	v1 =	vadd.f32 v5, v1  }
0x53: {  	v6 =	vmax.f32 v6, $0.0e+00;
	v2 =	vadd.f32 $1.000000010e-01, v2;
	v3 =	vsub.f32 v22, v0  }
0x54: {  	v26 =	vld [tilespmem:$0x8B0];
	v1 =	vadd.f32 v6, v1  }
0x55: {  	v2 =	vmax.f32 v2, $0.0e+00;
	v3 =	vadd.f32 $1.000000010e-01, v3;
	v4 =	vsub.f32 v24, v0  }
0x56: {  	v27 =	vld [tilespmem:$0x8C0];
	v1 =	vadd.f32 v2, v1  }
0x57: {  	v3 =	vmax.f32 v3, $0.0e+00;
	v4 =	vadd.f32 $1.000000010e-01, v4;
	v5 =	vsub.f32 v25, v0  }
0x58: {  	v28 =	vld [tilespmem:$0x8D0];
	v1 =	vadd.f32 v3, v1  }
0x59: {  	v4 =	vmax.f32 v4, $0.0e+00;
	v5 =	vadd.f32 $1.000000010e-01, v5;
	v6 =	vsub.f32 v26, v0  }
0x5a: {  	v29 =	vld [tilespmem:$0x8E0];
	v1 =	vadd.f32 v4, v1  }
0x5b: {  	v30 =	vld [tilespmem:$0x8F0];
	_ =	swait.ge [sflag:s29], $0x80;
	v5 =	vmax.f32 v5, $0.0e+00;
	v6 =	vadd.f32 $1.000000010e-01, v6;
	v2 =	vsub.f32 v27, v0  }
0x5c: {  	[sflag:s29] =	ssyncset.done $0x0;
	v1 =	vadd.f32 v5, v1  }
0x5d: {  	[sflag:s29] =	ssyncadd.s32 $0xFFFFFF80;
	v31 =	vmax.f32 v6, $0.0e+00;
	v2 =	vadd.f32 $1.000000010e-01, v2;
	v3 =	vsub.f32 v28, v0  }
0x5e: {  	v32 =	vld [tilespmem:$0x900];
	v1 =	vadd.f32 v31, v1  }
0x5f: {  	v33 =	vsub.f32 v29, v0;
	v2 =	vmax.f32 v2, $0.0e+00;
	v3 =	vadd.f32 $1.000000010e-01, v3  }
0x60: {  	v34 =	vld [tilespmem:$0x910];
	v1 =	vadd.f32 v2, v1  }
0x61: {  	v6 =	vadd.f32 $1.000000010e-01, v33;
	v4 =	vsub.f32 v30, v0;
	v3 =	vmax.f32 v3, $0.0e+00  }
0x62: {  	v35 =	vld [tilespmem:$0x920];
	v1 =	vadd.f32 v3, v1  }
0x63: {  	v6 =	vmax.f32 v6, $0.0e+00;
	v4 =	vadd.f32 $1.000000010e-01, v4;
	v5 =	vsub.f32 v32, v0  }
0x64: {  	v36 =	vld [tilespmem:$0x930];
	v1 =	vadd.f32 v6, v1  }
0x65: {  	v4 =	vmax.f32 v4, $0.0e+00;
	v5 =	vadd.f32 $1.000000010e-01, v5;
	v2 =	vsub.f32 v34, v0  }
0x66: {  	v37 =	vld [tilespmem:$0x940];
	v1 =	vadd.f32 v4, v1  }
0x67: {  	v5 =	vmax.f32 v5, $0.0e+00;
	v2 =	vadd.f32 $1.000000010e-01, v2;
	v3 =	vsub.f32 v35, v0  }
0x68: {  	v38 =	vld [tilespmem:$0x950];
	v1 =	vadd.f32 v5, v1  }
0x69: {  	v2 =	vmax.f32 v2, $0.0e+00;
	v3 =	vadd.f32 $1.000000010e-01, v3;
	v6 =	vsub.f32 v36, v0  }
0x6a: {  	v39 =	vld [tilespmem:$0x960];
	v1 =	vadd.f32 v2, v1  }
0x6b: {  	v40 =	vld [tilespmem:$0x970];
	_ =	swait.ge [sflag:s29], $0x80;
	v3 =	vmax.f32 v3, $0.0e+00;
	v6 =	vadd.f32 $1.000000010e-01, v6;
	v4 =	vsub.f32 v37, v0  }
0x6c: {  	[sflag:s29] =	ssyncset.done $0x0;
	v1 =	vadd.f32 v3, v1  }
0x6d: {  	[sflag:s29] =	ssyncadd.s32 $0xFFFFFF80;
	v41 =	vmax.f32 v6, $0.0e+00;
	v4 =	vadd.f32 $1.000000010e-01, v4;
	v5 =	vsub.f32 v38, v0  }
0x6e: {  	v42 =	vld [tilespmem:$0x980];
	v1 =	vadd.f32 v41, v1  }
0x6f: {  	v43 =	vsub.f32 v39, v0;
	v4 =	vmax.f32 v4, $0.0e+00;
	v5 =	vadd.f32 $1.000000010e-01, v5  }
0x70: {  	v44 =	vld [tilespmem:$0x990];
	v1 =	vadd.f32 v4, v1  }
0x71: {  	v6 =	vadd.f32 $1.000000010e-01, v43;
	v2 =	vsub.f32 v40, v0;
	v5 =	vmax.f32 v5, $0.0e+00  }
0x72: {  	v45 =	vld [tilespmem:$0x9A0];
	v1 =	vadd.f32 v5, v1  }
0x73: {  	v6 =	vmax.f32 v6, $0.0e+00;
	v2 =	vadd.f32 $1.000000010e-01, v2;
	v3 =	vsub.f32 v42, v0  }
0x74: {  	v46 =	vld [tilespmem:$0x9B0];
	v1 =	vadd.f32 v6, v1  }
0x75: {  	v2 =	vmax.f32 v2, $0.0e+00;
	v3 =	vadd.f32 $1.000000010e-01, v3;
	v4 =	vsub.f32 v44, v0  }
0x76: {  	v47 =	vld [tilespmem:$0x9C0];
	v1 =	vadd.f32 v2, v1  }
0x77: {  	v3 =	vmax.f32 v3, $0.0e+00;
	v4 =	vadd.f32 $1.000000010e-01, v4;
	v5 =	vsub.f32 v45, v0  }
0x78: {  	v48 =	vld [tilespmem:$0x9D0];
	v1 =	vadd.f32 v3, v1  }
0x79: {  	v4 =	vmax.f32 v4, $0.0e+00;
	v5 =	vadd.f32 $1.000000010e-01, v5;
	v6 =	vsub.f32 v46, v0  }
0x7a: {  	v49 =	vld [tilespmem:$0x9E0];
	v1 =	vadd.f32 v4, v1  }
0x7b: {  	v50 =	vld [tilespmem:$0x9F0];
	_ =	swait.ge [sflag:s29], $0x80;
	v5 =	vmax.f32 v5, $0.0e+00;
	v6 =	vadd.f32 $1.000000010e-01, v6;
	v2 =	vsub.f32 v47, v0  }
0x7c: {  	[sflag:s29] =	ssyncset.done $0x0;
	v1 =	vadd.f32 v5, v1  }
0x7d: {  	[sflag:s29] =	ssyncadd.s32 $0xFFFFFF80;
	v51 =	vmax.f32 v6, $0.0e+00;
	v2 =	vadd.f32 $1.000000010e-01, v2;
	v3 =	vsub.f32 v48, v0  }
0x7e: {  	v52 =	vld [tilespmem:$0xA00];
	v1 =	vadd.f32 v51, v1  }
0x7f: {  	v53 =	vsub.f32 v49, v0;
	v2 =	vmax.f32 v2, $0.0e+00;
	v3 =	vadd.f32 $1.000000010e-01, v3  }
0x80: {  	v54 =	vld [tilespmem:$0xA10];
	v1 =	vadd.f32 v2, v1  }
0x81: {  	v6 =	vadd.f32 $1.000000010e-01, v53;
	v4 =	vsub.f32 v50, v0;
	v3 =	vmax.f32 v3, $0.0e+00  }
0x82: {  	v55 =	vld [tilespmem:$0xA20];
	v1 =	vadd.f32 v3, v1  }
0x83: {  	v6 =	vmax.f32 v6, $0.0e+00;
	v4 =	vadd.f32 $1.000000010e-01, v4;
	v5 =	vsub.f32 v52, v0  }
0x84: {  	v56 =	vld [tilespmem:$0xA30];
	v1 =	vadd.f32 v6, v1  }
0x85: {  	v4 =	vmax.f32 v4, $0.0e+00;
	v5 =	vadd.f32 $1.000000010e-01, v5;
	v2 =	vsub.f32 v54, v0  }
0x86: {  	v57 =	vld [tilespmem:$0xA40];
	v1 =	vadd.f32 v4, v1  }
0x87: {  	v5 =	vmax.f32 v5, $0.0e+00;
	v2 =	vadd.f32 $1.000000010e-01, v2;
	v3 =	vsub.f32 v55, v0  }
0x88: {  	v58 =	vld [tilespmem:$0xA50];
	v1 =	vadd.f32 v5, v1  }
0x89: {  	v2 =	vmax.f32 v2, $0.0e+00;
	v3 =	vadd.f32 $1.000000010e-01, v3;
	v6 =	vsub.f32 v56, v0  }
0x8a: {  	v59 =	vld [tilespmem:$0xA60];
	v1 =	vadd.f32 v2, v1  }
0x8b: {  	v60 =	vld [tilespmem:$0xA70];
	_ =	swait.ge [sflag:s29], $0x80;
	v3 =	vmax.f32 v3, $0.0e+00;
	v6 =	vadd.f32 $1.000000010e-01, v6;
	v4 =	vsub.f32 v57, v0  }
0x8c: {  	[sflag:s29] =	ssyncset.done $0x0;
	v1 =	vadd.f32 v3, v1  }
0x8d: {  	[sflag:s29] =	ssyncadd.s32 $0xFFFFFF80;
	v61 =	vmax.f32 v6, $0.0e+00;
	v4 =	vadd.f32 $1.000000010e-01, v4;
	v5 =	vsub.f32 v58, v0  }
0x8e: {  	v62 =	vld [tilespmem:$0xA80];
	v1 =	vadd.f32 v61, v1  }
0x8f: {  	v63 =	vsub.f32 v59, v0;
	v4 =	vmax.f32 v4, $0.0e+00;
	v5 =	vadd.f32 $1.000000010e-01, v5  }
0x90: {  	v9 =	vld [tilespmem:$0xA90];
	v1 =	vadd.f32 v4, v1  }
0x91: {  	v6 =	vadd.f32 $1.000000010e-01, v63;
	v2 =	vsub.f32 v60, v0;
	v5 =	vmax.f32 v5, $0.0e+00  }
0x92: {  	v10 =	vld [tilespmem:$0xAA0];
	v1 =	vadd.f32 v5, v1  }
0x93: {  	v6 =	vmax.f32 v6, $0.0e+00;
	v2 =	vadd.f32 $1.000000010e-01, v2;
	v3 =	vsub.f32 v62, v0  }
0x94: {  	v11 =	vld [tilespmem:$0xAB0];
	v1 =	vadd.f32 v6, v1  }
0x95: {  	v2 =	vmax.f32 v2, $0.0e+00;
	v3 =	vadd.f32 $1.000000010e-01, v3;
	v4 =	vsub.f32 v9, v0  }
0x96: {  	v12 =	vld [tilespmem:$0xAC0];
	v1 =	vadd.f32 v2, v1  }
0x97: {  	v3 =	vmax.f32 v3, $0.0e+00;
	v4 =	vadd.f32 $1.000000010e-01, v4;
	v5 =	vsub.f32 v10, v0  }
0x98: {  	v13 =	vld [tilespmem:$0xAD0];
	v1 =	vadd.f32 v3, v1  }
0x99: {  	v4 =	vmax.f32 v4, $0.0e+00;
	v5 =	vadd.f32 $1.000000010e-01, v5;
	v6 =	vsub.f32 v11, v0  }
0x9a: {  	v14 =	vld [tilespmem:$0xAE0];
	v1 =	vadd.f32 v4, v1  }
0x9b: {  	v15 =	vld [tilespmem:$0xAF0];
	_ =	swait.ge [sflag:s29], $0x80;
	v5 =	vmax.f32 v5, $0.0e+00;
	v6 =	vadd.f32 $1.000000010e-01, v6;
	v2 =	vsub.f32 v12, v0  }
0x9c: {  	[sflag:s29] =	ssyncset.done $0x0;
	v1 =	vadd.f32 v5, v1  }
0x9d: {  	[sflag:s29] =	ssyncadd.s32 $0xFFFFFF80;
	v16 =	vmax.f32 v6, $0.0e+00;
	v2 =	vadd.f32 $1.000000010e-01, v2;
	v3 =	vsub.f32 v13, v0  }
0x9e: {  	v17 =	vld [tilespmem:$0xB00];
	v1 =	vadd.f32 v16, v1  }
0x9f: {  	v18 =	vsub.f32 v14, v0;
	v2 =	vmax.f32 v2, $0.0e+00;
	v3 =	vadd.f32 $1.000000010e-01, v3  }
0xa0: {  	v19 =	vld [tilespmem:$0xB10];
	v1 =	vadd.f32 v2, v1  }
0xa1: {  	v6 =	vadd.f32 $1.000000010e-01, v18;
	v4 =	vsub.f32 v15, v0;
	v3 =	vmax.f32 v3, $0.0e+00  }
0xa2: {  	v20 =	vld [tilespmem:$0xB20];
	v1 =	vadd.f32 v3, v1  }
0xa3: {  	v6 =	vmax.f32 v6, $0.0e+00;
	v4 =	vadd.f32 $1.000000010e-01, v4;
	v5 =	vsub.f32 v17, v0  }
0xa4: {  	v21 =	vld [tilespmem:$0xB30];
	v1 =	vadd.f32 v6, v1  }
0xa5: {  	v4 =	vmax.f32 v4, $0.0e+00;
	v5 =	vadd.f32 $1.000000010e-01, v5;
	v2 =	vsub.f32 v19, v0  }
0xa6: {  	v22 =	vld [tilespmem:$0xB40];
	v1 =	vadd.f32 v4, v1  }
0xa7: {  	v5 =	vmax.f32 v5, $0.0e+00;
	v2 =	vadd.f32 $1.000000010e-01, v2;
	v3 =	vsub.f32 v20, v0  }
0xa8: {  	v23 =	vld [tilespmem:$0xB50];
	v1 =	vadd.f32 v5, v1  }
0xa9: {  	v2 =	vmax.f32 v2, $0.0e+00;
	v3 =	vadd.f32 $1.000000010e-01, v3;
	v6 =	vsub.f32 v21, v0  }
0xaa: {  	v24 =	vld [tilespmem:$0xB60];
	v1 =	vadd.f32 v2, v1  }
0xab: {  	v25 =	vld [tilespmem:$0xB70];
	_ =	swait.ge [sflag:s29], $0x80;
	v3 =	vmax.f32 v3, $0.0e+00;
	v6 =	vadd.f32 $1.000000010e-01, v6;
	v4 =	vsub.f32 v22, v0  }
0xac: {  	[sflag:s29] =	ssyncset.done $0x0;
	v1 =	vadd.f32 v3, v1  }
0xad: {  	[sflag:s29] =	ssyncadd.s32 $0xFFFFFF80;
	v26 =	vmax.f32 v6, $0.0e+00;
	v4 =	vadd.f32 $1.000000010e-01, v4;
	v5 =	vsub.f32 v23, v0  }
0xae: {  	v27 =	vld [tilespmem:$0xB80];
	v1 =	vadd.f32 v26, v1  }
0xaf: {  	v28 =	vsub.f32 v24, v0;
	v4 =	vmax.f32 v4, $0.0e+00;
	v5 =	vadd.f32 $1.000000010e-01, v5  }
0xb0: {  	v29 =	vld [tilespmem:$0xB90];
	v1 =	vadd.f32 v4, v1  }
0xb1: {  	v6 =	vadd.f32 $1.000000010e-01, v28;
	v2 =	vsub.f32 v25, v0;
	v5 =	vmax.f32 v5, $0.0e+00  }
0xb2: {  	v30 =	vld [tilespmem:$0xBA0];
	v1 =	vadd.f32 v5, v1  }
0xb3: {  	v6 =	vmax.f32 v6, $0.0e+00;
	v2 =	vadd.f32 $1.000000010e-01, v2;
	v3 =	vsub.f32 v27, v0  }
0xb4: {  	v31 =	vld [tilespmem:$0xBB0];
	v1 =	vadd.f32 v6, v1  }
0xb5: {  	v2 =	vmax.f32 v2, $0.0e+00;
	v3 =	vadd.f32 $1.000000010e-01, v3;
	v4 =	vsub.f32 v29, v0  }
0xb6: {  	v32 =	vld [tilespmem:$0xBC0];
	v1 =	vadd.f32 v2, v1  }
0xb7: {  	v3 =	vmax.f32 v3, $0.0e+00;
	v4 =	vadd.f32 $1.000000010e-01, v4;
	v5 =	vsub.f32 v30, v0  }
0xb8: {  	v33 =	vld [tilespmem:$0xBD0];
	v1 =	vadd.f32 v3, v1  }
0xb9: {  	v4 =	vmax.f32 v4, $0.0e+00;
	v5 =	vadd.f32 $1.000000010e-01, v5;
	v6 =	vsub.f32 v31, v0  }
0xba: {  	v34 =	vld [tilespmem:$0xBE0];
	v1 =	vadd.f32 v4, v1  }
0xbb: {  	v35 =	vld [tilespmem:$0xBF0];
	_ =	swait.ge [sflag:s29], $0x80;
	v5 =	vmax.f32 v5, $0.0e+00;
	v6 =	vadd.f32 $1.000000010e-01, v6;
	v2 =	vsub.f32 v32, v0  }
0xbc: {  	[sflag:s29] =	ssyncset.done $0x0;
	v1 =	vadd.f32 v5, v1  }
0xbd: {  	[sflag:s29] =	ssyncadd.s32 $0xFFFFFF80;
	v36 =	vmax.f32 v6, $0.0e+00;
	v2 =	vadd.f32 $1.000000010e-01, v2;
	v3 =	vsub.f32 v33, v0  }
0xbe: {  	v37 =	vld [tilespmem:$0xC00];
	v1 =	vadd.f32 v36, v1  }
0xbf: {  	v38 =	vsub.f32 v34, v0;
	v2 =	vmax.f32 v2, $0.0e+00;
	v3 =	vadd.f32 $1.000000010e-01, v3  }
0xc0: {  	v39 =	vld [tilespmem:$0xC10];
	v1 =	vadd.f32 v2, v1  }
0xc1: {  	v6 =	vadd.f32 $1.000000010e-01, v38;
	v4 =	vsub.f32 v35, v0;
	v3 =	vmax.f32 v3, $0.0e+00  }
0xc2: {  	v40 =	vld [tilespmem:$0xC20];
	v1 =	vadd.f32 v3, v1  }
0xc3: {  	v6 =	vmax.f32 v6, $0.0e+00;
	v4 =	vadd.f32 $1.000000010e-01, v4;
	v5 =	vsub.f32 v37, v0  }
0xc4: {  	v41 =	vld [tilespmem:$0xC30];
	v1 =	vadd.f32 v6, v1  }
0xc5: {  	v4 =	vmax.f32 v4, $0.0e+00;
	v5 =	vadd.f32 $1.000000010e-01, v5;
	v2 =	vsub.f32 v39, v0  }
0xc6: {  	v42 =	vld [tilespmem:$0xC40];
	v1 =	vadd.f32 v4, v1  }
0xc7: {  	v5 =	vmax.f32 v5, $0.0e+00;
	v2 =	vadd.f32 $1.000000010e-01, v2;
	v3 =	vsub.f32 v40, v0  }
0xc8: {  	v43 =	vld [tilespmem:$0xC50];
	v1 =	vadd.f32 v5, v1  }
0xc9: {  	v2 =	vmax.f32 v2, $0.0e+00;
	v3 =	vadd.f32 $1.000000010e-01, v3;
	v6 =	vsub.f32 v41, v0  }
0xca: {  	v44 =	vld [tilespmem:$0xC60];
	v1 =	vadd.f32 v2, v1  }
0xcb: {  	v45 =	vld [tilespmem:$0xC70];
	_ =	swait.ge [sflag:s29], $0x80;
	v3 =	vmax.f32 v3, $0.0e+00;
	v6 =	vadd.f32 $1.000000010e-01, v6;
	v4 =	vsub.f32 v42, v0  }
0xcc: {  	[sflag:s29] =	ssyncset.done $0x0;
	v1 =	vadd.f32 v3, v1  }
0xcd: {  	[sflag:s29] =	ssyncadd.s32 $0xFFFFFF80;
	v46 =	vmax.f32 v6, $0.0e+00;
	v4 =	vadd.f32 $1.000000010e-01, v4;
	v5 =	vsub.f32 v43, v0  }
0xce: {  	v47 =	vld [tilespmem:$0xC80];
	v1 =	vadd.f32 v46, v1  }
0xcf: {  	v48 =	vsub.f32 v44, v0;
	v4 =	vmax.f32 v4, $0.0e+00;
	v5 =	vadd.f32 $1.000000010e-01, v5  }
0xd0: {  	v49 =	vld [tilespmem:$0xC90];
	v1 =	vadd.f32 v4, v1  }
0xd1: {  	v6 =	vadd.f32 $1.000000010e-01, v48;
	v2 =	vsub.f32 v45, v0;
	v5 =	vmax.f32 v5, $0.0e+00  }
0xd2: {  	v50 =	vld [tilespmem:$0xCA0];
	v1 =	vadd.f32 v5, v1  }
0xd3: {  	v6 =	vmax.f32 v6, $0.0e+00;
	v2 =	vadd.f32 $1.000000010e-01, v2;
	v3 =	vsub.f32 v47, v0  }
0xd4: {  	v51 =	vld [tilespmem:$0xCB0];
	v1 =	vadd.f32 v6, v1  }
0xd5: {  	v2 =	vmax.f32 v2, $0.0e+00;
	v3 =	vadd.f32 $1.000000010e-01, v3;
	v4 =	vsub.f32 v49, v0  }
0xd6: {  	v52 =	vld [tilespmem:$0xCC0];
	v1 =	vadd.f32 v2, v1  }
0xd7: {  	v3 =	vmax.f32 v3, $0.0e+00;
	v4 =	vadd.f32 $1.000000010e-01, v4;
	v5 =	vsub.f32 v50, v0  }
0xd8: {  	v53 =	vld [tilespmem:$0xCD0];
	v1 =	vadd.f32 v3, v1  }
0xd9: {  	v4 =	vmax.f32 v4, $0.0e+00;
	v5 =	vadd.f32 $1.000000010e-01, v5;
	v6 =	vsub.f32 v51, v0  }
0xda: {  	v54 =	vld [tilespmem:$0xCE0];
	v1 =	vadd.f32 v4, v1  }
0xdb: {  	v55 =	vld [tilespmem:$0xCF0];
	_ =	swait.ge [sflag:s29], $0x80;
	v5 =	vmax.f32 v5, $0.0e+00;
	v6 =	vadd.f32 $1.000000010e-01, v6;
	v2 =	vsub.f32 v52, v0  }
0xdc: {  	[sflag:s29] =	ssyncset.done $0x0;
	v1 =	vadd.f32 v5, v1  }
0xdd: {  	[sflag:s29] =	ssyncadd.s32 $0xFFFFFF80;
	v56 =	vmax.f32 v6, $0.0e+00;
	v2 =	vadd.f32 $1.000000010e-01, v2;
	v3 =	vsub.f32 v53, v0  }
0xde: {  	v57 =	vld [tilespmem:$0xD00];
	v1 =	vadd.f32 v56, v1  }
0xdf: {  	v58 =	vsub.f32 v54, v0;
	v2 =	vmax.f32 v2, $0.0e+00;
	v3 =	vadd.f32 $1.000000010e-01, v3  }
0xe0: {  	v59 =	vld [tilespmem:$0xD10];
	v1 =	vadd.f32 v2, v1  }
0xe1: {  	v6 =	vadd.f32 $1.000000010e-01, v58;
	v4 =	vsub.f32 v55, v0;
	v3 =	vmax.f32 v3, $0.0e+00  }
0xe2: {  	v60 =	vld [tilespmem:$0xD20];
	v1 =	vadd.f32 v3, v1  }
0xe3: {  	v6 =	vmax.f32 v6, $0.0e+00;
	v4 =	vadd.f32 $1.000000010e-01, v4;
	v5 =	vsub.f32 v57, v0  }
0xe4: {  	v61 =	vld [tilespmem:$0xD30];
	v1 =	vadd.f32 v6, v1  }
0xe5: {  	v4 =	vmax.f32 v4, $0.0e+00;
	v5 =	vadd.f32 $1.000000010e-01, v5;
	v2 =	vsub.f32 v59, v0  }
0xe6: {  	v62 =	vld [tilespmem:$0xD40];
	v1 =	vadd.f32 v4, v1  }
0xe7: {  	v5 =	vmax.f32 v5, $0.0e+00;
	v2 =	vadd.f32 $1.000000010e-01, v2;
	v3 =	vsub.f32 v60, v0  }
0xe8: {  	v63 =	vld [tilespmem:$0xD50];
	v1 =	vadd.f32 v5, v1  }
0xe9: {  	v2 =	vmax.f32 v2, $0.0e+00;
	v3 =	vadd.f32 $1.000000010e-01, v3;
	v6 =	vsub.f32 v61, v0  }
0xea: {  	v9 =	vld [tilespmem:$0xD60];
	v1 =	vadd.f32 v2, v1  }
0xeb: {  	v10 =	vld [tilespmem:$0xD70];
	_ =	swait.ge [sflag:s29], $0x80;
	v3 =	vmax.f32 v3, $0.0e+00;
	v6 =	vadd.f32 $1.000000010e-01, v6;
	v4 =	vsub.f32 v62, v0  }
0xec: {  	[sflag:s29] =	ssyncset.done $0x0;
	v1 =	vadd.f32 v3, v1  }
0xed: {  	[sflag:s29] =	ssyncadd.s32 $0xFFFFFF80;
	v11 =	vmax.f32 v6, $0.0e+00;
	v4 =	vadd.f32 $1.000000010e-01, v4;
	v5 =	vsub.f32 v63, v0  }
0xee: {  	v12 =	vld [tilespmem:$0xD80];
	v1 =	vadd.f32 v11, v1  }
0xef: {  	v13 =	vsub.f32 v9, v0;
	v4 =	vmax.f32 v4, $0.0e+00;
	v5 =	vadd.f32 $1.000000010e-01, v5  }
0xf0: {  	v14 =	vld [tilespmem:$0xD90];
	v1 =	vadd.f32 v4, v1  }
0xf1: {  	v6 =	vadd.f32 $1.000000010e-01, v13;
	v2 =	vsub.f32 v10, v0;
	v5 =	vmax.f32 v5, $0.0e+00  }
0xf2: {  	v15 =	vld [tilespmem:$0xDA0];
	v1 =	vadd.f32 v5, v1  }
0xf3: {  	v6 =	vmax.f32 v6, $0.0e+00;
	v2 =	vadd.f32 $1.000000010e-01, v2;
	v3 =	vsub.f32 v12, v0  }
0xf4: {  	v16 =	vld [tilespmem:$0xDB0];
	v1 =	vadd.f32 v6, v1  }
0xf5: {  	v2 =	vmax.f32 v2, $0.0e+00;
	v3 =	vadd.f32 $1.000000010e-01, v3;
	v4 =	vsub.f32 v14, v0  }
0xf6: {  	v17 =	vld [tilespmem:$0xDC0];
	v1 =	vadd.f32 v2, v1  }
0xf7: {  	v3 =	vmax.f32 v3, $0.0e+00;
	v4 =	vadd.f32 $1.000000010e-01, v4;
	v5 =	vsub.f32 v15, v0  }
0xf8: {  	v18 =	vld [tilespmem:$0xDD0];
	v1 =	vadd.f32 v3, v1  }
0xf9: {  	v4 =	vmax.f32 v4, $0.0e+00;
	v5 =	vadd.f32 $1.000000010e-01, v5;
	v6 =	vsub.f32 v16, v0  }
0xfa: {  	v19 =	vld [tilespmem:$0xDE0];
	v1 =	vadd.f32 v4, v1  }
0xfb: {  	v20 =	vld [tilespmem:$0xDF0];
	_ =	swait.ge [sflag:s29], $0x80;
	v5 =	vmax.f32 v5, $0.0e+00;
	v6 =	vadd.f32 $1.000000010e-01, v6;
	v2 =	vsub.f32 v17, v0  }
0xfc: {  	[sflag:s29] =	ssyncset.done $0x0;
	v1 =	vadd.f32 v5, v1  }
0xfd: {  	[sflag:s29] =	ssyncadd.s32 $0xFFFFFF80;
	v21 =	vmax.f32 v6, $0.0e+00;
	v2 =	vadd.f32 $1.000000010e-01, v2;
	v3 =	vsub.f32 v18, v0  }
0xfe: {  	v22 =	vld [tilespmem:$0xE00];
	v1 =	vadd.f32 v21, v1  }
0xff: {  	v23 =	vsub.f32 v19, v0;
	v2 =	vmax.f32 v2, $0.0e+00;
	v3 =	vadd.f32 $1.000000010e-01, v3  }
0x100: {  	v24 =	vld [tilespmem:$0xE10];
	v1 =	vadd.f32 v2, v1  }
0x101: {  	v6 =	vadd.f32 $1.000000010e-01, v23;
	v4 =	vsub.f32 v20, v0;
	v3 =	vmax.f32 v3, $0.0e+00  }
0x102: {  	v25 =	vld [tilespmem:$0xE20];
	v1 =	vadd.f32 v3, v1  }
0x103: {  	v6 =	vmax.f32 v6, $0.0e+00;
	v4 =	vadd.f32 $1.000000010e-01, v4;
	v5 =	vsub.f32 v22, v0  }
0x104: {  	v26 =	vld [tilespmem:$0xE30];
	v1 =	vadd.f32 v6, v1  }
0x105: {  	v4 =	vmax.f32 v4, $0.0e+00;
	v5 =	vadd.f32 $1.000000010e-01, v5;
	v2 =	vsub.f32 v24, v0  }
0x106: {  	v27 =	vld [tilespmem:$0xE40];
	v1 =	vadd.f32 v4, v1  }
0x107: {  	v5 =	vmax.f32 v5, $0.0e+00;
	v2 =	vadd.f32 $1.000000010e-01, v2;
	v3 =	vsub.f32 v25, v0  }
0x108: {  	v28 =	vld [tilespmem:$0xE50];
	v1 =	vadd.f32 v5, v1  }
0x109: {  	v2 =	vmax.f32 v2, $0.0e+00;
	v3 =	vadd.f32 $1.000000010e-01, v3;
	v6 =	vsub.f32 v26, v0  }
0x10a: {  	v29 =	vld [tilespmem:$0xE60];
	v1 =	vadd.f32 v2, v1  }
0x10b: {  	v30 =	vld [tilespmem:$0xE70];
	_ =	swait.ge [sflag:s29], $0x80;
	v3 =	vmax.f32 v3, $0.0e+00;
	v6 =	vadd.f32 $1.000000010e-01, v6;
	v4 =	vsub.f32 v27, v0  }
0x10c: {  	[sflag:s29] =	ssyncset.done $0x0;
	v1 =	vadd.f32 v3, v1  }
0x10d: {  	[sflag:s29] =	ssyncadd.s32 $0xFFFFFF80;
	v31 =	vmax.f32 v6, $0.0e+00;
	v4 =	vadd.f32 $1.000000010e-01, v4;
	v5 =	vsub.f32 v28, v0  }
0x10e: {  	v32 =	vld [tilespmem:$0xE80];
	v1 =	vadd.f32 v31, v1  }
0x10f: {  	v33 =	vsub.f32 v29, v0;
	v4 =	vmax.f32 v4, $0.0e+00;
	v5 =	vadd.f32 $1.000000010e-01, v5  }
0x110: {  	v34 =	vld [tilespmem:$0xE90];
	v1 =	vadd.f32 v4, v1  }
0x111: {  	v6 =	vadd.f32 $1.000000010e-01, v33;
	v2 =	vsub.f32 v30, v0;
	v5 =	vmax.f32 v5, $0.0e+00  }
0x112: {  	v35 =	vld [tilespmem:$0xEA0];
	v1 =	vadd.f32 v5, v1  }
0x113: {  	v6 =	vmax.f32 v6, $0.0e+00;
	v2 =	vadd.f32 $1.000000010e-01, v2;
	v3 =	vsub.f32 v32, v0  }
0x114: {  	v36 =	vld [tilespmem:$0xEB0];
	v1 =	vadd.f32 v6, v1  }
0x115: {  	v2 =	vmax.f32 v2, $0.0e+00;
	v3 =	vadd.f32 $1.000000010e-01, v3;
	v4 =	vsub.f32 v34, v0  }
0x116: {  	v37 =	vld [tilespmem:$0xEC0];
	v1 =	vadd.f32 v2, v1  }
0x117: {  	v3 =	vmax.f32 v3, $0.0e+00;
	v4 =	vadd.f32 $1.000000010e-01, v4;
	v5 =	vsub.f32 v35, v0  }
0x118: {  	v38 =	vld [tilespmem:$0xED0];
	v1 =	vadd.f32 v3, v1  }
0x119: {  	v4 =	vmax.f32 v4, $0.0e+00;
	v5 =	vadd.f32 $1.000000010e-01, v5;
	v6 =	vsub.f32 v36, v0  }
0x11a: {  	v39 =	vld [tilespmem:$0xEE0];
	v1 =	vadd.f32 v4, v1  }
0x11b: {  	v40 =	vld [tilespmem:$0xEF0];
	_ =	swait.ge [sflag:s29], $0x80;
	v5 =	vmax.f32 v5, $0.0e+00;
	v6 =	vadd.f32 $1.000000010e-01, v6;
	v2 =	vsub.f32 v37, v0  }
0x11c: {  	[sflag:s29] =	ssyncset.done $0x0;
	v1 =	vadd.f32 v5, v1  }
0x11d: {  	[sflag:s29] =	ssyncadd.s32 $0xFFFFFF80;
	v41 =	vmax.f32 v6, $0.0e+00;
	v2 =	vadd.f32 $1.000000010e-01, v2;
	v3 =	vsub.f32 v38, v0  }
0x11e: {  	v42 =	vld [tilespmem:$0xF00];
	v1 =	vadd.f32 v41, v1  }
0x11f: {  	v43 =	vsub.f32 v39, v0;
	v2 =	vmax.f32 v2, $0.0e+00;
	v3 =	vadd.f32 $1.000000010e-01, v3  }
0x120: {  	v44 =	vld [tilespmem:$0xF10];
	v1 =	vadd.f32 v2, v1  }
0x121: {  	v6 =	vadd.f32 $1.000000010e-01, v43;
	v4 =	vsub.f32 v40, v0;
	v3 =	vmax.f32 v3, $0.0e+00  }
0x122: {  	v45 =	vld [tilespmem:$0xF20];
	v1 =	vadd.f32 v3, v1  }
0x123: {  	v6 =	vmax.f32 v6, $0.0e+00;
	v4 =	vadd.f32 $1.000000010e-01, v4;
	v5 =	vsub.f32 v42, v0  }
0x124: {  	v46 =	vld [tilespmem:$0xF30];
	v1 =	vadd.f32 v6, v1  }
0x125: {  	v4 =	vmax.f32 v4, $0.0e+00;
	v5 =	vadd.f32 $1.000000010e-01, v5;
	v2 =	vsub.f32 v44, v0  }
0x126: {  	v47 =	vld [tilespmem:$0xF40];
	v1 =	vadd.f32 v4, v1  }
0x127: {  	v5 =	vmax.f32 v5, $0.0e+00;
	v2 =	vadd.f32 $1.000000010e-01, v2;
	v3 =	vsub.f32 v45, v0  }
0x128: {  	v48 =	vld [tilespmem:$0xF50];
	v1 =	vadd.f32 v5, v1  }
0x129: {  	v2 =	vmax.f32 v2, $0.0e+00;
	v3 =	vadd.f32 $1.000000010e-01, v3;
	v6 =	vsub.f32 v46, v0  }
0x12a: {  	v49 =	vld [tilespmem:$0xF60];
	v1 =	vadd.f32 v2, v1  }
0x12b: {  	v50 =	vld [tilespmem:$0xF70];
	_ =	swait.ge [sflag:s29], $0x80;
	v3 =	vmax.f32 v3, $0.0e+00;
	v6 =	vadd.f32 $1.000000010e-01, v6;
	v4 =	vsub.f32 v47, v0  }
0x12c: {  	[sflag:s29] =	ssyncset.done $0x0;
	v1 =	vadd.f32 v3, v1  }
0x12d: {  	[sflag:s29] =	ssyncadd.s32 $0xFFFFFF80;
	v51 =	vmax.f32 v6, $0.0e+00;
	v4 =	vadd.f32 $1.000000010e-01, v4;
	v5 =	vsub.f32 v48, v0  }
0x12e: {  	v52 =	vld [tilespmem:$0xF80];
	v1 =	vadd.f32 v51, v1  }
0x12f: {  	v53 =	vsub.f32 v49, v0;
	v4 =	vmax.f32 v4, $0.0e+00;
	v5 =	vadd.f32 $1.000000010e-01, v5  }
0x130: {  	v54 =	vld [tilespmem:$0xF90];
	v1 =	vadd.f32 v4, v1  }
0x131: {  	v6 =	vadd.f32 $1.000000010e-01, v53;
	v2 =	vsub.f32 v50, v0;
	v5 =	vmax.f32 v5, $0.0e+00  }
0x132: {  	v55 =	vld [tilespmem:$0xFA0];
	v1 =	vadd.f32 v5, v1  }
0x133: {  	v6 =	vmax.f32 v6, $0.0e+00;
	v2 =	vadd.f32 $1.000000010e-01, v2;
	v3 =	vsub.f32 v52, v0  }
0x134: {  	v56 =	vld [tilespmem:$0xFB0];
	v1 =	vadd.f32 v6, v1  }
0x135: {  	v2 =	vmax.f32 v2, $0.0e+00;
	v3 =	vadd.f32 $1.000000010e-01, v3;
	v4 =	vsub.f32 v54, v0  }
0x136: {  	v57 =	vld [tilespmem:$0xFC0];
	v1 =	vadd.f32 v2, v1  }
0x137: {  	v3 =	vmax.f32 v3, $0.0e+00;
	v4 =	vadd.f32 $1.000000010e-01, v4;
	v5 =	vsub.f32 v55, v0  }
0x138: {  	v58 =	vld [tilespmem:$0xFD0];
	v1 =	vadd.f32 v3, v1  }
0x139: {  	v4 =	vmax.f32 v4, $0.0e+00;
	v5 =	vadd.f32 $1.000000010e-01, v5;
	v6 =	vsub.f32 v56, v0  }
0x13a: {  	v59 =	vld [tilespmem:$0xFE0];
	v1 =	vadd.f32 v4, v1  }
0x13b: {  	v5 =	vmax.f32 v5, $0.0e+00;
	v6 =	vadd.f32 $1.000000010e-01, v6;
	v2 =	vsub.f32 v57, v0  }
0x13c: {  	v60 =	vld [tilespmem:$0xFF0];
	v1 =	vadd.f32 v5, v1  }
0x13d: {  	v6 =	vmax.f32 v6, $0.0e+00;
	v2 =	vadd.f32 $1.000000010e-01, v2;
	v3 =	vsub.f32 v58, v0  }
0x13e: {  	v1 =	vadd.f32 v6, v1  }
0x13f: {  	v2 =	vmax.f32 v2, $0.0e+00;
	v3 =	vadd.f32 $1.000000010e-01, v3;
	v4 =	vsub.f32 v59, v0  }
0x140: {  	v1 =	vadd.f32 v2, v1  }
0x141: {  	v0 =	vsub.f32 v60, v0;
	v61 =	vmax.f32 v3, $0.0e+00;
	v62 =	vadd.f32 $1.000000010e-01, v4  }
0x142: {  	v1 =	vadd.f32 v61, v1  }
0x143: {  	v0 =	vadd.f32 $1.000000010e-01, v0;
	v63 =	vmax.f32 v62, $0.0e+00  }
0x144: {  	v1 =	vadd.f32 v63, v1  }
0x145: {  	v0 =	vmax.f32 v0, $0.0e+00  }
0x146: {  	v0 =	vadd.f32 v0, v1;
	_ =	sdelay $0x1  }
0x147: {  	s30 =	simm.s32 $0x1080;
	[tilespmem:$0x1000] =	vst v0  }
0x148: {  	s31 =	simm.s32 $0x1000;
	s4 =	simm.s32 $0x3;
	[bflag:$0x0] =	sbarrier.arrive $0xFFFF  }
0x149: {  	[spmem:s3] =	stream.indirect.scatter.add.f32 [tilespmem:s31], [sflag:$0x3], $0x10, s30, s29, $0xb8;
	[tilespmem:$0x1208] =	vst v63  }
0x14a: {  	_ =	swait.ge [sflag:s4], $0x10  }
0x14b: {  	[sflag:s4] =	ssyncset.done $0x0  }
0x14c: {  	[sflag:s4] =	ssyncadd.s32 $0xFFFFFFF0  }
0x14d: {  	[bflag:$0x0] =	sbarrier.arrive $0xFFFF  }
0x14e: {  	_ =	sfence.sel @p0 $0x180000  }
0x14f: {  	[bflag:$0x0] =	sbarrier.arrive @p0 $0xFFFF  }
0x150: {  	_ =	strace @p0 $0x90000047  }
0x151: {  	[bflag:$0x2] =	sbarrier.arrive @p0 $0xFFFF  }
0x152: {  	_ =	shalt @p0  }
.LBB2_1:
0x153: {  	s5 =	simm.s32 $0x1108  }
0x154: {  	[tilespmem:s5], [sflag:$0x3] =	stream.linear.gather [spmem:s3], $0x80, $0x38;
	[tilespmem:$0x1208] =	vst v63  }
0x155: {  	_ =	swait.ge [sflag:s4], $0x80  }
0x156: {  	[sflag:s4] =	ssyncset.done $0x0  }
0x157: {  	[sflag:s4] =	ssyncadd.s32 $0xFFFFFF80  }
0x158: {  	v0 =	vld [tilespmem:$0x1108];
	_ =	sdelay $0x4  }
0x159: {  	(v2sf) =	vpush v0, $0x0  }
0x15a: {  	(v2sf) =	vpush v0, $0x1  }
0x15b: {  	(v2sf) =	vpush v0, $0x2  }
0x15c: {  	(v2sf) =	vpush v0, $0x3  }
0x15d: {  	(v2sf) =	vpush v0, $0x4  }
0x15e: {  	(v2sf) =	vpush v0, $0x5  }
0x15f: {  	(v2sf) =	vpush v0, $0x6  }
0x160: {  	(v2sf) =	vpush v0, $0x7  }
0x161: {  	(v2sf) =	vpush v0, $0x8  }
0x162: {  	(v2sf) =	vpush v0, $0x9  }
0x163: {  	(v2sf) =	vpush v0, $0xA  }
0x164: {  	(v2sf) =	vpush v0, $0xB  }
0x165: {  	(v2sf) =	vpush v0, $0xC  }
0x166: {  	(v2sf) =	vpush v0, $0xD  }
0x167: {  	(v2sf) =	vpush v0, $0xE  }
0x168: {  	s17 =	spop (v2sf);
	(v2sf) =	vpush v0, $0xF  }
0x169: {  	s18 =	spop (v2sf)  }
0x16a: {  	s6 =	spop (v2sf)  }
0x16b: {  	s7 =	spop (v2sf)  }
0x16c: {  	s8 =	spop (v2sf)  }
0x16d: {  	s9 =	spop (v2sf)  }
0x16e: {  	s10 =	spop (v2sf)  }
0x16f: {  	s3 =	sadd.f32 s18, s17;
	s19 =	spop (v2sf)  }
0x170: {  	s6 =	sadd.f32 s7, s6;
	s20 =	spop (v2sf)  }
0x171: {  	s8 =	sadd.f32 s9, s8;
	s21 =	spop (v2sf)  }
0x172: {  	s5 =	sadd.f32 s19, s10;
	s22 =	spop (v2sf)  }
0x173: {  	s3 =	sadd.f32 s6, s3;
	s23 =	spop (v2sf)  }
0x174: {  	s5 =	sadd.f32 s5, s8;
	s24 =	spop (v2sf)  }
0x175: {  	s7 =	sadd.f32 s21, s20;
	s25 =	spop (v2sf)  }
0x176: {  	s6 =	sadd.f32 s23, s22;
	s26 =	spop (v2sf)  }
0x177: {  	s8 =	sadd.f32 s25, s24;
	s28 =	spop (v2sf)  }
0x178: {  	s9 =	sadd.f32 s28, s26  }
0x179: {  	s6 =	sadd.f32 s6, s7  }
0x17a: {  	s29 =	sadd.f32 s9, s8  }
0x17b: {  	s3 =	sadd.f32 s5, s3  }
0x17c: {  	s30 =	sadd.f32 s29, s6;
	_ =	sdelay $0x1  }
0x17d: {  	s3 =	sadd.f32 s30, s3;
	_ =	sdelay $0x1  }
0x17e: {  	s3 =	sadd.f32 $-1.600000020e+00, s3;
	_ =	sdelay $0x1  }
0x17f: {  	s3 =	smul.f32 $4.885197850e-04, s3;
	_ =	sdelay $0x1  }
0x180: {  	v63 =	vmov s3  }
0x181: {  	v0 =	vadd.f32 $0.0e+00, v63;
	_ =	sdelay $0x1  }
0x182: {  	v0 =	vbroadcast v0, $0x0;
	_ =	sdelay $0x1  }
0x183: {  	s31 =	simm.s32 $0x1188;
	[tilespmem:$0x1188] =	vst v0  }
0x184: {  	[hbm4b:s1+s2] =	stream.linear.scatter [tilespmem:s31], [sflag:$0x3], $0x80, $0x38;
	[tilespmem:$0x1208] =	vst v63  }
0x185: {  	_ =	swait.ge [sflag:s4], $0x80  }
0x186: {  	[sflag:s4] =	ssyncset.done $0x0  }
0x187: {  	[sflag:s4] =	ssyncadd.s32 $0xFFFFFF80  }
0x188: {  	_ =	sfence.sel $0x180000  }
0x189: {  	[bflag:$0x0] =	sbarrier.arrive $0xFFFF  }
0x18a: {  	_ =	strace $0x90000047  }
0x18b: {  	s0 =	sadd.s32 $0x100000, s0;
	[bflag:$0x2] =	sbarrier.arrive $0xFFFF  }
0x18c: {  	[sflag:s0] =	ssyncadd.tile.s32 $0x1;
	_ =	shalt  }
.Lfunc_end2:
_tile_overlayer_lowered:
.L_overlay_start_2:
0x18d: {  	(tag) =	ssettag $0x2  }
0x18e: {  	s0 =	rddreg [dreg:$0x0];
	s2 =	stileid.u32  }
0x18f: {  	s1 =	rddreg [dreg:$0x1];
	p0 =	sne.s32 s2, $0x0  }
0x190: {  	s3 =	rddreg [dreg:$0x2];
	[bflag:$0x3] =	sbarrier.arrive $0xFFFF;
	s2 =	simm.s32 @!p0 $0x1C03  }
0x191: {  	[timem:s3], [sflag:s2] =	dma.local @!p0 [hbm:s0], s1  }
0x192: {  	s0 =	simm.s32 @!p0 $0x3  }
0x193: {  	_ =	swait.ge @!p0 [sflag:s0], s1  }
0x194: {  	s1 =	ssub.s32 @!p0 $0x0, s1;
	[sflag:s0] =	ssyncset.done @!p0 $0x0  }
0x195: {  	[sflag:s0] =	ssyncadd.s32 @!p0 s1  }
0x196: {  	[bflag:$0x3] =	sbarrier.arrive $0xFFFF  }
0x197: {  	_ =	shalt  }

</sc_bundles>
